<compile_context>
chip_gen: v7x
topology: tpu7x:2x2x1
jax: 0.10.2.dev20260603
libtpu: 0.0.44.dev20260713+nightly
codegen_flags: <defaults>
</compile_context>

<pallas_src>
import dataclasses

import jax
import jax.numpy as jnp
from jax import lax
from jax.experimental import pallas as pl
from jax.experimental.pallas import tpu as pltpu
from jax.experimental.pallas import tpu_sc as plsc

CAP = 262144
D = 64
B = 64
TOPK = 4
THR = 0.1
EPS = 1e-8

KB = 8192
NSTEP = CAP // KB
CHUNK = 128
NCHUNK = CAP // CHUNK
CPS = KB // CHUNK
NCAND = TOPK * CHUNK

NEG_INF = float("-inf")
BIG_I32 = 1 << 30


def _normalize_rows(x):
    nrm = jnp.sqrt(jnp.sum(x * x, axis=1))
    return x / jnp.maximum(nrm, EPS)[:, None]


def _sims_bf16(kn, qn):
    return lax.dot_general(
        kn.astype(jnp.bfloat16), qn.astype(jnp.bfloat16),
        (((1,), (1,)), ((), ())), preferred_element_type=jnp.float32)



def _p1_body(q_ref, k_ref, cids_ref, acc_ref):
    i = pl.program_id(0)
    k = k_ref[...]
    kn = _normalize_rows(k)
    qn = _normalize_rows(q_ref[...])
    s = _sims_bf16(kn, qn)
    cm = jnp.max(s.reshape(CPS, CHUNK, B), axis=1)
    acc_ref[pl.ds(i * CPS, CPS), :] = cm

    @pl.when(i == NSTEP - 1)
    def _():
        a = acc_ref[...]
        rows = lax.broadcasted_iota(jnp.int32, (NCHUNK, B), 0)
        picks = []
        for _t in range(TOPK):
            m = jnp.max(a, axis=0)
            pick = jnp.min(jnp.where(a == m[None, :], rows, BIG_I32), axis=0)
            a = jnp.where(rows == pick[None, :], NEG_INF, a)
            picks.append(pick)
        picks += [jnp.zeros((B,), jnp.int32)] * 4
        cids_ref[...] = jnp.stack(picks, axis=0)


def _phase1(query, memory_keys):
    return pl.pallas_call(
        _p1_body,
        grid=(NSTEP,),
        in_specs=[
            pl.BlockSpec((B, D), lambda i: (0, 0)),
            pl.BlockSpec((KB, D), lambda i: (i, 0)),
        ],
        out_specs=pl.BlockSpec((8, B), lambda i: (0, 0)),
        out_shape=jax.ShapeDtypeStruct((8, B), jnp.int32),
        scratch_shapes=[pltpu.VMEM((NCHUNK, B), jnp.float32)],
    )(query, memory_keys)



RPS = 4
NP2 = B // RPS
CCH = RPS * TOPK


def _p2_body(ids_ref, q_ref, *refs):
    k_refs = refs[:CCH]
    tidx_ref, rsim_ref, valf_ref, rkeys_ref, s_ref = refs[CCH:]
    i = pl.program_id(0)
    kc = jnp.concatenate([r[...] for r in k_refs], axis=0)
    kn = _normalize_rows(kc)
    qn = _normalize_rows(q_ref[...])
    s_ref[...] = lax.dot_general(
        qn.astype(jnp.bfloat16), kn.astype(jnp.bfloat16),
        (((1,), (1,)), ((), ())), preferred_element_type=jnp.float32)

    lane = lax.broadcasted_iota(jnp.int32, (1, NCAND), 1)
    slot = lane >> 7
    offs = lane & (CHUNK - 1)
    picks_a, sims_a, vals_a, krows_a = [], [], [], []
    for r in range(RPS):
        val = s_ref[pl.ds(i * RPS + r, 1), pl.ds(r * NCAND, NCAND)]
        base = jnp.where(
            slot == 0, ids_ref[CCH * i + 4 * r],
            jnp.where(slot == 1, ids_ref[CCH * i + 4 * r + 1],
                      jnp.where(slot == 2, ids_ref[CCH * i + 4 * r + 2],
                                ids_ref[CCH * i + 4 * r + 3])))
        flat = base * CHUNK + offs
        kcr = kc[r * NCAND:(r + 1) * NCAND]

        mval = jnp.where(val >= THR, val, NEG_INF)
        picks, sims_o, vals_o, krows = [], [], [], []
        for _t in range(TOPK):
            m = jnp.max(mval)
            pick = jnp.min(jnp.where(mval == m, flat, BIG_I32))
            pick = jnp.where(m == NEG_INF, jnp.int32(0), pick)
            ok = m >= THR
            hit = jnp.logical_and(mval == m, flat == pick)
            mval = jnp.where(flat == pick, NEG_INF, mval)
            picks.append(pick)
            sims_o.append(jnp.where(ok, m, 0.0))
            vals_o.append(jnp.where(ok, 1.0, 0.0))
            selt = jnp.transpose(jnp.logical_and(hit, ok))
            krows.append(jnp.sum(jnp.where(selt, kcr, 0.0),
                                 axis=0, keepdims=True))
        picks_a.append(jnp.stack(picks).reshape(1, 1, TOPK))
        sims_a.append(jnp.stack(sims_o).reshape(1, 1, TOPK))
        vals_a.append(jnp.stack(vals_o).reshape(1, 1, TOPK))
        krows_a.append(jnp.concatenate(krows, axis=0).reshape(1, TOPK, D))
    tidx_ref[...] = jnp.concatenate(picks_a, axis=0)
    rsim_ref[...] = jnp.concatenate(sims_a, axis=0).astype(jnp.float32)
    valf_ref[...] = jnp.concatenate(vals_a, axis=0).astype(jnp.float32)
    rkeys_ref[...] = jnp.concatenate(krows_a, axis=0)


def _phase2(query, memory_keys, cids_flat):
    def mk_spec(j):
        return pl.BlockSpec((CHUNK, D), lambda i, ids, j=j: (ids[CCH * i + j], 0))

    grid_spec = pltpu.PrefetchScalarGridSpec(
        num_scalar_prefetch=1,
        grid=(NP2,),
        in_specs=[pl.BlockSpec((B, D), lambda i, ids: (0, 0))]
        + [mk_spec(j) for j in range(CCH)],
        out_specs=[
            pl.BlockSpec((RPS, 1, TOPK), lambda i, ids: (i, 0, 0)),
            pl.BlockSpec((RPS, 1, TOPK), lambda i, ids: (i, 0, 0)),
            pl.BlockSpec((RPS, 1, TOPK), lambda i, ids: (i, 0, 0)),
            pl.BlockSpec((RPS, TOPK, D), lambda i, ids: (i, 0, 0)),
        ],
        scratch_shapes=[pltpu.VMEM((B, CCH * CHUNK), jnp.float32)],
    )
    return pl.pallas_call(
        _p2_body,
        grid_spec=grid_spec,
        out_shape=[
            jax.ShapeDtypeStruct((B, 1, TOPK), jnp.int32),
            jax.ShapeDtypeStruct((B, 1, TOPK), jnp.float32),
            jax.ShapeDtypeStruct((B, 1, TOPK), jnp.float32),
            jax.ShapeDtypeStruct((B, TOPK, D), jnp.float32),
        ],
    )(cids_flat, query, *([memory_keys] * CCH))



RPV = 8
NPV = B // RPV
NRV = RPV * TOPK


def _p2v_body(ids_ref, *refs):
    v_refs = refs[:NRV]
    valf_ref, out_ref = refs[NRV:]
    rows = jnp.concatenate([r[0] for r in v_refs], axis=0)
    scale = jnp.transpose(valf_ref[...], (0, 2, 1))
    out_ref[...] = rows.reshape(RPV, TOPK, D) * scale


def _phase2v(memory_values, idx_flat, valf):
    vals3 = memory_values.reshape(CAP, 1, D)

    def mk_spec(j):
        return pl.BlockSpec((1, 1, D),
                            lambda i, ids, j=j: (ids[NRV * i + j], 0, 0))

    grid_spec = pltpu.PrefetchScalarGridSpec(
        num_scalar_prefetch=1,
        grid=(NPV,),
        in_specs=[mk_spec(j) for j in range(NRV)]
        + [pl.BlockSpec((RPV, 1, TOPK), lambda i, ids: (i, 0, 0))],
        out_specs=[pl.BlockSpec((RPV, TOPK, D), lambda i, ids: (i, 0, 0))],
    )
    return pl.pallas_call(
        _p2v_body,
        grid_spec=grid_spec,
        out_shape=[jax.ShapeDtypeStruct((B, TOPK, D), jnp.float32)],
    )(idx_flat, *([vals3] * NRV), valf)[0]




NSLOT = B * TOPK
SPW = NSLOT // 16
UROWS = CAP // 16
CROWS = UROWS // 16


def _extractf(vec, j, iota16):
    return jnp.sum(jnp.where(iota16 == j, vec, 0.0))


def _extracti(vec, j, iota16):
    return jnp.sum(jnp.where(iota16 == j, vec, 0))


def _p3_body(usage_hbm, idx_hbm, valid_hbm, uout_hbm,
             myidx_v, rowid_v, myval_v, urows_v, oh_v, mrows_v,
             cbuf_v, mask_sh, sem):
    core = lax.axis_index("c")
    sub = lax.axis_index("s")
    iota16 = lax.iota(jnp.int32, 16)

    @pl.when(core == 0)
    def _usage():
        pltpu.sync_copy(usage_hbm.at[pl.ds(sub * CROWS, CROWS)], cbuf_v)
        pltpu.sync_copy(cbuf_v, uout_hbm.at[pl.ds(sub * CROWS, CROWS)])

        pltpu.sync_copy(idx_hbm.at[pl.ds(sub * SPW, SPW)], myidx_v)
        pltpu.sync_copy(valid_hbm.at[pl.ds(sub * SPW, SPW)], myval_v)
        idx16 = myidx_v[...]
        vvec = myval_v[...]
        lanes = jnp.bitwise_and(idx16, 15)
        rowid_v[...] = lax.shift_right_logical(idx16, 4)
        pltpu.async_copy(usage_hbm.at[rowid_v], urows_v, sem).wait()

        zero16 = jnp.zeros((16,), jnp.float32)
        for j in range(SPW):
            oh_v[j, :] = zero16
        pltpu.sync_copy(oh_v, mask_sh.at[rowid_v])
        plsc.subcore_barrier()
        for j in range(SPW):
            lane = _extracti(lanes, j, iota16)
            vj = _extractf(vvec, j, iota16)
            oh_v[j, :] = jnp.where(iota16 == lane, vj, 0.0)
        pltpu.sync_copy(oh_v, mask_sh.at[rowid_v], add=True)
        plsc.subcore_barrier()
        pltpu.async_copy(mask_sh.at[rowid_v], mrows_v, sem).wait()

        for j in range(SPW):
            u = urows_v[j, :]
            upd = jnp.minimum(u * jnp.float32(1.1), jnp.float32(2.0))
            urows_v[j, :] = jnp.where(mrows_v[j, :] > 0.5, upd, u)
        pltpu.sync_copy(urows_v, uout_hbm.at[rowid_v])


def _phase3(usage2d, idx_flat, valid_flat):
    mesh = plsc.VectorSubcoreMesh(core_axis_name="c", subcore_axis_name="s")
    cp = pltpu.CompilerParams()
    for fld, val in (("needs_layout_passes", False),
                     ("use_tc_tiling_on_sc", False)):
        if fld in pltpu.CompilerParams.__dataclass_fields__:
            cp = dataclasses.replace(cp, **{fld: val})
    kfn = pl.kernel(
        _p3_body,
        mesh=mesh,
        compiler_params=cp,
        out_type=[
            jax.ShapeDtypeStruct((UROWS, 16), jnp.float32),
        ],
        scratch_types=[
            pltpu.VMEM((SPW,), jnp.int32),
            pltpu.VMEM((SPW,), jnp.int32),
            pltpu.VMEM((SPW,), jnp.float32),
            pltpu.VMEM((SPW, 16), jnp.float32),
            pltpu.VMEM((SPW, 16), jnp.float32),
            pltpu.VMEM((SPW, 16), jnp.float32),
            pltpu.VMEM((CROWS, 16), jnp.float32),
            pltpu.VMEM_SHARED((UROWS, 16), jnp.float32),
            pltpu.SemaphoreType.DMA,
        ],
    )
    return kfn(usage2d, idx_flat, valid_flat)[0]


def kernel(query, memory_keys, memory_values, memory_usage):
    cids8 = _phase1(query, memory_keys)
    cids_flat = jnp.transpose(cids8[:TOPK]).reshape(-1)
    tidx, rsim, valf, retrieved_keys = _phase2(query, memory_keys, cids_flat)
    retrieved_sims = rsim.reshape(B, TOPK)
    valid_flat = valf.reshape(-1)
    idx_flat = tidx.reshape(-1)
    retrieved_values = _phase2v(memory_values, idx_flat, valf)
    usage2d = memory_usage.reshape(UROWS, 16)
    uout = _phase3(usage2d, idx_flat, valid_flat)
    new_usage = uout.reshape(CAP)
    return retrieved_values, retrieved_keys, retrieved_sims, new_usage

# --- scband reference (transcript-rebuilt; emitter-appended) ---
"""Pipeline reference for scband-cognate-ltmbank-61194694034001 (READ-ONLY COPY).

The authoritative reference and input builder live on the scoring server;
editing this copy changes nothing except your own understanding.
"""

import jax, jax.numpy as jnp
import numpy as np

CAPACITY = 262144
D_MEM = 64
BATCH = 64
TOPK = 4
SIM_THRESHOLD = 0.1


def setup_inputs(seed: int = 0) -> dict:
    key = jax.random.key(seed)
    k1, k2, k3 = jax.random.split(key, 3)
    query = jax.random.normal(k1, (BATCH, D_MEM), dtype=jnp.float32)
    memory_keys = jax.random.normal(k2, (CAPACITY, D_MEM), dtype=jnp.float32)
    memory_values = jax.random.normal(k3, (CAPACITY, D_MEM), dtype=jnp.float32)
    memory_usage = jnp.ones((CAPACITY,), dtype=jnp.float32)
    return {
        "query": query,
        "memory_keys": memory_keys,
        "memory_values": memory_values,
        "memory_usage": memory_usage,
    }


def reference(query, memory_keys, memory_values, memory_usage):
    # Batched version of CognateLTMBank.read (full bank active, current_size == capacity).
    eps = 1e-8
    # F.cosine_similarity(query.unsqueeze(0), active_keys, dim=1)
    q_norm = query / jnp.maximum(jnp.linalg.norm(query, axis=1, keepdims=True), eps)
    k_norm = memory_keys / jnp.maximum(jnp.linalg.norm(memory_keys, axis=1, keepdims=True), eps)
    sims = q_norm @ k_norm.T  # [B, CAPACITY]
    # similarity_threshold mask: entries below threshold are invalid
    masked = jnp.where(sims >= SIM_THRESHOLD, sims, -jnp.inf)
    top_sims, top_idx = jax.lax.top_k(masked, TOPK)  # [B, TOPK]
    valid = jnp.isfinite(top_sims)  # [B, TOPK]
    # gather retrieved values / keys; pad (invalid) slots are zeros, matching torch padding
    retrieved_values = jnp.take(memory_values, top_idx, axis=0)  # [B, TOPK, D]
    retrieved_keys = jnp.take(memory_keys, top_idx, axis=0)      # [B, TOPK, D]
    retrieved_values = jnp.where(valid[..., None], retrieved_values, 0.0)
    retrieved_keys = jnp.where(valid[..., None], retrieved_keys, 0.0)
    retrieved_sims = jnp.where(valid, top_sims, 0.0)
    # usage update: memory_usage[top_indices] = clamp(memory_usage[top_indices] * 1.1, max=2.0)
    flat_idx = top_idx.reshape(-1)
    flat_valid = valid.reshape(-1)
    gathered_usage = memory_usage[flat_idx]
    updated = jnp.clip(gathered_usage * 1.1, None, 2.0)
    updated = jnp.where(flat_valid, updated, gathered_usage)
    new_usage = memory_usage.at[flat_idx].set(updated)
    return retrieved_values, retrieved_keys, retrieved_sims, new_usage

if __name__ == "__main__":
    import jax
    _d = setup_inputs()
    print(jax.jit(kernel)(*tuple(_d.values())))

</pallas_src>

<mosaic_0001>
#map = affine_map<(d0, d1) -> (0, 0)>
#map1 = affine_map<(d0, d1) -> (0)>
module attributes {stable_mosaic.version = 14 : i64} {
  func.func @_p3_body(%arg0: i32, %arg1: i32, %arg2: memref<16384x16xf32, #tpu.memory_space<hbm>>, %arg3: memref<256xi32, #tpu.memory_space<hbm>>, %arg4: memref<256xf32, #tpu.memory_space<hbm>>, %arg5: memref<16384x16xf32, #tpu.memory_space<hbm>>, %arg6: memref<16xi32, #tpu.memory_space<vmem>>, %arg7: memref<16xi32, #tpu.memory_space<vmem>>, %arg8: memref<16xf32, #tpu.memory_space<vmem>>, %arg9: memref<16x16xf32, #tpu.memory_space<vmem>>, %arg10: memref<16x16xf32, #tpu.memory_space<vmem>>, %arg11: memref<16x16xf32, #tpu.memory_space<vmem>>, %arg12: memref<1024x16xf32, #tpu.memory_space<vmem>>, %arg13: memref<16384x16xf32, #tpu.memory_space<vmem_shared>>, %arg14: memref<!tpu.dma_semaphore, #tpu.memory_space<semaphore_mem>>) attributes {dimension_semantics = [#tpu.dimension_semantics<core_parallel>, #tpu.dimension_semantics<subcore_parallel>], iteration_bounds = array<i64: 2, 16>, scalar_prefetch = 0 : i64, scratch_operands = 9 : i64, tpu.core_type = #tpu.core_type<sc_vector_subcore>, window_params = [{transform_indices = #map}, {transform_indices = #map1}, {transform_indices = #map1}, {transform_indices = #map}]} {
    %iota3A = tpu.iota {dimensions = array<i32: 0>} : vector<16xi32>
    %eq3A = arith.constant 0 : i32
    %eq3A_0 = arith.cmpi eq, %arg0, %eq3A : i32
    %convert_element_type3A = arith.extui %eq3A_0 : i1 to i32
    %cond3A = arith.constant 0 : i32
    %cond3A_1 = arith.cmpi ne, %convert_element_type3A, %cond3A : i32
    scf.if %cond3A_1 {
      %mul3A = arith.constant 1024 : i32
      %mul3A_2 = arith.muli %arg1, %mul3A : i32
      "tpu.region"() ({
        %run_scoped3A = tpu.sem_alloc : memref<!tpu.dma_semaphore, #tpu.memory_space<semaphore_mem>>
        %dma_start3A_920 = arith.constant 0 : i32
        %dma_start3A_921 = tpu.memref_slice %arg2[%mul3A_2, %dma_start3A_920] : memref<16384x16xf32, #tpu.memory_space<hbm>> -> memref<1024x16xf32, #tpu.memory_space<hbm>>
        %dma_start3A_922 = arith.constant 0 : i32
        %dma_start3A_923 = tpu.memref_slice %arg2[%mul3A_2, %dma_start3A_922] : memref<16384x16xf32, #tpu.memory_space<hbm>> -> memref<1024x16xf32, #tpu.memory_space<hbm>>
        tpu.enqueue_dma source(%dma_start3A_923 : memref<1024x16xf32, #tpu.memory_space<hbm>>) target(%arg12 : memref<1024x16xf32, #tpu.memory_space<vmem>>) target_semaphore(%run_scoped3A : memref<!tpu.dma_semaphore, #tpu.memory_space<semaphore_mem>>)
        %dma_wait3A_924 = arith.constant 0 : i32
        %dma_wait3A_925 = tpu.memref_slice %arg2[%mul3A_2, %dma_wait3A_924] : memref<16384x16xf32, #tpu.memory_space<hbm>> -> memref<1024x16xf32, #tpu.memory_space<hbm>>
        %dma_wait3A_926 = arith.constant 0 : i32
        %dma_wait3A_927 = tpu.memref_slice %arg2[%mul3A_2, %dma_wait3A_926] : memref<16384x16xf32, #tpu.memory_space<hbm>> -> memref<1024x16xf32, #tpu.memory_space<hbm>>
        tpu.wait_dma2 semaphore(%run_scoped3A : memref<!tpu.dma_semaphore, #tpu.memory_space<semaphore_mem>>) src(%dma_wait3A_927 : memref<1024x16xf32, #tpu.memory_space<hbm>>) dst(%arg12 : memref<1024x16xf32, #tpu.memory_space<vmem>>)
        tpu.yield
      }) : () -> ()
      %mul3A_3 = arith.constant 1024 : i32
      %mul3A_4 = arith.muli %arg1, %mul3A_3 : i32
      "tpu.region"() ({
        %run_scoped3A = tpu.sem_alloc : memref<!tpu.dma_semaphore, #tpu.memory_space<semaphore_mem>>
        %dma_start3A_920 = arith.constant 0 : i32
        %dma_start3A_921 = tpu.memref_slice %arg5[%mul3A_4, %dma_start3A_920] : memref<16384x16xf32, #tpu.memory_space<hbm>> -> memref<1024x16xf32, #tpu.memory_space<hbm>>
        %dma_start3A_922 = arith.constant 0 : i32
        %dma_start3A_923 = tpu.memref_slice %arg5[%mul3A_4, %dma_start3A_922] : memref<16384x16xf32, #tpu.memory_space<hbm>> -> memref<1024x16xf32, #tpu.memory_space<hbm>>
        tpu.enqueue_dma source(%arg12 : memref<1024x16xf32, #tpu.memory_space<vmem>>) target(%dma_start3A_923 : memref<1024x16xf32, #tpu.memory_space<hbm>>) target_semaphore(%run_scoped3A : memref<!tpu.dma_semaphore, #tpu.memory_space<semaphore_mem>>)
        %dma_wait3A_924 = arith.constant 0 : i32
        %dma_wait3A_925 = tpu.memref_slice %arg5[%mul3A_4, %dma_wait3A_924] : memref<16384x16xf32, #tpu.memory_space<hbm>> -> memref<1024x16xf32, #tpu.memory_space<hbm>>
        %dma_wait3A_926 = arith.constant 0 : i32
        %dma_wait3A_927 = tpu.memref_slice %arg5[%mul3A_4, %dma_wait3A_926] : memref<16384x16xf32, #tpu.memory_space<hbm>> -> memref<1024x16xf32, #tpu.memory_space<hbm>>
        tpu.wait_dma2 semaphore(%run_scoped3A : memref<!tpu.dma_semaphore, #tpu.memory_space<semaphore_mem>>) src(%arg12 : memref<1024x16xf32, #tpu.memory_space<vmem>>) dst(%dma_wait3A_927 : memref<1024x16xf32, #tpu.memory_space<hbm>>)
        tpu.yield
      }) : () -> ()
      %mul3A_5 = arith.constant 16 : i32
      %mul3A_6 = arith.muli %arg1, %mul3A_5 : i32
      "tpu.region"() ({
        %run_scoped3A = tpu.sem_alloc : memref<!tpu.dma_semaphore, #tpu.memory_space<semaphore_mem>>
        %dma_start3A_920 = tpu.memref_slice %arg3[%mul3A_6] : memref<256xi32, #tpu.memory_space<hbm>> -> memref<16xi32, #tpu.memory_space<hbm>>
        %dma_start3A_921 = tpu.memref_slice %arg3[%mul3A_6] : memref<256xi32, #tpu.memory_space<hbm>> -> memref<16xi32, #tpu.memory_space<hbm>>
        tpu.enqueue_dma source(%dma_start3A_921 : memref<16xi32, #tpu.memory_space<hbm>>) target(%arg6 : memref<16xi32, #tpu.memory_space<vmem>>) target_semaphore(%run_scoped3A : memref<!tpu.dma_semaphore, #tpu.memory_space<semaphore_mem>>)
        %dma_wait3A_922 = tpu.memref_slice %arg3[%mul3A_6] : memref<256xi32, #tpu.memory_space<hbm>> -> memref<16xi32, #tpu.memory_space<hbm>>
        %dma_wait3A_923 = tpu.memref_slice %arg3[%mul3A_6] : memref<256xi32, #tpu.memory_space<hbm>> -> memref<16xi32, #tpu.memory_space<hbm>>
        tpu.wait_dma2 semaphore(%run_scoped3A : memref<!tpu.dma_semaphore, #tpu.memory_space<semaphore_mem>>) src(%dma_wait3A_923 : memref<16xi32, #tpu.memory_space<hbm>>) dst(%arg6 : memref<16xi32, #tpu.memory_space<vmem>>)
        tpu.yield
      }) : () -> ()
      %mul3A_7 = arith.constant 16 : i32
      %mul3A_8 = arith.muli %arg1, %mul3A_7 : i32
      "tpu.region"() ({
        %run_scoped3A = tpu.sem_alloc : memref<!tpu.dma_semaphore, #tpu.memory_space<semaphore_mem>>
        %dma_start3A_920 = tpu.memref_slice %arg4[%mul3A_8] : memref<256xf32, #tpu.memory_space<hbm>> -> memref<16xf32, #tpu.memory_space<hbm>>
        %dma_start3A_921 = tpu.memref_slice %arg4[%mul3A_8] : memref<256xf32, #tpu.memory_space<hbm>> -> memref<16xf32, #tpu.memory_space<hbm>>
        tpu.enqueue_dma source(%dma_start3A_921 : memref<16xf32, #tpu.memory_space<hbm>>) target(%arg8 : memref<16xf32, #tpu.memory_space<vmem>>) target_semaphore(%run_scoped3A : memref<!tpu.dma_semaphore, #tpu.memory_space<semaphore_mem>>)
        %dma_wait3A_922 = tpu.memref_slice %arg4[%mul3A_8] : memref<256xf32, #tpu.memory_space<hbm>> -> memref<16xf32, #tpu.memory_space<hbm>>
        %dma_wait3A_923 = tpu.memref_slice %arg4[%mul3A_8] : memref<256xf32, #tpu.memory_space<hbm>> -> memref<16xf32, #tpu.memory_space<hbm>>
        tpu.wait_dma2 semaphore(%run_scoped3A : memref<!tpu.dma_semaphore, #tpu.memory_space<semaphore_mem>>) src(%dma_wait3A_923 : memref<16xf32, #tpu.memory_space<hbm>>) dst(%arg8 : memref<16xf32, #tpu.memory_space<vmem>>)
        tpu.yield
      }) : () -> ()
      %get3A = arith.constant 0 : index
      %get3A_9 = tpu.vector_load %arg6[%get3A] {strides = array<i32>} : memref<16xi32, #tpu.memory_space<vmem>>, vector<16xi32>,
      %get3A_10 = arith.constant 0 : index
      %get3A_11 = tpu.vector_load %arg8[%get3A_10] {strides = array<i32>} : memref<16xf32, #tpu.memory_space<vmem>>, vector<16xf32>,
      %and3A = arith.constant 15 : i32
      %and3A_12 = vector.broadcast %and3A : i32 to vector<16xi32>
      %and3A_13 = arith.andi %get3A_9, %and3A_12 : vector<16xi32>
      %shift_right_logical3A = arith.constant 4 : i32
      %shift_right_logical3A_14 = vector.broadcast %shift_right_logical3A : i32 to vector<16xi32>
      %shift_right_logical3A_15 = arith.shrui %get3A_9, %shift_right_logical3A_14 : vector<16xi32>
      %swap3A = arith.constant 0 : index
      %swap3A_16 = tpu.vector_load %arg7[%swap3A] {strides = array<i32>} : memref<16xi32, #tpu.memory_space<vmem>>, vector<16xi32>,
      tpu.vector_store %arg7[%swap3A], %shift_right_logical3A_15 {strides = array<i32>} : memref<16xi32, #tpu.memory_space<vmem>>, vector<16xi32>,
      %dma_start3A = arith.constant 0 : i32
      %dma_start3A_17 = arith.constant 0 : i32
      %dma_start3A_18 = tpu.memref_slice %arg2[%dma_start3A, %dma_start3A_17] : memref<16384x16xf32, #tpu.memory_space<hbm>> -> memref<16384x16xf32, #tpu.memory_space<hbm>>
      tpu.enqueue_indirect_dma source(%dma_start3A_18 : memref<16384x16xf32, #tpu.memory_space<hbm>>) target(%arg9 : memref<16x16xf32, #tpu.memory_space<vmem>>) offsets(%arg7 : memref<16xi32, #tpu.memory_space<vmem>>) semaphore(%arg14 : memref<!tpu.dma_semaphore, #tpu.memory_space<semaphore_mem>>)
      %dma_wait3A = arith.constant 0 : i32
      %dma_wait3A_19 = arith.constant 0 : i32
      %dma_wait3A_20 = tpu.memref_slice %arg2[%dma_wait3A, %dma_wait3A_19] : memref<16384x16xf32, #tpu.memory_space<hbm>> -> memref<16384x16xf32, #tpu.memory_space<hbm>>
      tpu.wait_indirect_dma semaphore(%arg14 : memref<!tpu.dma_semaphore, #tpu.memory_space<semaphore_mem>>) src(%dma_wait3A_20 : memref<16384x16xf32, #tpu.memory_space<hbm>>) dst(%arg9 : memref<16x16xf32, #tpu.memory_space<vmem>>)
      %broadcast_in_dim3A = arith.constant 0.000000e+00 : f32
      %broadcast_in_dim3A_21 = vector.broadcast %broadcast_in_dim3A : f32 to vector<16xf32>
      %swap3A_22 = arith.constant 0 : i32
      %swap3A_23 = arith.index_cast %swap3A_22 : i32 to index
      %swap3A_24 = arith.constant 0 : index
      %swap3A_25 = tpu.vector_load %arg10[%swap3A_23, %swap3A_24] {strides = array<i32>} : memref<16x16xf32, #tpu.memory_space<vmem>>, vector<16xf32>,
      tpu.vector_store %arg10[%swap3A_23, %swap3A_24], %broadcast_in_dim3A_21 {strides = array<i32>} : memref<16x16xf32, #tpu.memory_space<vmem>>, vector<16xf32>,
      %swap3A_26 = arith.constant 1 : i32
      %swap3A_27 = arith.index_cast %swap3A_26 : i32 to index
      %swap3A_28 = arith.constant 0 : index
      %swap3A_29 = tpu.vector_load %arg10[%swap3A_27, %swap3A_28] {strides = array<i32>} : memref<16x16xf32, #tpu.memory_space<vmem>>, vector<16xf32>,
      tpu.vector_store %arg10[%swap3A_27, %swap3A_28], %broadcast_in_dim3A_21 {strides = array<i32>} : memref<16x16xf32, #tpu.memory_space<vmem>>, vector<16xf32>,
      %swap3A_30 = arith.constant 2 : i32
      %swap3A_31 = arith.index_cast %swap3A_30 : i32 to index
      %swap3A_32 = arith.constant 0 : index
      %swap3A_33 = tpu.vector_load %arg10[%swap3A_31, %swap3A_32] {strides = array<i32>} : memref<16x16xf32, #tpu.memory_space<vmem>>, vector<16xf32>,
      tpu.vector_store %arg10[%swap3A_31, %swap3A_32], %broadcast_in_dim3A_21 {strides = array<i32>} : memref<16x16xf32, #tpu.memory_space<vmem>>, vector<16xf32>,
      %swap3A_34 = arith.constant 3 : i32
      %swap3A_35 = arith.index_cast %swap3A_34 : i32 to index
      %swap3A_36 = arith.constant 0 : index
      %swap3A_37 = tpu.vector_load %arg10[%swap3A_35, %swap3A_36] {strides = array<i32>} : memref<16x16xf32, #tpu.memory_space<vmem>>, vector<16xf32>,
      tpu.vector_store %arg10[%swap3A_35, %swap3A_36], %broadcast_in_dim3A_21 {strides = array<i32>} : memref<16x16xf32, #tpu.memory_space<vmem>>, vector<16xf32>,
      %swap3A_38 = arith.constant 4 : i32
      %swap3A_39 = arith.index_cast %swap3A_38 : i32 to index
      %swap3A_40 = arith.constant 0 : index
      %swap3A_41 = tpu.vector_load %arg10[%swap3A_39, %swap3A_40] {strides = array<i32>} : memref<16x16xf32, #tpu.memory_space<vmem>>, vector<16xf32>,
      tpu.vector_store %arg10[%swap3A_39, %swap3A_40], %broadcast_in_dim3A_21 {strides = array<i32>} : memref<16x16xf32, #tpu.memory_space<vmem>>, vector<16xf32>,
      %swap3A_42 = arith.constant 5 : i32
      %swap3A_43 = arith.index_cast %swap3A_42 : i32 to index
      %swap3A_44 = arith.constant 0 : index
      %swap3A_45 = tpu.vector_load %arg10[%swap3A_43, %swap3A_44] {strides = array<i32>} : memref<16x16xf32, #tpu.memory_space<vmem>>, vector<16xf32>,
      tpu.vector_store %arg10[%swap3A_43, %swap3A_44], %broadcast_in_dim3A_21 {strides = array<i32>} : memref<16x16xf32, #tpu.memory_space<vmem>>, vector<16xf32>,
      %swap3A_46 = arith.constant 6 : i32
      %swap3A_47 = arith.index_cast %swap3A_46 : i32 to index
      %swap3A_48 = arith.constant 0 : index
      %swap3A_49 = tpu.vector_load %arg10[%swap3A_47, %swap3A_48] {strides = array<i32>} : memref<16x16xf32, #tpu.memory_space<vmem>>, vector<16xf32>,
      tpu.vector_store %arg10[%swap3A_47, %swap3A_48], %broadcast_in_dim3A_21 {strides = array<i32>} : memref<16x16xf32, #tpu.memory_space<vmem>>, vector<16xf32>,
      %swap3A_50 = arith.constant 7 : i32
      %swap3A_51 = arith.index_cast %swap3A_50 : i32 to index
      %swap3A_52 = arith.constant 0 : index
      %swap3A_53 = tpu.vector_load %arg10[%swap3A_51, %swap3A_52] {strides = array<i32>} : memref<16x16xf32, #tpu.memory_space<vmem>>, vector<16xf32>,
      tpu.vector_store %arg10[%swap3A_51, %swap3A_52], %broadcast_in_dim3A_21 {strides = array<i32>} : memref<16x16xf32, #tpu.memory_space<vmem>>, vector<16xf32>,
      %swap3A_54 = arith.constant 8 : i32
      %swap3A_55 = arith.index_cast %swap3A_54 : i32 to index
      %swap3A_56 = arith.constant 0 : index
      %swap3A_57 = tpu.vector_load %arg10[%swap3A_55, %swap3A_56] {strides = array<i32>} : memref<16x16xf32, #tpu.memory_space<vmem>>, vector<16xf32>,
      tpu.vector_store %arg10[%swap3A_55, %swap3A_56], %broadcast_in_dim3A_21 {strides = array<i32>} : memref<16x16xf32, #tpu.memory_space<vmem>>, vector<16xf32>,
      %swap3A_58 = arith.constant 9 : i32
      %swap3A_59 = arith.index_cast %swap3A_58 : i32 to index
      %swap3A_60 = arith.constant 0 : index
      %swap3A_61 = tpu.vector_load %arg10[%swap3A_59, %swap3A_60] {strides = array<i32>} : memref<16x16xf32, #tpu.memory_space<vmem>>, vector<16xf32>,
      tpu.vector_store %arg10[%swap3A_59, %swap3A_60], %broadcast_in_dim3A_21 {strides = array<i32>} : memref<16x16xf32, #tpu.memory_space<vmem>>, vector<16xf32>,
      %swap3A_62 = arith.constant 10 : i32
      %swap3A_63 = arith.index_cast %swap3A_62 : i32 to index
      %swap3A_64 = arith.constant 0 : index
      %swap3A_65 = tpu.vector_load %arg10[%swap3A_63, %swap3A_64] {strides = array<i32>} : memref<16x16xf32, #tpu.memory_space<vmem>>, vector<16xf32>,
      tpu.vector_store %arg10[%swap3A_63, %swap3A_64], %broadcast_in_dim3A_21 {strides = array<i32>} : memref<16x16xf32, #tpu.memory_space<vmem>>, vector<16xf32>,
      %swap3A_66 = arith.constant 11 : i32
      %swap3A_67 = arith.index_cast %swap3A_66 : i32 to index
      %swap3A_68 = arith.constant 0 : index
      %swap3A_69 = tpu.vector_load %arg10[%swap3A_67, %swap3A_68] {strides = array<i32>} : memref<16x16xf32, #tpu.memory_space<vmem>>, vector<16xf32>,
      tpu.vector_store %arg10[%swap3A_67, %swap3A_68], %broadcast_in_dim3A_21 {strides = array<i32>} : memref<16x16xf32, #tpu.memory_space<vmem>>, vector<16xf32>,
      %swap3A_70 = arith.constant 12 : i32
      %swap3A_71 = arith.index_cast %swap3A_70 : i32 to index
      %swap3A_72 = arith.constant 0 : index
      %swap3A_73 = tpu.vector_load %arg10[%swap3A_71, %swap3A_72] {strides = array<i32>} : memref<16x16xf32, #tpu.memory_space<vmem>>, vector<16xf32>,
      tpu.vector_store %arg10[%swap3A_71, %swap3A_72], %broadcast_in_dim3A_21 {strides = array<i32>} : memref<16x16xf32, #tpu.memory_space<vmem>>, vector<16xf32>,
      %swap3A_74 = arith.constant 13 : i32
      %swap3A_75 = arith.index_cast %swap3A_74 : i32 to index
      %swap3A_76 = arith.constant 0 : index
      %swap3A_77 = tpu.vector_load %arg10[%swap3A_75, %swap3A_76] {strides = array<i32>} : memref<16x16xf32, #tpu.memory_space<vmem>>, vector<16xf32>,
      tpu.vector_store %arg10[%swap3A_75, %swap3A_76], %broadcast_in_dim3A_21 {strides = array<i32>} : memref<16x16xf32, #tpu.memory_space<vmem>>, vector<16xf32>,
      %swap3A_78 = arith.constant 14 : i32
      %swap3A_79 = arith.index_cast %swap3A_78 : i32 to index
      %swap3A_80 = arith.constant 0 : index
      %swap3A_81 = tpu.vector_load %arg10[%swap3A_79, %swap3A_80] {strides = array<i32>} : memref<16x16xf32, #tpu.memory_space<vmem>>, vector<16xf32>,
      tpu.vector_store %arg10[%swap3A_79, %swap3A_80], %broadcast_in_dim3A_21 {strides = array<i32>} : memref<16x16xf32, #tpu.memory_space<vmem>>, vector<16xf32>,
      %swap3A_82 = arith.constant 15 : i32
      %swap3A_83 = arith.index_cast %swap3A_82 : i32 to index
      %swap3A_84 = arith.constant 0 : index
      %swap3A_85 = tpu.vector_load %arg10[%swap3A_83, %swap3A_84] {strides = array<i32>} : memref<16x16xf32, #tpu.memory_space<vmem>>, vector<16xf32>,
      tpu.vector_store %arg10[%swap3A_83, %swap3A_84], %broadcast_in_dim3A_21 {strides = array<i32>} : memref<16x16xf32, #tpu.memory_space<vmem>>, vector<16xf32>,
      "tpu.region"() ({
        %run_scoped3A = tpu.sem_alloc : memref<!tpu.dma_semaphore, #tpu.memory_space<semaphore_mem>>
        %dma_start3A_920 = arith.constant 0 : i32
        %dma_start3A_921 = arith.constant 0 : i32
        %dma_start3A_922 = tpu.memref_slice %arg13[%dma_start3A_920, %dma_start3A_921] : memref<16384x16xf32, #tpu.memory_space<vmem_shared>> -> memref<16384x16xf32, #tpu.memory_space<vmem_shared>>
        tpu.enqueue_indirect_dma source(%arg10 : memref<16x16xf32, #tpu.memory_space<vmem>>) target(%dma_start3A_922 : memref<16384x16xf32, #tpu.memory_space<vmem_shared>>) offsets(%arg7 : memref<16xi32, #tpu.memory_space<vmem>>) semaphore(%run_scoped3A : memref<!tpu.dma_semaphore, #tpu.memory_space<semaphore_mem>>)
        %dma_wait3A_923 = arith.constant 0 : i32
        %dma_wait3A_924 = arith.constant 0 : i32
        %dma_wait3A_925 = tpu.memref_slice %arg13[%dma_wait3A_923, %dma_wait3A_924] : memref<16384x16xf32, #tpu.memory_space<vmem_shared>> -> memref<16384x16xf32, #tpu.memory_space<vmem_shared>>
        tpu.wait_indirect_dma semaphore(%run_scoped3A : memref<!tpu.dma_semaphore, #tpu.memory_space<semaphore_mem>>) src(%arg10 : memref<16x16xf32, #tpu.memory_space<vmem>>) dst(%dma_wait3A_925 : memref<16384x16xf32, #tpu.memory_space<vmem_shared>>)
        tpu.yield
      }) : () -> ()
      %barrier3A = arith.constant 0 : index
      tpu.barrier barrier_id(%barrier3A)
      %eq3A_86 = arith.constant 0 : i32
      %eq3A_87 = vector.broadcast %eq3A_86 : i32 to vector<16xi32>
      %eq3A_88 = arith.cmpi eq, %iota3A, %eq3A_87 : vector<16xi32>
      %jit3A = arith.constant 0 : i32
      %broadcast_in_dim3A_89 = vector.broadcast %jit3A : i32 to vector<16xi32>
      %select_n3A = arith.select %eq3A_88, %and3A_13, %broadcast_in_dim3A_89 : vector<16xi1>, vector<16xi32>
      %reduce_sum3A = arith.constant true
      %reduce_sum3A_90 = vector.broadcast %reduce_sum3A : i1 to vector<16xi1>
      %reduce_sum3A_91 = tpu.scan <sum>, %select_n3A masked %reduce_sum3A_90 : vector<16xi32>, vector<16xi1> -> vector<16xi32>
      %reduce_sum3A_92 = vector.extract %reduce_sum3A_91[15] : i32 from vector<16xi32>
      %eq3A_93 = arith.constant 0 : i32
      %eq3A_94 = vector.broadcast %eq3A_93 : i32 to vector<16xi32>
      %eq3A_95 = arith.cmpi eq, %iota3A, %eq3A_94 : vector<16xi32>
      %jit3A_96 = arith.constant 0.000000e+00 : f32
      %broadcast_in_dim3A_97 = vector.broadcast %jit3A_96 : f32 to vector<16xf32>
      %select_n3A_98 = arith.select %eq3A_95, %get3A_11, %broadcast_in_dim3A_97 : vector<16xi1>, vector<16xf32>
      %reduce_sum3A_99 = arith.constant true
      %reduce_sum3A_100 = vector.broadcast %reduce_sum3A_99 : i1 to vector<16xi1>
      %reduce_sum3A_101 = tpu.scan <sum>, %select_n3A_98 masked %reduce_sum3A_100 : vector<16xf32>, vector<16xi1> -> vector<16xf32>
      %reduce_sum3A_102 = vector.extract %reduce_sum3A_101[15] : f32 from vector<16xf32>
      %eq3A_103 = vector.broadcast %reduce_sum3A_92 : i32 to vector<16xi32>
      %eq3A_104 = arith.cmpi eq, %iota3A, %eq3A_103 : vector<16xi32>
      %jit3A_105 = arith.constant 0.000000e+00 : f32
      %broadcast_in_dim3A_106 = vector.broadcast %reduce_sum3A_102 : f32 to vector<16xf32>
      %broadcast_in_dim3A_107 = vector.broadcast %jit3A_105 : f32 to vector<16xf32>
      %select_n3A_108 = arith.select %eq3A_104, %broadcast_in_dim3A_106, %broadcast_in_dim3A_107 : vector<16xi1>, vector<16xf32>
      %swap3A_109 = arith.constant 0 : i32
      %swap3A_110 = arith.index_cast %swap3A_109 : i32 to index
      %swap3A_111 = arith.constant 0 : index
      %swap3A_112 = tpu.vector_load %arg10[%swap3A_110, %swap3A_111] {strides = array<i32>} : memref<16x16xf32, #tpu.memory_space<vmem>>, vector<16xf32>,
      tpu.vector_store %arg10[%swap3A_110, %swap3A_111], %select_n3A_108 {strides = array<i32>} : memref<16x16xf32, #tpu.memory_space<vmem>>, vector<16xf32>,
      %eq3A_113 = arith.constant 1 : i32
      %eq3A_114 = vector.broadcast %eq3A_113 : i32 to vector<16xi32>
      %eq3A_115 = arith.cmpi eq, %iota3A, %eq3A_114 : vector<16xi32>
      %jit3A_116 = arith.constant 0 : i32
      %broadcast_in_dim3A_117 = vector.broadcast %jit3A_116 : i32 to vector<16xi32>
      %select_n3A_118 = arith.select %eq3A_115, %and3A_13, %broadcast_in_dim3A_117 : vector<16xi1>, vector<16xi32>
      %reduce_sum3A_119 = arith.constant true
      %reduce_sum3A_120 = vector.broadcast %reduce_sum3A_119 : i1 to vector<16xi1>
      %reduce_sum3A_121 = tpu.scan <sum>, %select_n3A_118 masked %reduce_sum3A_120 : vector<16xi32>, vector<16xi1> -> vector<16xi32>
      %reduce_sum3A_122 = vector.extract %reduce_sum3A_121[15] : i32 from vector<16xi32>
      %eq3A_123 = arith.constant 1 : i32
      %eq3A_124 = vector.broadcast %eq3A_123 : i32 to vector<16xi32>
      %eq3A_125 = arith.cmpi eq, %iota3A, %eq3A_124 : vector<16xi32>
      %jit3A_126 = arith.constant 0.000000e+00 : f32
      %broadcast_in_dim3A_127 = vector.broadcast %jit3A_126 : f32 to vector<16xf32>
      %select_n3A_128 = arith.select %eq3A_125, %get3A_11, %broadcast_in_dim3A_127 : vector<16xi1>, vector<16xf32>
      %reduce_sum3A_129 = arith.constant true
      %reduce_sum3A_130 = vector.broadcast %reduce_sum3A_129 : i1 to vector<16xi1>
      %reduce_sum3A_131 = tpu.scan <sum>, %select_n3A_128 masked %reduce_sum3A_130 : vector<16xf32>, vector<16xi1> -> vector<16xf32>
      %reduce_sum3A_132 = vector.extract %reduce_sum3A_131[15] : f32 from vector<16xf32>
      %eq3A_133 = vector.broadcast %reduce_sum3A_122 : i32 to vector<16xi32>
      %eq3A_134 = arith.cmpi eq, %iota3A, %eq3A_133 : vector<16xi32>
      %jit3A_135 = arith.constant 0.000000e+00 : f32
      %broadcast_in_dim3A_136 = vector.broadcast %reduce_sum3A_132 : f32 to vector<16xf32>
      %broadcast_in_dim3A_137 = vector.broadcast %jit3A_135 : f32 to vector<16xf32>
      %select_n3A_138 = arith.select %eq3A_134, %broadcast_in_dim3A_136, %broadcast_in_dim3A_137 : vector<16xi1>, vector<16xf32>
      %swap3A_139 = arith.constant 1 : i32
      %swap3A_140 = arith.index_cast %swap3A_139 : i32 to index
      %swap3A_141 = arith.constant 0 : index
      %swap3A_142 = tpu.vector_load %arg10[%swap3A_140, %swap3A_141] {strides = array<i32>} : memref<16x16xf32, #tpu.memory_space<vmem>>, vector<16xf32>,
      tpu.vector_store %arg10[%swap3A_140, %swap3A_141], %select_n3A_138 {strides = array<i32>} : memref<16x16xf32, #tpu.memory_space<vmem>>, vector<16xf32>,
      %eq3A_143 = arith.constant 2 : i32
      %eq3A_144 = vector.broadcast %eq3A_143 : i32 to vector<16xi32>
      %eq3A_145 = arith.cmpi eq, %iota3A, %eq3A_144 : vector<16xi32>
      %jit3A_146 = arith.constant 0 : i32
      %broadcast_in_dim3A_147 = vector.broadcast %jit3A_146 : i32 to vector<16xi32>
      %select_n3A_148 = arith.select %eq3A_145, %and3A_13, %broadcast_in_dim3A_147 : vector<16xi1>, vector<16xi32>
      %reduce_sum3A_149 = arith.constant true
      %reduce_sum3A_150 = vector.broadcast %reduce_sum3A_149 : i1 to vector<16xi1>
      %reduce_sum3A_151 = tpu.scan <sum>, %select_n3A_148 masked %reduce_sum3A_150 : vector<16xi32>, vector<16xi1> -> vector<16xi32>
      %reduce_sum3A_152 = vector.extract %reduce_sum3A_151[15] : i32 from vector<16xi32>
      %eq3A_153 = arith.constant 2 : i32
      %eq3A_154 = vector.broadcast %eq3A_153 : i32 to vector<16xi32>
      %eq3A_155 = arith.cmpi eq, %iota3A, %eq3A_154 : vector<16xi32>
      %jit3A_156 = arith.constant 0.000000e+00 : f32
      %broadcast_in_dim3A_157 = vector.broadcast %jit3A_156 : f32 to vector<16xf32>
      %select_n3A_158 = arith.select %eq3A_155, %get3A_11, %broadcast_in_dim3A_157 : vector<16xi1>, vector<16xf32>
      %reduce_sum3A_159 = arith.constant true
      %reduce_sum3A_160 = vector.broadcast %reduce_sum3A_159 : i1 to vector<16xi1>
      %reduce_sum3A_161 = tpu.scan <sum>, %select_n3A_158 masked %reduce_sum3A_160 : vector<16xf32>, vector<16xi1> -> vector<16xf32>
      %reduce_sum3A_162 = vector.extract %reduce_sum3A_161[15] : f32 from vector<16xf32>
      %eq3A_163 = vector.broadcast %reduce_sum3A_152 : i32 to vector<16xi32>
      %eq3A_164 = arith.cmpi eq, %iota3A, %eq3A_163 : vector<16xi32>
      %jit3A_165 = arith.constant 0.000000e+00 : f32
      %broadcast_in_dim3A_166 = vector.broadcast %reduce_sum3A_162 : f32 to vector<16xf32>
      %broadcast_in_dim3A_167 = vector.broadcast %jit3A_165 : f32 to vector<16xf32>
      %select_n3A_168 = arith.select %eq3A_164, %broadcast_in_dim3A_166, %broadcast_in_dim3A_167 : vector<16xi1>, vector<16xf32>
      %swap3A_169 = arith.constant 2 : i32
      %swap3A_170 = arith.index_cast %swap3A_169 : i32 to index
      %swap3A_171 = arith.constant 0 : index
      %swap3A_172 = tpu.vector_load %arg10[%swap3A_170, %swap3A_171] {strides = array<i32>} : memref<16x16xf32, #tpu.memory_space<vmem>>, vector<16xf32>,
      tpu.vector_store %arg10[%swap3A_170, %swap3A_171], %select_n3A_168 {strides = array<i32>} : memref<16x16xf32, #tpu.memory_space<vmem>>, vector<16xf32>,
      %eq3A_173 = arith.constant 3 : i32
      %eq3A_174 = vector.broadcast %eq3A_173 : i32 to vector<16xi32>
      %eq3A_175 = arith.cmpi eq, %iota3A, %eq3A_174 : vector<16xi32>
      %jit3A_176 = arith.constant 0 : i32
      %broadcast_in_dim3A_177 = vector.broadcast %jit3A_176 : i32 to vector<16xi32>
      %select_n3A_178 = arith.select %eq3A_175, %and3A_13, %broadcast_in_dim3A_177 : vector<16xi1>, vector<16xi32>
      %reduce_sum3A_179 = arith.constant true
      %reduce_sum3A_180 = vector.broadcast %reduce_sum3A_179 : i1 to vector<16xi1>
      %reduce_sum3A_181 = tpu.scan <sum>, %select_n3A_178 masked %reduce_sum3A_180 : vector<16xi32>, vector<16xi1> -> vector<16xi32>
      %reduce_sum3A_182 = vector.extract %reduce_sum3A_181[15] : i32 from vector<16xi32>
      %eq3A_183 = arith.constant 3 : i32
      %eq3A_184 = vector.broadcast %eq3A_183 : i32 to vector<16xi32>
      %eq3A_185 = arith.cmpi eq, %iota3A, %eq3A_184 : vector<16xi32>
      %jit3A_186 = arith.constant 0.000000e+00 : f32
      %broadcast_in_dim3A_187 = vector.broadcast %jit3A_186 : f32 to vector<16xf32>
      %select_n3A_188 = arith.select %eq3A_185, %get3A_11, %broadcast_in_dim3A_187 : vector<16xi1>, vector<16xf32>
      %reduce_sum3A_189 = arith.constant true
      %reduce_sum3A_190 = vector.broadcast %reduce_sum3A_189 : i1 to vector<16xi1>
      %reduce_sum3A_191 = tpu.scan <sum>, %select_n3A_188 masked %reduce_sum3A_190 : vector<16xf32>, vector<16xi1> -> vector<16xf32>
      %reduce_sum3A_192 = vector.extract %reduce_sum3A_191[15] : f32 from vector<16xf32>
      %eq3A_193 = vector.broadcast %reduce_sum3A_182 : i32 to vector<16xi32>
      %eq3A_194 = arith.cmpi eq, %iota3A, %eq3A_193 : vector<16xi32>
      %jit3A_195 = arith.constant 0.000000e+00 : f32
      %broadcast_in_dim3A_196 = vector.broadcast %reduce_sum3A_192 : f32 to vector<16xf32>
      %broadcast_in_dim3A_197 = vector.broadcast %jit3A_195 : f32 to vector<16xf32>
      %select_n3A_198 = arith.select %eq3A_194, %broadcast_in_dim3A_196, %broadcast_in_dim3A_197 : vector<16xi1>, vector<16xf32>
      %swap3A_199 = arith.constant 3 : i32
      %swap3A_200 = arith.index_cast %swap3A_199 : i32 to index
      %swap3A_201 = arith.constant 0 : index
      %swap3A_202 = tpu.vector_load %arg10[%swap3A_200, %swap3A_201] {strides = array<i32>} : memref<16x16xf32, #tpu.memory_space<vmem>>, vector<16xf32>,
      tpu.vector_store %arg10[%swap3A_200, %swap3A_201], %select_n3A_198 {strides = array<i32>} : memref<16x16xf32, #tpu.memory_space<vmem>>, vector<16xf32>,
      %eq3A_203 = arith.constant 4 : i32
      %eq3A_204 = vector.broadcast %eq3A_203 : i32 to vector<16xi32>
      %eq3A_205 = arith.cmpi eq, %iota3A, %eq3A_204 : vector<16xi32>
      %jit3A_206 = arith.constant 0 : i32
      %broadcast_in_dim3A_207 = vector.broadcast %jit3A_206 : i32 to vector<16xi32>
      %select_n3A_208 = arith.select %eq3A_205, %and3A_13, %broadcast_in_dim3A_207 : vector<16xi1>, vector<16xi32>
      %reduce_sum3A_209 = arith.constant true
      %reduce_sum3A_210 = vector.broadcast %reduce_sum3A_209 : i1 to vector<16xi1>
      %reduce_sum3A_211 = tpu.scan <sum>, %select_n3A_208 masked %reduce_sum3A_210 : vector<16xi32>, vector<16xi1> -> vector<16xi32>
      %reduce_sum3A_212 = vector.extract %reduce_sum3A_211[15] : i32 from vector<16xi32>
      %eq3A_213 = arith.constant 4 : i32
      %eq3A_214 = vector.broadcast %eq3A_213 : i32 to vector<16xi32>
      %eq3A_215 = arith.cmpi eq, %iota3A, %eq3A_214 : vector<16xi32>
      %jit3A_216 = arith.constant 0.000000e+00 : f32
      %broadcast_in_dim3A_217 = vector.broadcast %jit3A_216 : f32 to vector<16xf32>
      %select_n3A_218 = arith.select %eq3A_215, %get3A_11, %broadcast_in_dim3A_217 : vector<16xi1>, vector<16xf32>
      %reduce_sum3A_219 = arith.constant true
      %reduce_sum3A_220 = vector.broadcast %reduce_sum3A_219 : i1 to vector<16xi1>
      %reduce_sum3A_221 = tpu.scan <sum>, %select_n3A_218 masked %reduce_sum3A_220 : vector<16xf32>, vector<16xi1> -> vector<16xf32>
      %reduce_sum3A_222 = vector.extract %reduce_sum3A_221[15] : f32 from vector<16xf32>
      %eq3A_223 = vector.broadcast %reduce_sum3A_212 : i32 to vector<16xi32>
      %eq3A_224 = arith.cmpi eq, %iota3A, %eq3A_223 : vector<16xi32>
      %jit3A_225 = arith.constant 0.000000e+00 : f32
      %broadcast_in_dim3A_226 = vector.broadcast %reduce_sum3A_222 : f32 to vector<16xf32>
      %broadcast_in_dim3A_227 = vector.broadcast %jit3A_225 : f32 to vector<16xf32>
      %select_n3A_228 = arith.select %eq3A_224, %broadcast_in_dim3A_226, %broadcast_in_dim3A_227 : vector<16xi1>, vector<16xf32>
      %swap3A_229 = arith.constant 4 : i32
      %swap3A_230 = arith.index_cast %swap3A_229 : i32 to index
      %swap3A_231 = arith.constant 0 : index
      %swap3A_232 = tpu.vector_load %arg10[%swap3A_230, %swap3A_231] {strides = array<i32>} : memref<16x16xf32, #tpu.memory_space<vmem>>, vector<16xf32>,
      tpu.vector_store %arg10[%swap3A_230, %swap3A_231], %select_n3A_228 {strides = array<i32>} : memref<16x16xf32, #tpu.memory_space<vmem>>, vector<16xf32>,
      %eq3A_233 = arith.constant 5 : i32
      %eq3A_234 = vector.broadcast %eq3A_233 : i32 to vector<16xi32>
      %eq3A_235 = arith.cmpi eq, %iota3A, %eq3A_234 : vector<16xi32>
      %jit3A_236 = arith.constant 0 : i32
      %broadcast_in_dim3A_237 = vector.broadcast %jit3A_236 : i32 to vector<16xi32>
      %select_n3A_238 = arith.select %eq3A_235, %and3A_13, %broadcast_in_dim3A_237 : vector<16xi1>, vector<16xi32>
      %reduce_sum3A_239 = arith.constant true
      %reduce_sum3A_240 = vector.broadcast %reduce_sum3A_239 : i1 to vector<16xi1>
      %reduce_sum3A_241 = tpu.scan <sum>, %select_n3A_238 masked %reduce_sum3A_240 : vector<16xi32>, vector<16xi1> -> vector<16xi32>
      %reduce_sum3A_242 = vector.extract %reduce_sum3A_241[15] : i32 from vector<16xi32>
      %eq3A_243 = arith.constant 5 : i32
      %eq3A_244 = vector.broadcast %eq3A_243 : i32 to vector<16xi32>
      %eq3A_245 = arith.cmpi eq, %iota3A, %eq3A_244 : vector<16xi32>
      %jit3A_246 = arith.constant 0.000000e+00 : f32
      %broadcast_in_dim3A_247 = vector.broadcast %jit3A_246 : f32 to vector<16xf32>
      %select_n3A_248 = arith.select %eq3A_245, %get3A_11, %broadcast_in_dim3A_247 : vector<16xi1>, vector<16xf32>
      %reduce_sum3A_249 = arith.constant true
      %reduce_sum3A_250 = vector.broadcast %reduce_sum3A_249 : i1 to vector<16xi1>
      %reduce_sum3A_251 = tpu.scan <sum>, %select_n3A_248 masked %reduce_sum3A_250 : vector<16xf32>, vector<16xi1> -> vector<16xf32>
      %reduce_sum3A_252 = vector.extract %reduce_sum3A_251[15] : f32 from vector<16xf32>
      %eq3A_253 = vector.broadcast %reduce_sum3A_242 : i32 to vector<16xi32>
      %eq3A_254 = arith.cmpi eq, %iota3A, %eq3A_253 : vector<16xi32>
      %jit3A_255 = arith.constant 0.000000e+00 : f32
      %broadcast_in_dim3A_256 = vector.broadcast %reduce_sum3A_252 : f32 to vector<16xf32>
      %broadcast_in_dim3A_257 = vector.broadcast %jit3A_255 : f32 to vector<16xf32>
      %select_n3A_258 = arith.select %eq3A_254, %broadcast_in_dim3A_256, %broadcast_in_dim3A_257 : vector<16xi1>, vector<16xf32>
      %swap3A_259 = arith.constant 5 : i32
      %swap3A_260 = arith.index_cast %swap3A_259 : i32 to index
      %swap3A_261 = arith.constant 0 : index
      %swap3A_262 = tpu.vector_load %arg10[%swap3A_260, %swap3A_261] {strides = array<i32>} : memref<16x16xf32, #tpu.memory_space<vmem>>, vector<16xf32>,
      tpu.vector_store %arg10[%swap3A_260, %swap3A_261], %select_n3A_258 {strides = array<i32>} : memref<16x16xf32, #tpu.memory_space<vmem>>, vector<16xf32>,
      %eq3A_263 = arith.constant 6 : i32
      %eq3A_264 = vector.broadcast %eq3A_263 : i32 to vector<16xi32>
      %eq3A_265 = arith.cmpi eq, %iota3A, %eq3A_264 : vector<16xi32>
      %jit3A_266 = arith.constant 0 : i32
      %broadcast_in_dim3A_267 = vector.broadcast %jit3A_266 : i32 to vector<16xi32>
      %select_n3A_268 = arith.select %eq3A_265, %and3A_13, %broadcast_in_dim3A_267 : vector<16xi1>, vector<16xi32>
      %reduce_sum3A_269 = arith.constant true
      %reduce_sum3A_270 = vector.broadcast %reduce_sum3A_269 : i1 to vector<16xi1>
      %reduce_sum3A_271 = tpu.scan <sum>, %select_n3A_268 masked %reduce_sum3A_270 : vector<16xi32>, vector<16xi1> -> vector<16xi32>
      %reduce_sum3A_272 = vector.extract %reduce_sum3A_271[15] : i32 from vector<16xi32>
      %eq3A_273 = arith.constant 6 : i32
      %eq3A_274 = vector.broadcast %eq3A_273 : i32 to vector<16xi32>
      %eq3A_275 = arith.cmpi eq, %iota3A, %eq3A_274 : vector<16xi32>
      %jit3A_276 = arith.constant 0.000000e+00 : f32
      %broadcast_in_dim3A_277 = vector.broadcast %jit3A_276 : f32 to vector<16xf32>
      %select_n3A_278 = arith.select %eq3A_275, %get3A_11, %broadcast_in_dim3A_277 : vector<16xi1>, vector<16xf32>
      %reduce_sum3A_279 = arith.constant true
      %reduce_sum3A_280 = vector.broadcast %reduce_sum3A_279 : i1 to vector<16xi1>
      %reduce_sum3A_281 = tpu.scan <sum>, %select_n3A_278 masked %reduce_sum3A_280 : vector<16xf32>, vector<16xi1> -> vector<16xf32>
      %reduce_sum3A_282 = vector.extract %reduce_sum3A_281[15] : f32 from vector<16xf32>
      %eq3A_283 = vector.broadcast %reduce_sum3A_272 : i32 to vector<16xi32>
      %eq3A_284 = arith.cmpi eq, %iota3A, %eq3A_283 : vector<16xi32>
      %jit3A_285 = arith.constant 0.000000e+00 : f32
      %broadcast_in_dim3A_286 = vector.broadcast %reduce_sum3A_282 : f32 to vector<16xf32>
      %broadcast_in_dim3A_287 = vector.broadcast %jit3A_285 : f32 to vector<16xf32>
      %select_n3A_288 = arith.select %eq3A_284, %broadcast_in_dim3A_286, %broadcast_in_dim3A_287 : vector<16xi1>, vector<16xf32>
      %swap3A_289 = arith.constant 6 : i32
      %swap3A_290 = arith.index_cast %swap3A_289 : i32 to index
      %swap3A_291 = arith.constant 0 : index
      %swap3A_292 = tpu.vector_load %arg10[%swap3A_290, %swap3A_291] {strides = array<i32>} : memref<16x16xf32, #tpu.memory_space<vmem>>, vector<16xf32>,
      tpu.vector_store %arg10[%swap3A_290, %swap3A_291], %select_n3A_288 {strides = array<i32>} : memref<16x16xf32, #tpu.memory_space<vmem>>, vector<16xf32>,
      %eq3A_293 = arith.constant 7 : i32
      %eq3A_294 = vector.broadcast %eq3A_293 : i32 to vector<16xi32>
      %eq3A_295 = arith.cmpi eq, %iota3A, %eq3A_294 : vector<16xi32>
      %jit3A_296 = arith.constant 0 : i32
      %broadcast_in_dim3A_297 = vector.broadcast %jit3A_296 : i32 to vector<16xi32>
      %select_n3A_298 = arith.select %eq3A_295, %and3A_13, %broadcast_in_dim3A_297 : vector<16xi1>, vector<16xi32>
      %reduce_sum3A_299 = arith.constant true
      %reduce_sum3A_300 = vector.broadcast %reduce_sum3A_299 : i1 to vector<16xi1>
      %reduce_sum3A_301 = tpu.scan <sum>, %select_n3A_298 masked %reduce_sum3A_300 : vector<16xi32>, vector<16xi1> -> vector<16xi32>
      %reduce_sum3A_302 = vector.extract %reduce_sum3A_301[15] : i32 from vector<16xi32>
      %eq3A_303 = arith.constant 7 : i32
      %eq3A_304 = vector.broadcast %eq3A_303 : i32 to vector<16xi32>
      %eq3A_305 = arith.cmpi eq, %iota3A, %eq3A_304 : vector<16xi32>
      %jit3A_306 = arith.constant 0.000000e+00 : f32
      %broadcast_in_dim3A_307 = vector.broadcast %jit3A_306 : f32 to vector<16xf32>
      %select_n3A_308 = arith.select %eq3A_305, %get3A_11, %broadcast_in_dim3A_307 : vector<16xi1>, vector<16xf32>
      %reduce_sum3A_309 = arith.constant true
      %reduce_sum3A_310 = vector.broadcast %reduce_sum3A_309 : i1 to vector<16xi1>
      %reduce_sum3A_311 = tpu.scan <sum>, %select_n3A_308 masked %reduce_sum3A_310 : vector<16xf32>, vector<16xi1> -> vector<16xf32>
      %reduce_sum3A_312 = vector.extract %reduce_sum3A_311[15] : f32 from vector<16xf32>
      %eq3A_313 = vector.broadcast %reduce_sum3A_302 : i32 to vector<16xi32>
      %eq3A_314 = arith.cmpi eq, %iota3A, %eq3A_313 : vector<16xi32>
      %jit3A_315 = arith.constant 0.000000e+00 : f32
      %broadcast_in_dim3A_316 = vector.broadcast %reduce_sum3A_312 : f32 to vector<16xf32>
      %broadcast_in_dim3A_317 = vector.broadcast %jit3A_315 : f32 to vector<16xf32>
      %select_n3A_318 = arith.select %eq3A_314, %broadcast_in_dim3A_316, %broadcast_in_dim3A_317 : vector<16xi1>, vector<16xf32>
      %swap3A_319 = arith.constant 7 : i32
      %swap3A_320 = arith.index_cast %swap3A_319 : i32 to index
      %swap3A_321 = arith.constant 0 : index
      %swap3A_322 = tpu.vector_load %arg10[%swap3A_320, %swap3A_321] {strides = array<i32>} : memref<16x16xf32, #tpu.memory_space<vmem>>, vector<16xf32>,
      tpu.vector_store %arg10[%swap3A_320, %swap3A_321], %select_n3A_318 {strides = array<i32>} : memref<16x16xf32, #tpu.memory_space<vmem>>, vector<16xf32>,
      %eq3A_323 = arith.constant 8 : i32
      %eq3A_324 = vector.broadcast %eq3A_323 : i32 to vector<16xi32>
      %eq3A_325 = arith.cmpi eq, %iota3A, %eq3A_324 : vector<16xi32>
      %jit3A_326 = arith.constant 0 : i32
      %broadcast_in_dim3A_327 = vector.broadcast %jit3A_326 : i32 to vector<16xi32>
      %select_n3A_328 = arith.select %eq3A_325, %and3A_13, %broadcast_in_dim3A_327 : vector<16xi1>, vector<16xi32>
      %reduce_sum3A_329 = arith.constant true
      %reduce_sum3A_330 = vector.broadcast %reduce_sum3A_329 : i1 to vector<16xi1>
      %reduce_sum3A_331 = tpu.scan <sum>, %select_n3A_328 masked %reduce_sum3A_330 : vector<16xi32>, vector<16xi1> -> vector<16xi32>
      %reduce_sum3A_332 = vector.extract %reduce_sum3A_331[15] : i32 from vector<16xi32>
      %eq3A_333 = arith.constant 8 : i32
      %eq3A_334 = vector.broadcast %eq3A_333 : i32 to vector<16xi32>
      %eq3A_335 = arith.cmpi eq, %iota3A, %eq3A_334 : vector<16xi32>
      %jit3A_336 = arith.constant 0.000000e+00 : f32
      %broadcast_in_dim3A_337 = vector.broadcast %jit3A_336 : f32 to vector<16xf32>
      %select_n3A_338 = arith.select %eq3A_335, %get3A_11, %broadcast_in_dim3A_337 : vector<16xi1>, vector<16xf32>
      %reduce_sum3A_339 = arith.constant true
      %reduce_sum3A_340 = vector.broadcast %reduce_sum3A_339 : i1 to vector<16xi1>
      %reduce_sum3A_341 = tpu.scan <sum>, %select_n3A_338 masked %reduce_sum3A_340 : vector<16xf32>, vector<16xi1> -> vector<16xf32>
      %reduce_sum3A_342 = vector.extract %reduce_sum3A_341[15] : f32 from vector<16xf32>
      %eq3A_343 = vector.broadcast %reduce_sum3A_332 : i32 to vector<16xi32>
      %eq3A_344 = arith.cmpi eq, %iota3A, %eq3A_343 : vector<16xi32>
      %jit3A_345 = arith.constant 0.000000e+00 : f32
      %broadcast_in_dim3A_346 = vector.broadcast %reduce_sum3A_342 : f32 to vector<16xf32>
      %broadcast_in_dim3A_347 = vector.broadcast %jit3A_345 : f32 to vector<16xf32>
      %select_n3A_348 = arith.select %eq3A_344, %broadcast_in_dim3A_346, %broadcast_in_dim3A_347 : vector<16xi1>, vector<16xf32>
      %swap3A_349 = arith.constant 8 : i32
      %swap3A_350 = arith.index_cast %swap3A_349 : i32 to index
      %swap3A_351 = arith.constant 0 : index
      %swap3A_352 = tpu.vector_load %arg10[%swap3A_350, %swap3A_351] {strides = array<i32>} : memref<16x16xf32, #tpu.memory_space<vmem>>, vector<16xf32>,
      tpu.vector_store %arg10[%swap3A_350, %swap3A_351], %select_n3A_348 {strides = array<i32>} : memref<16x16xf32, #tpu.memory_space<vmem>>, vector<16xf32>,
      %eq3A_353 = arith.constant 9 : i32
      %eq3A_354 = vector.broadcast %eq3A_353 : i32 to vector<16xi32>
      %eq3A_355 = arith.cmpi eq, %iota3A, %eq3A_354 : vector<16xi32>
      %jit3A_356 = arith.constant 0 : i32
      %broadcast_in_dim3A_357 = vector.broadcast %jit3A_356 : i32 to vector<16xi32>
      %select_n3A_358 = arith.select %eq3A_355, %and3A_13, %broadcast_in_dim3A_357 : vector<16xi1>, vector<16xi32>
      %reduce_sum3A_359 = arith.constant true
      %reduce_sum3A_360 = vector.broadcast %reduce_sum3A_359 : i1 to vector<16xi1>
      %reduce_sum3A_361 = tpu.scan <sum>, %select_n3A_358 masked %reduce_sum3A_360 : vector<16xi32>, vector<16xi1> -> vector<16xi32>
      %reduce_sum3A_362 = vector.extract %reduce_sum3A_361[15] : i32 from vector<16xi32>
      %eq3A_363 = arith.constant 9 : i32
      %eq3A_364 = vector.broadcast %eq3A_363 : i32 to vector<16xi32>
      %eq3A_365 = arith.cmpi eq, %iota3A, %eq3A_364 : vector<16xi32>
      %jit3A_366 = arith.constant 0.000000e+00 : f32
      %broadcast_in_dim3A_367 = vector.broadcast %jit3A_366 : f32 to vector<16xf32>
      %select_n3A_368 = arith.select %eq3A_365, %get3A_11, %broadcast_in_dim3A_367 : vector<16xi1>, vector<16xf32>
      %reduce_sum3A_369 = arith.constant true
      %reduce_sum3A_370 = vector.broadcast %reduce_sum3A_369 : i1 to vector<16xi1>
      %reduce_sum3A_371 = tpu.scan <sum>, %select_n3A_368 masked %reduce_sum3A_370 : vector<16xf32>, vector<16xi1> -> vector<16xf32>
      %reduce_sum3A_372 = vector.extract %reduce_sum3A_371[15] : f32 from vector<16xf32>
      %eq3A_373 = vector.broadcast %reduce_sum3A_362 : i32 to vector<16xi32>
      %eq3A_374 = arith.cmpi eq, %iota3A, %eq3A_373 : vector<16xi32>
      %jit3A_375 = arith.constant 0.000000e+00 : f32
      %broadcast_in_dim3A_376 = vector.broadcast %reduce_sum3A_372 : f32 to vector<16xf32>
      %broadcast_in_dim3A_377 = vector.broadcast %jit3A_375 : f32 to vector<16xf32>
      %select_n3A_378 = arith.select %eq3A_374, %broadcast_in_dim3A_376, %broadcast_in_dim3A_377 : vector<16xi1>, vector<16xf32>
      %swap3A_379 = arith.constant 9 : i32
      %swap3A_380 = arith.index_cast %swap3A_379 : i32 to index
      %swap3A_381 = arith.constant 0 : index
      %swap3A_382 = tpu.vector_load %arg10[%swap3A_380, %swap3A_381] {strides = array<i32>} : memref<16x16xf32, #tpu.memory_space<vmem>>, vector<16xf32>,
      tpu.vector_store %arg10[%swap3A_380, %swap3A_381], %select_n3A_378 {strides = array<i32>} : memref<16x16xf32, #tpu.memory_space<vmem>>, vector<16xf32>,
      %eq3A_383 = arith.constant 10 : i32
      %eq3A_384 = vector.broadcast %eq3A_383 : i32 to vector<16xi32>
      %eq3A_385 = arith.cmpi eq, %iota3A, %eq3A_384 : vector<16xi32>
      %jit3A_386 = arith.constant 0 : i32
      %broadcast_in_dim3A_387 = vector.broadcast %jit3A_386 : i32 to vector<16xi32>
      %select_n3A_388 = arith.select %eq3A_385, %and3A_13, %broadcast_in_dim3A_387 : vector<16xi1>, vector<16xi32>
      %reduce_sum3A_389 = arith.constant true
      %reduce_sum3A_390 = vector.broadcast %reduce_sum3A_389 : i1 to vector<16xi1>
      %reduce_sum3A_391 = tpu.scan <sum>, %select_n3A_388 masked %reduce_sum3A_390 : vector<16xi32>, vector<16xi1> -> vector<16xi32>
      %reduce_sum3A_392 = vector.extract %reduce_sum3A_391[15] : i32 from vector<16xi32>
      %eq3A_393 = arith.constant 10 : i32
      %eq3A_394 = vector.broadcast %eq3A_393 : i32 to vector<16xi32>
      %eq3A_395 = arith.cmpi eq, %iota3A, %eq3A_394 : vector<16xi32>
      %jit3A_396 = arith.constant 0.000000e+00 : f32
      %broadcast_in_dim3A_397 = vector.broadcast %jit3A_396 : f32 to vector<16xf32>
      %select_n3A_398 = arith.select %eq3A_395, %get3A_11, %broadcast_in_dim3A_397 : vector<16xi1>, vector<16xf32>
      %reduce_sum3A_399 = arith.constant true
      %reduce_sum3A_400 = vector.broadcast %reduce_sum3A_399 : i1 to vector<16xi1>
      %reduce_sum3A_401 = tpu.scan <sum>, %select_n3A_398 masked %reduce_sum3A_400 : vector<16xf32>, vector<16xi1> -> vector<16xf32>
      %reduce_sum3A_402 = vector.extract %reduce_sum3A_401[15] : f32 from vector<16xf32>
      %eq3A_403 = vector.broadcast %reduce_sum3A_392 : i32 to vector<16xi32>
      %eq3A_404 = arith.cmpi eq, %iota3A, %eq3A_403 : vector<16xi32>
      %jit3A_405 = arith.constant 0.000000e+00 : f32
      %broadcast_in_dim3A_406 = vector.broadcast %reduce_sum3A_402 : f32 to vector<16xf32>
      %broadcast_in_dim3A_407 = vector.broadcast %jit3A_405 : f32 to vector<16xf32>
      %select_n3A_408 = arith.select %eq3A_404, %broadcast_in_dim3A_406, %broadcast_in_dim3A_407 : vector<16xi1>, vector<16xf32>
      %swap3A_409 = arith.constant 10 : i32
      %swap3A_410 = arith.index_cast %swap3A_409 : i32 to index
      %swap3A_411 = arith.constant 0 : index
      %swap3A_412 = tpu.vector_load %arg10[%swap3A_410, %swap3A_411] {strides = array<i32>} : memref<16x16xf32, #tpu.memory_space<vmem>>, vector<16xf32>,
      tpu.vector_store %arg10[%swap3A_410, %swap3A_411], %select_n3A_408 {strides = array<i32>} : memref<16x16xf32, #tpu.memory_space<vmem>>, vector<16xf32>,
      %eq3A_413 = arith.constant 11 : i32
      %eq3A_414 = vector.broadcast %eq3A_413 : i32 to vector<16xi32>
      %eq3A_415 = arith.cmpi eq, %iota3A, %eq3A_414 : vector<16xi32>
      %jit3A_416 = arith.constant 0 : i32
      %broadcast_in_dim3A_417 = vector.broadcast %jit3A_416 : i32 to vector<16xi32>
      %select_n3A_418 = arith.select %eq3A_415, %and3A_13, %broadcast_in_dim3A_417 : vector<16xi1>, vector<16xi32>
      %reduce_sum3A_419 = arith.constant true
      %reduce_sum3A_420 = vector.broadcast %reduce_sum3A_419 : i1 to vector<16xi1>
      %reduce_sum3A_421 = tpu.scan <sum>, %select_n3A_418 masked %reduce_sum3A_420 : vector<16xi32>, vector<16xi1> -> vector<16xi32>
      %reduce_sum3A_422 = vector.extract %reduce_sum3A_421[15] : i32 from vector<16xi32>
      %eq3A_423 = arith.constant 11 : i32
      %eq3A_424 = vector.broadcast %eq3A_423 : i32 to vector<16xi32>
      %eq3A_425 = arith.cmpi eq, %iota3A, %eq3A_424 : vector<16xi32>
      %jit3A_426 = arith.constant 0.000000e+00 : f32
      %broadcast_in_dim3A_427 = vector.broadcast %jit3A_426 : f32 to vector<16xf32>
      %select_n3A_428 = arith.select %eq3A_425, %get3A_11, %broadcast_in_dim3A_427 : vector<16xi1>, vector<16xf32>
      %reduce_sum3A_429 = arith.constant true
      %reduce_sum3A_430 = vector.broadcast %reduce_sum3A_429 : i1 to vector<16xi1>
      %reduce_sum3A_431 = tpu.scan <sum>, %select_n3A_428 masked %reduce_sum3A_430 : vector<16xf32>, vector<16xi1> -> vector<16xf32>
      %reduce_sum3A_432 = vector.extract %reduce_sum3A_431[15] : f32 from vector<16xf32>
      %eq3A_433 = vector.broadcast %reduce_sum3A_422 : i32 to vector<16xi32>
      %eq3A_434 = arith.cmpi eq, %iota3A, %eq3A_433 : vector<16xi32>
      %jit3A_435 = arith.constant 0.000000e+00 : f32
      %broadcast_in_dim3A_436 = vector.broadcast %reduce_sum3A_432 : f32 to vector<16xf32>
      %broadcast_in_dim3A_437 = vector.broadcast %jit3A_435 : f32 to vector<16xf32>
      %select_n3A_438 = arith.select %eq3A_434, %broadcast_in_dim3A_436, %broadcast_in_dim3A_437 : vector<16xi1>, vector<16xf32>
      %swap3A_439 = arith.constant 11 : i32
      %swap3A_440 = arith.index_cast %swap3A_439 : i32 to index
      %swap3A_441 = arith.constant 0 : index
      %swap3A_442 = tpu.vector_load %arg10[%swap3A_440, %swap3A_441] {strides = array<i32>} : memref<16x16xf32, #tpu.memory_space<vmem>>, vector<16xf32>,
      tpu.vector_store %arg10[%swap3A_440, %swap3A_441], %select_n3A_438 {strides = array<i32>} : memref<16x16xf32, #tpu.memory_space<vmem>>, vector<16xf32>,
      %eq3A_443 = arith.constant 12 : i32
      %eq3A_444 = vector.broadcast %eq3A_443 : i32 to vector<16xi32>
      %eq3A_445 = arith.cmpi eq, %iota3A, %eq3A_444 : vector<16xi32>
      %jit3A_446 = arith.constant 0 : i32
      %broadcast_in_dim3A_447 = vector.broadcast %jit3A_446 : i32 to vector<16xi32>
      %select_n3A_448 = arith.select %eq3A_445, %and3A_13, %broadcast_in_dim3A_447 : vector<16xi1>, vector<16xi32>
      %reduce_sum3A_449 = arith.constant true
      %reduce_sum3A_450 = vector.broadcast %reduce_sum3A_449 : i1 to vector<16xi1>
      %reduce_sum3A_451 = tpu.scan <sum>, %select_n3A_448 masked %reduce_sum3A_450 : vector<16xi32>, vector<16xi1> -> vector<16xi32>
      %reduce_sum3A_452 = vector.extract %reduce_sum3A_451[15] : i32 from vector<16xi32>
      %eq3A_453 = arith.constant 12 : i32
      %eq3A_454 = vector.broadcast %eq3A_453 : i32 to vector<16xi32>
      %eq3A_455 = arith.cmpi eq, %iota3A, %eq3A_454 : vector<16xi32>
      %jit3A_456 = arith.constant 0.000000e+00 : f32
      %broadcast_in_dim3A_457 = vector.broadcast %jit3A_456 : f32 to vector<16xf32>
      %select_n3A_458 = arith.select %eq3A_455, %get3A_11, %broadcast_in_dim3A_457 : vector<16xi1>, vector<16xf32>
      %reduce_sum3A_459 = arith.constant true
      %reduce_sum3A_460 = vector.broadcast %reduce_sum3A_459 : i1 to vector<16xi1>
      %reduce_sum3A_461 = tpu.scan <sum>, %select_n3A_458 masked %reduce_sum3A_460 : vector<16xf32>, vector<16xi1> -> vector<16xf32>
      %reduce_sum3A_462 = vector.extract %reduce_sum3A_461[15] : f32 from vector<16xf32>
      %eq3A_463 = vector.broadcast %reduce_sum3A_452 : i32 to vector<16xi32>
      %eq3A_464 = arith.cmpi eq, %iota3A, %eq3A_463 : vector<16xi32>
      %jit3A_465 = arith.constant 0.000000e+00 : f32
      %broadcast_in_dim3A_466 = vector.broadcast %reduce_sum3A_462 : f32 to vector<16xf32>
      %broadcast_in_dim3A_467 = vector.broadcast %jit3A_465 : f32 to vector<16xf32>
      %select_n3A_468 = arith.select %eq3A_464, %broadcast_in_dim3A_466, %broadcast_in_dim3A_467 : vector<16xi1>, vector<16xf32>
      %swap3A_469 = arith.constant 12 : i32
      %swap3A_470 = arith.index_cast %swap3A_469 : i32 to index
      %swap3A_471 = arith.constant 0 : index
      %swap3A_472 = tpu.vector_load %arg10[%swap3A_470, %swap3A_471] {strides = array<i32>} : memref<16x16xf32, #tpu.memory_space<vmem>>, vector<16xf32>,
      tpu.vector_store %arg10[%swap3A_470, %swap3A_471], %select_n3A_468 {strides = array<i32>} : memref<16x16xf32, #tpu.memory_space<vmem>>, vector<16xf32>,
      %eq3A_473 = arith.constant 13 : i32
      %eq3A_474 = vector.broadcast %eq3A_473 : i32 to vector<16xi32>
      %eq3A_475 = arith.cmpi eq, %iota3A, %eq3A_474 : vector<16xi32>
      %jit3A_476 = arith.constant 0 : i32
      %broadcast_in_dim3A_477 = vector.broadcast %jit3A_476 : i32 to vector<16xi32>
      %select_n3A_478 = arith.select %eq3A_475, %and3A_13, %broadcast_in_dim3A_477 : vector<16xi1>, vector<16xi32>
      %reduce_sum3A_479 = arith.constant true
      %reduce_sum3A_480 = vector.broadcast %reduce_sum3A_479 : i1 to vector<16xi1>
      %reduce_sum3A_481 = tpu.scan <sum>, %select_n3A_478 masked %reduce_sum3A_480 : vector<16xi32>, vector<16xi1> -> vector<16xi32>
      %reduce_sum3A_482 = vector.extract %reduce_sum3A_481[15] : i32 from vector<16xi32>
      %eq3A_483 = arith.constant 13 : i32
      %eq3A_484 = vector.broadcast %eq3A_483 : i32 to vector<16xi32>
      %eq3A_485 = arith.cmpi eq, %iota3A, %eq3A_484 : vector<16xi32>
      %jit3A_486 = arith.constant 0.000000e+00 : f32
      %broadcast_in_dim3A_487 = vector.broadcast %jit3A_486 : f32 to vector<16xf32>
      %select_n3A_488 = arith.select %eq3A_485, %get3A_11, %broadcast_in_dim3A_487 : vector<16xi1>, vector<16xf32>
      %reduce_sum3A_489 = arith.constant true
      %reduce_sum3A_490 = vector.broadcast %reduce_sum3A_489 : i1 to vector<16xi1>
      %reduce_sum3A_491 = tpu.scan <sum>, %select_n3A_488 masked %reduce_sum3A_490 : vector<16xf32>, vector<16xi1> -> vector<16xf32>
      %reduce_sum3A_492 = vector.extract %reduce_sum3A_491[15] : f32 from vector<16xf32>
      %eq3A_493 = vector.broadcast %reduce_sum3A_482 : i32 to vector<16xi32>
      %eq3A_494 = arith.cmpi eq, %iota3A, %eq3A_493 : vector<16xi32>
      %jit3A_495 = arith.constant 0.000000e+00 : f32
      %broadcast_in_dim3A_496 = vector.broadcast %reduce_sum3A_492 : f32 to vector<16xf32>
      %broadcast_in_dim3A_497 = vector.broadcast %jit3A_495 : f32 to vector<16xf32>
      %select_n3A_498 = arith.select %eq3A_494, %broadcast_in_dim3A_496, %broadcast_in_dim3A_497 : vector<16xi1>, vector<16xf32>
      %swap3A_499 = arith.constant 13 : i32
      %swap3A_500 = arith.index_cast %swap3A_499 : i32 to index
      %swap3A_501 = arith.constant 0 : index
      %swap3A_502 = tpu.vector_load %arg10[%swap3A_500, %swap3A_501] {strides = array<i32>} : memref<16x16xf32, #tpu.memory_space<vmem>>, vector<16xf32>,
      tpu.vector_store %arg10[%swap3A_500, %swap3A_501], %select_n3A_498 {strides = array<i32>} : memref<16x16xf32, #tpu.memory_space<vmem>>, vector<16xf32>,
      %eq3A_503 = arith.constant 14 : i32
      %eq3A_504 = vector.broadcast %eq3A_503 : i32 to vector<16xi32>
      %eq3A_505 = arith.cmpi eq, %iota3A, %eq3A_504 : vector<16xi32>
      %jit3A_506 = arith.constant 0 : i32
      %broadcast_in_dim3A_507 = vector.broadcast %jit3A_506 : i32 to vector<16xi32>
      %select_n3A_508 = arith.select %eq3A_505, %and3A_13, %broadcast_in_dim3A_507 : vector<16xi1>, vector<16xi32>
      %reduce_sum3A_509 = arith.constant true
      %reduce_sum3A_510 = vector.broadcast %reduce_sum3A_509 : i1 to vector<16xi1>
      %reduce_sum3A_511 = tpu.scan <sum>, %select_n3A_508 masked %reduce_sum3A_510 : vector<16xi32>, vector<16xi1> -> vector<16xi32>
      %reduce_sum3A_512 = vector.extract %reduce_sum3A_511[15] : i32 from vector<16xi32>
      %eq3A_513 = arith.constant 14 : i32
      %eq3A_514 = vector.broadcast %eq3A_513 : i32 to vector<16xi32>
      %eq3A_515 = arith.cmpi eq, %iota3A, %eq3A_514 : vector<16xi32>
      %jit3A_516 = arith.constant 0.000000e+00 : f32
      %broadcast_in_dim3A_517 = vector.broadcast %jit3A_516 : f32 to vector<16xf32>
      %select_n3A_518 = arith.select %eq3A_515, %get3A_11, %broadcast_in_dim3A_517 : vector<16xi1>, vector<16xf32>
      %reduce_sum3A_519 = arith.constant true
      %reduce_sum3A_520 = vector.broadcast %reduce_sum3A_519 : i1 to vector<16xi1>
      %reduce_sum3A_521 = tpu.scan <sum>, %select_n3A_518 masked %reduce_sum3A_520 : vector<16xf32>, vector<16xi1> -> vector<16xf32>
      %reduce_sum3A_522 = vector.extract %reduce_sum3A_521[15] : f32 from vector<16xf32>
      %eq3A_523 = vector.broadcast %reduce_sum3A_512 : i32 to vector<16xi32>
      %eq3A_524 = arith.cmpi eq, %iota3A, %eq3A_523 : vector<16xi32>
      %jit3A_525 = arith.constant 0.000000e+00 : f32
      %broadcast_in_dim3A_526 = vector.broadcast %reduce_sum3A_522 : f32 to vector<16xf32>
      %broadcast_in_dim3A_527 = vector.broadcast %jit3A_525 : f32 to vector<16xf32>
      %select_n3A_528 = arith.select %eq3A_524, %broadcast_in_dim3A_526, %broadcast_in_dim3A_527 : vector<16xi1>, vector<16xf32>
      %swap3A_529 = arith.constant 14 : i32
      %swap3A_530 = arith.index_cast %swap3A_529 : i32 to index
      %swap3A_531 = arith.constant 0 : index
      %swap3A_532 = tpu.vector_load %arg10[%swap3A_530, %swap3A_531] {strides = array<i32>} : memref<16x16xf32, #tpu.memory_space<vmem>>, vector<16xf32>,
      tpu.vector_store %arg10[%swap3A_530, %swap3A_531], %select_n3A_528 {strides = array<i32>} : memref<16x16xf32, #tpu.memory_space<vmem>>, vector<16xf32>,
      %eq3A_533 = arith.constant 15 : i32
      %eq3A_534 = vector.broadcast %eq3A_533 : i32 to vector<16xi32>
      %eq3A_535 = arith.cmpi eq, %iota3A, %eq3A_534 : vector<16xi32>
      %jit3A_536 = arith.constant 0 : i32
      %broadcast_in_dim3A_537 = vector.broadcast %jit3A_536 : i32 to vector<16xi32>
      %select_n3A_538 = arith.select %eq3A_535, %and3A_13, %broadcast_in_dim3A_537 : vector<16xi1>, vector<16xi32>
      %reduce_sum3A_539 = arith.constant true
      %reduce_sum3A_540 = vector.broadcast %reduce_sum3A_539 : i1 to vector<16xi1>
      %reduce_sum3A_541 = tpu.scan <sum>, %select_n3A_538 masked %reduce_sum3A_540 : vector<16xi32>, vector<16xi1> -> vector<16xi32>
      %reduce_sum3A_542 = vector.extract %reduce_sum3A_541[15] : i32 from vector<16xi32>
      %eq3A_543 = arith.constant 15 : i32
      %eq3A_544 = vector.broadcast %eq3A_543 : i32 to vector<16xi32>
      %eq3A_545 = arith.cmpi eq, %iota3A, %eq3A_544 : vector<16xi32>
      %jit3A_546 = arith.constant 0.000000e+00 : f32
      %broadcast_in_dim3A_547 = vector.broadcast %jit3A_546 : f32 to vector<16xf32>
      %select_n3A_548 = arith.select %eq3A_545, %get3A_11, %broadcast_in_dim3A_547 : vector<16xi1>, vector<16xf32>
      %reduce_sum3A_549 = arith.constant true
      %reduce_sum3A_550 = vector.broadcast %reduce_sum3A_549 : i1 to vector<16xi1>
      %reduce_sum3A_551 = tpu.scan <sum>, %select_n3A_548 masked %reduce_sum3A_550 : vector<16xf32>, vector<16xi1> -> vector<16xf32>
      %reduce_sum3A_552 = vector.extract %reduce_sum3A_551[15] : f32 from vector<16xf32>
      %eq3A_553 = vector.broadcast %reduce_sum3A_542 : i32 to vector<16xi32>
      %eq3A_554 = arith.cmpi eq, %iota3A, %eq3A_553 : vector<16xi32>
      %jit3A_555 = arith.constant 0.000000e+00 : f32
      %broadcast_in_dim3A_556 = vector.broadcast %reduce_sum3A_552 : f32 to vector<16xf32>
      %broadcast_in_dim3A_557 = vector.broadcast %jit3A_555 : f32 to vector<16xf32>
      %select_n3A_558 = arith.select %eq3A_554, %broadcast_in_dim3A_556, %broadcast_in_dim3A_557 : vector<16xi1>, vector<16xf32>
      %swap3A_559 = arith.constant 15 : i32
      %swap3A_560 = arith.index_cast %swap3A_559 : i32 to index
      %swap3A_561 = arith.constant 0 : index
      %swap3A_562 = tpu.vector_load %arg10[%swap3A_560, %swap3A_561] {strides = array<i32>} : memref<16x16xf32, #tpu.memory_space<vmem>>, vector<16xf32>,
      tpu.vector_store %arg10[%swap3A_560, %swap3A_561], %select_n3A_558 {strides = array<i32>} : memref<16x16xf32, #tpu.memory_space<vmem>>, vector<16xf32>,
      "tpu.region"() ({
        %run_scoped3A = tpu.sem_alloc : memref<!tpu.dma_semaphore, #tpu.memory_space<semaphore_mem>>
        %dma_start3A_920 = arith.constant 0 : i32
        %dma_start3A_921 = arith.constant 0 : i32
        %dma_start3A_922 = tpu.memref_slice %arg13[%dma_start3A_920, %dma_start3A_921] : memref<16384x16xf32, #tpu.memory_space<vmem_shared>> -> memref<16384x16xf32, #tpu.memory_space<vmem_shared>>
        tpu.enqueue_indirect_dma source(%arg10 : memref<16x16xf32, #tpu.memory_space<vmem>>) target(%dma_start3A_922 : memref<16384x16xf32, #tpu.memory_space<vmem_shared>>) offsets(%arg7 : memref<16xi32, #tpu.memory_space<vmem>>) semaphore(%run_scoped3A : memref<!tpu.dma_semaphore, #tpu.memory_space<semaphore_mem>>) {add = true}
        %dma_wait3A_923 = arith.constant 0 : i32
        %dma_wait3A_924 = arith.constant 0 : i32
        %dma_wait3A_925 = tpu.memref_slice %arg13[%dma_wait3A_923, %dma_wait3A_924] : memref<16384x16xf32, #tpu.memory_space<vmem_shared>> -> memref<16384x16xf32, #tpu.memory_space<vmem_shared>>
        tpu.wait_indirect_dma semaphore(%run_scoped3A : memref<!tpu.dma_semaphore, #tpu.memory_space<semaphore_mem>>) src(%arg10 : memref<16x16xf32, #tpu.memory_space<vmem>>) dst(%dma_wait3A_925 : memref<16384x16xf32, #tpu.memory_space<vmem_shared>>)
        tpu.yield
      }) : () -> ()
      %barrier3A_563 = arith.constant 0 : index
      tpu.barrier barrier_id(%barrier3A_563)
      %dma_start3A_564 = arith.constant 0 : i32
      %dma_start3A_565 = arith.constant 0 : i32
      %dma_start3A_566 = tpu.memref_slice %arg13[%dma_start3A_564, %dma_start3A_565] : memref<16384x16xf32, #tpu.memory_space<vmem_shared>> -> memref<16384x16xf32, #tpu.memory_space<vmem_shared>>
      tpu.enqueue_indirect_dma source(%dma_start3A_566 : memref<16384x16xf32, #tpu.memory_space<vmem_shared>>) target(%arg11 : memref<16x16xf32, #tpu.memory_space<vmem>>) offsets(%arg7 : memref<16xi32, #tpu.memory_space<vmem>>) semaphore(%arg14 : memref<!tpu.dma_semaphore, #tpu.memory_space<semaphore_mem>>)
      %dma_wait3A_567 = arith.constant 0 : i32
      %dma_wait3A_568 = arith.constant 0 : i32
      %dma_wait3A_569 = tpu.memref_slice %arg13[%dma_wait3A_567, %dma_wait3A_568] : memref<16384x16xf32, #tpu.memory_space<vmem_shared>> -> memref<16384x16xf32, #tpu.memory_space<vmem_shared>>
      tpu.wait_indirect_dma semaphore(%arg14 : memref<!tpu.dma_semaphore, #tpu.memory_space<semaphore_mem>>) src(%dma_wait3A_569 : memref<16384x16xf32, #tpu.memory_space<vmem_shared>>) dst(%arg11 : memref<16x16xf32, #tpu.memory_space<vmem>>)
      %get3A_570 = arith.constant 0 : i32
      %get3A_571 = arith.index_cast %get3A_570 : i32 to index
      %get3A_572 = arith.constant 0 : index
      %get3A_573 = tpu.vector_load %arg9[%get3A_571, %get3A_572] {strides = array<i32>} : memref<16x16xf32, #tpu.memory_space<vmem>>, vector<16xf32>,
      %mul3A_574 = arith.constant 1.100000e+00 : f32
      %mul3A_575 = vector.broadcast %mul3A_574 : f32 to vector<16xf32>
      %mul3A_576 = arith.mulf %get3A_573, %mul3A_575 : vector<16xf32>
      %min3A = arith.constant 2.000000e+00 : f32
      %min3A_577 = vector.broadcast %min3A : f32 to vector<16xf32>
      %min3A_578 = arith.minimumf %mul3A_576, %min3A_577 : vector<16xf32>
      %get3A_579 = arith.constant 0 : i32
      %get3A_580 = arith.index_cast %get3A_579 : i32 to index
      %get3A_581 = arith.constant 0 : index
      %get3A_582 = tpu.vector_load %arg11[%get3A_580, %get3A_581] {strides = array<i32>} : memref<16x16xf32, #tpu.memory_space<vmem>>, vector<16xf32>,
      %gt3A = arith.constant 5.000000e-01 : f32
      %gt3A_583 = vector.broadcast %gt3A : f32 to vector<16xf32>
      %gt3A_584 = arith.cmpf ogt, %get3A_582, %gt3A_583 : vector<16xf32>
      %select_n3A_585 = arith.select %gt3A_584, %min3A_578, %get3A_573 : vector<16xi1>, vector<16xf32>
      %swap3A_586 = arith.constant 0 : i32
      %swap3A_587 = arith.index_cast %swap3A_586 : i32 to index
      %swap3A_588 = arith.constant 0 : index
      %swap3A_589 = tpu.vector_load %arg9[%swap3A_587, %swap3A_588] {strides = array<i32>} : memref<16x16xf32, #tpu.memory_space<vmem>>, vector<16xf32>,
      tpu.vector_store %arg9[%swap3A_587, %swap3A_588], %select_n3A_585 {strides = array<i32>} : memref<16x16xf32, #tpu.memory_space<vmem>>, vector<16xf32>,
      %get3A_590 = arith.constant 1 : i32
      %get3A_591 = arith.index_cast %get3A_590 : i32 to index
      %get3A_592 = arith.constant 0 : index
      %get3A_593 = tpu.vector_load %arg9[%get3A_591, %get3A_592] {strides = array<i32>} : memref<16x16xf32, #tpu.memory_space<vmem>>, vector<16xf32>,
      %mul3A_594 = arith.constant 1.100000e+00 : f32
      %mul3A_595 = vector.broadcast %mul3A_594 : f32 to vector<16xf32>
      %mul3A_596 = arith.mulf %get3A_593, %mul3A_595 : vector<16xf32>
      %min3A_597 = arith.constant 2.000000e+00 : f32
      %min3A_598 = vector.broadcast %min3A_597 : f32 to vector<16xf32>
      %min3A_599 = arith.minimumf %mul3A_596, %min3A_598 : vector<16xf32>
      %get3A_600 = arith.constant 1 : i32
      %get3A_601 = arith.index_cast %get3A_600 : i32 to index
      %get3A_602 = arith.constant 0 : index
      %get3A_603 = tpu.vector_load %arg11[%get3A_601, %get3A_602] {strides = array<i32>} : memref<16x16xf32, #tpu.memory_space<vmem>>, vector<16xf32>,
      %gt3A_604 = arith.constant 5.000000e-01 : f32
      %gt3A_605 = vector.broadcast %gt3A_604 : f32 to vector<16xf32>
      %gt3A_606 = arith.cmpf ogt, %get3A_603, %gt3A_605 : vector<16xf32>
      %select_n3A_607 = arith.select %gt3A_606, %min3A_599, %get3A_593 : vector<16xi1>, vector<16xf32>
      %swap3A_608 = arith.constant 1 : i32
      %swap3A_609 = arith.index_cast %swap3A_608 : i32 to index
      %swap3A_610 = arith.constant 0 : index
      %swap3A_611 = tpu.vector_load %arg9[%swap3A_609, %swap3A_610] {strides = array<i32>} : memref<16x16xf32, #tpu.memory_space<vmem>>, vector<16xf32>,
      tpu.vector_store %arg9[%swap3A_609, %swap3A_610], %select_n3A_607 {strides = array<i32>} : memref<16x16xf32, #tpu.memory_space<vmem>>, vector<16xf32>,
      %get3A_612 = arith.constant 2 : i32
      %get3A_613 = arith.index_cast %get3A_612 : i32 to index
      %get3A_614 = arith.constant 0 : index
      %get3A_615 = tpu.vector_load %arg9[%get3A_613, %get3A_614] {strides = array<i32>} : memref<16x16xf32, #tpu.memory_space<vmem>>, vector<16xf32>,
      %mul3A_616 = arith.constant 1.100000e+00 : f32
      %mul3A_617 = vector.broadcast %mul3A_616 : f32 to vector<16xf32>
      %mul3A_618 = arith.mulf %get3A_615, %mul3A_617 : vector<16xf32>
      %min3A_619 = arith.constant 2.000000e+00 : f32
      %min3A_620 = vector.broadcast %min3A_619 : f32 to vector<16xf32>
      %min3A_621 = arith.minimumf %mul3A_618, %min3A_620 : vector<16xf32>
      %get3A_622 = arith.constant 2 : i32
      %get3A_623 = arith.index_cast %get3A_622 : i32 to index
      %get3A_624 = arith.constant 0 : index
      %get3A_625 = tpu.vector_load %arg11[%get3A_623, %get3A_624] {strides = array<i32>} : memref<16x16xf32, #tpu.memory_space<vmem>>, vector<16xf32>,
      %gt3A_626 = arith.constant 5.000000e-01 : f32
      %gt3A_627 = vector.broadcast %gt3A_626 : f32 to vector<16xf32>
      %gt3A_628 = arith.cmpf ogt, %get3A_625, %gt3A_627 : vector<16xf32>
      %select_n3A_629 = arith.select %gt3A_628, %min3A_621, %get3A_615 : vector<16xi1>, vector<16xf32>
      %swap3A_630 = arith.constant 2 : i32
      %swap3A_631 = arith.index_cast %swap3A_630 : i32 to index
      %swap3A_632 = arith.constant 0 : index
      %swap3A_633 = tpu.vector_load %arg9[%swap3A_631, %swap3A_632] {strides = array<i32>} : memref<16x16xf32, #tpu.memory_space<vmem>>, vector<16xf32>,
      tpu.vector_store %arg9[%swap3A_631, %swap3A_632], %select_n3A_629 {strides = array<i32>} : memref<16x16xf32, #tpu.memory_space<vmem>>, vector<16xf32>,
      %get3A_634 = arith.constant 3 : i32
      %get3A_635 = arith.index_cast %get3A_634 : i32 to index
      %get3A_636 = arith.constant 0 : index
      %get3A_637 = tpu.vector_load %arg9[%get3A_635, %get3A_636] {strides = array<i32>} : memref<16x16xf32, #tpu.memory_space<vmem>>, vector<16xf32>,
      %mul3A_638 = arith.constant 1.100000e+00 : f32
      %mul3A_639 = vector.broadcast %mul3A_638 : f32 to vector<16xf32>
      %mul3A_640 = arith.mulf %get3A_637, %mul3A_639 : vector<16xf32>
      %min3A_641 = arith.constant 2.000000e+00 : f32
      %min3A_642 = vector.broadcast %min3A_641 : f32 to vector<16xf32>
      %min3A_643 = arith.minimumf %mul3A_640, %min3A_642 : vector<16xf32>
      %get3A_644 = arith.constant 3 : i32
      %get3A_645 = arith.index_cast %get3A_644 : i32 to index
      %get3A_646 = arith.constant 0 : index
      %get3A_647 = tpu.vector_load %arg11[%get3A_645, %get3A_646] {strides = array<i32>} : memref<16x16xf32, #tpu.memory_space<vmem>>, vector<16xf32>,
      %gt3A_648 = arith.constant 5.000000e-01 : f32
      %gt3A_649 = vector.broadcast %gt3A_648 : f32 to vector<16xf32>
      %gt3A_650 = arith.cmpf ogt, %get3A_647, %gt3A_649 : vector<16xf32>
      %select_n3A_651 = arith.select %gt3A_650, %min3A_643, %get3A_637 : vector<16xi1>, vector<16xf32>
      %swap3A_652 = arith.constant 3 : i32
      %swap3A_653 = arith.index_cast %swap3A_652 : i32 to index
      %swap3A_654 = arith.constant 0 : index
      %swap3A_655 = tpu.vector_load %arg9[%swap3A_653, %swap3A_654] {strides = array<i32>} : memref<16x16xf32, #tpu.memory_space<vmem>>, vector<16xf32>,
      tpu.vector_store %arg9[%swap3A_653, %swap3A_654], %select_n3A_651 {strides = array<i32>} : memref<16x16xf32, #tpu.memory_space<vmem>>, vector<16xf32>,
      %get3A_656 = arith.constant 4 : i32
      %get3A_657 = arith.index_cast %get3A_656 : i32 to index
      %get3A_658 = arith.constant 0 : index
      %get3A_659 = tpu.vector_load %arg9[%get3A_657, %get3A_658] {strides = array<i32>} : memref<16x16xf32, #tpu.memory_space<vmem>>, vector<16xf32>,
      %mul3A_660 = arith.constant 1.100000e+00 : f32
      %mul3A_661 = vector.broadcast %mul3A_660 : f32 to vector<16xf32>
      %mul3A_662 = arith.mulf %get3A_659, %mul3A_661 : vector<16xf32>
      %min3A_663 = arith.constant 2.000000e+00 : f32
      %min3A_664 = vector.broadcast %min3A_663 : f32 to vector<16xf32>
      %min3A_665 = arith.minimumf %mul3A_662, %min3A_664 : vector<16xf32>
      %get3A_666 = arith.constant 4 : i32
      %get3A_667 = arith.index_cast %get3A_666 : i32 to index
      %get3A_668 = arith.constant 0 : index
      %get3A_669 = tpu.vector_load %arg11[%get3A_667, %get3A_668] {strides = array<i32>} : memref<16x16xf32, #tpu.memory_space<vmem>>, vector<16xf32>,
      %gt3A_670 = arith.constant 5.000000e-01 : f32
      %gt3A_671 = vector.broadcast %gt3A_670 : f32 to vector<16xf32>
      %gt3A_672 = arith.cmpf ogt, %get3A_669, %gt3A_671 : vector<16xf32>
      %select_n3A_673 = arith.select %gt3A_672, %min3A_665, %get3A_659 : vector<16xi1>, vector<16xf32>
      %swap3A_674 = arith.constant 4 : i32
      %swap3A_675 = arith.index_cast %swap3A_674 : i32 to index
      %swap3A_676 = arith.constant 0 : index
      %swap3A_677 = tpu.vector_load %arg9[%swap3A_675, %swap3A_676] {strides = array<i32>} : memref<16x16xf32, #tpu.memory_space<vmem>>, vector<16xf32>,
      tpu.vector_store %arg9[%swap3A_675, %swap3A_676], %select_n3A_673 {strides = array<i32>} : memref<16x16xf32, #tpu.memory_space<vmem>>, vector<16xf32>,
      %get3A_678 = arith.constant 5 : i32
      %get3A_679 = arith.index_cast %get3A_678 : i32 to index
      %get3A_680 = arith.constant 0 : index
      %get3A_681 = tpu.vector_load %arg9[%get3A_679, %get3A_680] {strides = array<i32>} : memref<16x16xf32, #tpu.memory_space<vmem>>, vector<16xf32>,
      %mul3A_682 = arith.constant 1.100000e+00 : f32
      %mul3A_683 = vector.broadcast %mul3A_682 : f32 to vector<16xf32>
      %mul3A_684 = arith.mulf %get3A_681, %mul3A_683 : vector<16xf32>
      %min3A_685 = arith.constant 2.000000e+00 : f32
      %min3A_686 = vector.broadcast %min3A_685 : f32 to vector<16xf32>
      %min3A_687 = arith.minimumf %mul3A_684, %min3A_686 : vector<16xf32>
      %get3A_688 = arith.constant 5 : i32
      %get3A_689 = arith.index_cast %get3A_688 : i32 to index
      %get3A_690 = arith.constant 0 : index
      %get3A_691 = tpu.vector_load %arg11[%get3A_689, %get3A_690] {strides = array<i32>} : memref<16x16xf32, #tpu.memory_space<vmem>>, vector<16xf32>,
      %gt3A_692 = arith.constant 5.000000e-01 : f32
      %gt3A_693 = vector.broadcast %gt3A_692 : f32 to vector<16xf32>
      %gt3A_694 = arith.cmpf ogt, %get3A_691, %gt3A_693 : vector<16xf32>
      %select_n3A_695 = arith.select %gt3A_694, %min3A_687, %get3A_681 : vector<16xi1>, vector<16xf32>
      %swap3A_696 = arith.constant 5 : i32
      %swap3A_697 = arith.index_cast %swap3A_696 : i32 to index
      %swap3A_698 = arith.constant 0 : index
      %swap3A_699 = tpu.vector_load %arg9[%swap3A_697, %swap3A_698] {strides = array<i32>} : memref<16x16xf32, #tpu.memory_space<vmem>>, vector<16xf32>,
      tpu.vector_store %arg9[%swap3A_697, %swap3A_698], %select_n3A_695 {strides = array<i32>} : memref<16x16xf32, #tpu.memory_space<vmem>>, vector<16xf32>,
      %get3A_700 = arith.constant 6 : i32
      %get3A_701 = arith.index_cast %get3A_700 : i32 to index
      %get3A_702 = arith.constant 0 : index
      %get3A_703 = tpu.vector_load %arg9[%get3A_701, %get3A_702] {strides = array<i32>} : memref<16x16xf32, #tpu.memory_space<vmem>>, vector<16xf32>,
      %mul3A_704 = arith.constant 1.100000e+00 : f32
      %mul3A_705 = vector.broadcast %mul3A_704 : f32 to vector<16xf32>
      %mul3A_706 = arith.mulf %get3A_703, %mul3A_705 : vector<16xf32>
      %min3A_707 = arith.constant 2.000000e+00 : f32
      %min3A_708 = vector.broadcast %min3A_707 : f32 to vector<16xf32>
      %min3A_709 = arith.minimumf %mul3A_706, %min3A_708 : vector<16xf32>
      %get3A_710 = arith.constant 6 : i32
      %get3A_711 = arith.index_cast %get3A_710 : i32 to index
      %get3A_712 = arith.constant 0 : index
      %get3A_713 = tpu.vector_load %arg11[%get3A_711, %get3A_712] {strides = array<i32>} : memref<16x16xf32, #tpu.memory_space<vmem>>, vector<16xf32>,
      %gt3A_714 = arith.constant 5.000000e-01 : f32
      %gt3A_715 = vector.broadcast %gt3A_714 : f32 to vector<16xf32>
      %gt3A_716 = arith.cmpf ogt, %get3A_713, %gt3A_715 : vector<16xf32>
      %select_n3A_717 = arith.select %gt3A_716, %min3A_709, %get3A_703 : vector<16xi1>, vector<16xf32>
      %swap3A_718 = arith.constant 6 : i32
      %swap3A_719 = arith.index_cast %swap3A_718 : i32 to index
      %swap3A_720 = arith.constant 0 : index
      %swap3A_721 = tpu.vector_load %arg9[%swap3A_719, %swap3A_720] {strides = array<i32>} : memref<16x16xf32, #tpu.memory_space<vmem>>, vector<16xf32>,
      tpu.vector_store %arg9[%swap3A_719, %swap3A_720], %select_n3A_717 {strides = array<i32>} : memref<16x16xf32, #tpu.memory_space<vmem>>, vector<16xf32>,
      %get3A_722 = arith.constant 7 : i32
      %get3A_723 = arith.index_cast %get3A_722 : i32 to index
      %get3A_724 = arith.constant 0 : index
      %get3A_725 = tpu.vector_load %arg9[%get3A_723, %get3A_724] {strides = array<i32>} : memref<16x16xf32, #tpu.memory_space<vmem>>, vector<16xf32>,
      %mul3A_726 = arith.constant 1.100000e+00 : f32
      %mul3A_727 = vector.broadcast %mul3A_726 : f32 to vector<16xf32>
      %mul3A_728 = arith.mulf %get3A_725, %mul3A_727 : vector<16xf32>
      %min3A_729 = arith.constant 2.000000e+00 : f32
      %min3A_730 = vector.broadcast %min3A_729 : f32 to vector<16xf32>
      %min3A_731 = arith.minimumf %mul3A_728, %min3A_730 : vector<16xf32>
      %get3A_732 = arith.constant 7 : i32
      %get3A_733 = arith.index_cast %get3A_732 : i32 to index
      %get3A_734 = arith.constant 0 : index
      %get3A_735 = tpu.vector_load %arg11[%get3A_733, %get3A_734] {strides = array<i32>} : memref<16x16xf32, #tpu.memory_space<vmem>>, vector<16xf32>,
      %gt3A_736 = arith.constant 5.000000e-01 : f32
      %gt3A_737 = vector.broadcast %gt3A_736 : f32 to vector<16xf32>
      %gt3A_738 = arith.cmpf ogt, %get3A_735, %gt3A_737 : vector<16xf32>
      %select_n3A_739 = arith.select %gt3A_738, %min3A_731, %get3A_725 : vector<16xi1>, vector<16xf32>
      %swap3A_740 = arith.constant 7 : i32
      %swap3A_741 = arith.index_cast %swap3A_740 : i32 to index
      %swap3A_742 = arith.constant 0 : index
      %swap3A_743 = tpu.vector_load %arg9[%swap3A_741, %swap3A_742] {strides = array<i32>} : memref<16x16xf32, #tpu.memory_space<vmem>>, vector<16xf32>,
      tpu.vector_store %arg9[%swap3A_741, %swap3A_742], %select_n3A_739 {strides = array<i32>} : memref<16x16xf32, #tpu.memory_space<vmem>>, vector<16xf32>,
      %get3A_744 = arith.constant 8 : i32
      %get3A_745 = arith.index_cast %get3A_744 : i32 to index
      %get3A_746 = arith.constant 0 : index
      %get3A_747 = tpu.vector_load %arg9[%get3A_745, %get3A_746] {strides = array<i32>} : memref<16x16xf32, #tpu.memory_space<vmem>>, vector<16xf32>,
      %mul3A_748 = arith.constant 1.100000e+00 : f32
      %mul3A_749 = vector.broadcast %mul3A_748 : f32 to vector<16xf32>
      %mul3A_750 = arith.mulf %get3A_747, %mul3A_749 : vector<16xf32>
      %min3A_751 = arith.constant 2.000000e+00 : f32
      %min3A_752 = vector.broadcast %min3A_751 : f32 to vector<16xf32>
      %min3A_753 = arith.minimumf %mul3A_750, %min3A_752 : vector<16xf32>
      %get3A_754 = arith.constant 8 : i32
      %get3A_755 = arith.index_cast %get3A_754 : i32 to index
      %get3A_756 = arith.constant 0 : index
      %get3A_757 = tpu.vector_load %arg11[%get3A_755, %get3A_756] {strides = array<i32>} : memref<16x16xf32, #tpu.memory_space<vmem>>, vector<16xf32>,
      %gt3A_758 = arith.constant 5.000000e-01 : f32
      %gt3A_759 = vector.broadcast %gt3A_758 : f32 to vector<16xf32>
      %gt3A_760 = arith.cmpf ogt, %get3A_757, %gt3A_759 : vector<16xf32>
      %select_n3A_761 = arith.select %gt3A_760, %min3A_753, %get3A_747 : vector<16xi1>, vector<16xf32>
      %swap3A_762 = arith.constant 8 : i32
      %swap3A_763 = arith.index_cast %swap3A_762 : i32 to index
      %swap3A_764 = arith.constant 0 : index
      %swap3A_765 = tpu.vector_load %arg9[%swap3A_763, %swap3A_764] {strides = array<i32>} : memref<16x16xf32, #tpu.memory_space<vmem>>, vector<16xf32>,
      tpu.vector_store %arg9[%swap3A_763, %swap3A_764], %select_n3A_761 {strides = array<i32>} : memref<16x16xf32, #tpu.memory_space<vmem>>, vector<16xf32>,
      %get3A_766 = arith.constant 9 : i32
      %get3A_767 = arith.index_cast %get3A_766 : i32 to index
      %get3A_768 = arith.constant 0 : index
      %get3A_769 = tpu.vector_load %arg9[%get3A_767, %get3A_768] {strides = array<i32>} : memref<16x16xf32, #tpu.memory_space<vmem>>, vector<16xf32>,
      %mul3A_770 = arith.constant 1.100000e+00 : f32
      %mul3A_771 = vector.broadcast %mul3A_770 : f32 to vector<16xf32>
      %mul3A_772 = arith.mulf %get3A_769, %mul3A_771 : vector<16xf32>
      %min3A_773 = arith.constant 2.000000e+00 : f32
      %min3A_774 = vector.broadcast %min3A_773 : f32 to vector<16xf32>
      %min3A_775 = arith.minimumf %mul3A_772, %min3A_774 : vector<16xf32>
      %get3A_776 = arith.constant 9 : i32
      %get3A_777 = arith.index_cast %get3A_776 : i32 to index
      %get3A_778 = arith.constant 0 : index
      %get3A_779 = tpu.vector_load %arg11[%get3A_777, %get3A_778] {strides = array<i32>} : memref<16x16xf32, #tpu.memory_space<vmem>>, vector<16xf32>,
      %gt3A_780 = arith.constant 5.000000e-01 : f32
      %gt3A_781 = vector.broadcast %gt3A_780 : f32 to vector<16xf32>
      %gt3A_782 = arith.cmpf ogt, %get3A_779, %gt3A_781 : vector<16xf32>
      %select_n3A_783 = arith.select %gt3A_782, %min3A_775, %get3A_769 : vector<16xi1>, vector<16xf32>
      %swap3A_784 = arith.constant 9 : i32
      %swap3A_785 = arith.index_cast %swap3A_784 : i32 to index
      %swap3A_786 = arith.constant 0 : index
      %swap3A_787 = tpu.vector_load %arg9[%swap3A_785, %swap3A_786] {strides = array<i32>} : memref<16x16xf32, #tpu.memory_space<vmem>>, vector<16xf32>,
      tpu.vector_store %arg9[%swap3A_785, %swap3A_786], %select_n3A_783 {strides = array<i32>} : memref<16x16xf32, #tpu.memory_space<vmem>>, vector<16xf32>,
      %get3A_788 = arith.constant 10 : i32
      %get3A_789 = arith.index_cast %get3A_788 : i32 to index
      %get3A_790 = arith.constant 0 : index
      %get3A_791 = tpu.vector_load %arg9[%get3A_789, %get3A_790] {strides = array<i32>} : memref<16x16xf32, #tpu.memory_space<vmem>>, vector<16xf32>,
      %mul3A_792 = arith.constant 1.100000e+00 : f32
      %mul3A_793 = vector.broadcast %mul3A_792 : f32 to vector<16xf32>
      %mul3A_794 = arith.mulf %get3A_791, %mul3A_793 : vector<16xf32>
      %min3A_795 = arith.constant 2.000000e+00 : f32
      %min3A_796 = vector.broadcast %min3A_795 : f32 to vector<16xf32>
      %min3A_797 = arith.minimumf %mul3A_794, %min3A_796 : vector<16xf32>
      %get3A_798 = arith.constant 10 : i32
      %get3A_799 = arith.index_cast %get3A_798 : i32 to index
      %get3A_800 = arith.constant 0 : index
      %get3A_801 = tpu.vector_load %arg11[%get3A_799, %get3A_800] {strides = array<i32>} : memref<16x16xf32, #tpu.memory_space<vmem>>, vector<16xf32>,
      %gt3A_802 = arith.constant 5.000000e-01 : f32
      %gt3A_803 = vector.broadcast %gt3A_802 : f32 to vector<16xf32>
      %gt3A_804 = arith.cmpf ogt, %get3A_801, %gt3A_803 : vector<16xf32>
      %select_n3A_805 = arith.select %gt3A_804, %min3A_797, %get3A_791 : vector<16xi1>, vector<16xf32>
      %swap3A_806 = arith.constant 10 : i32
      %swap3A_807 = arith.index_cast %swap3A_806 : i32 to index
      %swap3A_808 = arith.constant 0 : index
      %swap3A_809 = tpu.vector_load %arg9[%swap3A_807, %swap3A_808] {strides = array<i32>} : memref<16x16xf32, #tpu.memory_space<vmem>>, vector<16xf32>,
      tpu.vector_store %arg9[%swap3A_807, %swap3A_808], %select_n3A_805 {strides = array<i32>} : memref<16x16xf32, #tpu.memory_space<vmem>>, vector<16xf32>,
      %get3A_810 = arith.constant 11 : i32
      %get3A_811 = arith.index_cast %get3A_810 : i32 to index
      %get3A_812 = arith.constant 0 : index
      %get3A_813 = tpu.vector_load %arg9[%get3A_811, %get3A_812] {strides = array<i32>} : memref<16x16xf32, #tpu.memory_space<vmem>>, vector<16xf32>,
      %mul3A_814 = arith.constant 1.100000e+00 : f32
      %mul3A_815 = vector.broadcast %mul3A_814 : f32 to vector<16xf32>
      %mul3A_816 = arith.mulf %get3A_813, %mul3A_815 : vector<16xf32>
      %min3A_817 = arith.constant 2.000000e+00 : f32
      %min3A_818 = vector.broadcast %min3A_817 : f32 to vector<16xf32>
      %min3A_819 = arith.minimumf %mul3A_816, %min3A_818 : vector<16xf32>
      %get3A_820 = arith.constant 11 : i32
      %get3A_821 = arith.index_cast %get3A_820 : i32 to index
      %get3A_822 = arith.constant 0 : index
      %get3A_823 = tpu.vector_load %arg11[%get3A_821, %get3A_822] {strides = array<i32>} : memref<16x16xf32, #tpu.memory_space<vmem>>, vector<16xf32>,
      %gt3A_824 = arith.constant 5.000000e-01 : f32
      %gt3A_825 = vector.broadcast %gt3A_824 : f32 to vector<16xf32>
      %gt3A_826 = arith.cmpf ogt, %get3A_823, %gt3A_825 : vector<16xf32>
      %select_n3A_827 = arith.select %gt3A_826, %min3A_819, %get3A_813 : vector<16xi1>, vector<16xf32>
      %swap3A_828 = arith.constant 11 : i32
      %swap3A_829 = arith.index_cast %swap3A_828 : i32 to index
      %swap3A_830 = arith.constant 0 : index
      %swap3A_831 = tpu.vector_load %arg9[%swap3A_829, %swap3A_830] {strides = array<i32>} : memref<16x16xf32, #tpu.memory_space<vmem>>, vector<16xf32>,
      tpu.vector_store %arg9[%swap3A_829, %swap3A_830], %select_n3A_827 {strides = array<i32>} : memref<16x16xf32, #tpu.memory_space<vmem>>, vector<16xf32>,
      %get3A_832 = arith.constant 12 : i32
      %get3A_833 = arith.index_cast %get3A_832 : i32 to index
      %get3A_834 = arith.constant 0 : index
      %get3A_835 = tpu.vector_load %arg9[%get3A_833, %get3A_834] {strides = array<i32>} : memref<16x16xf32, #tpu.memory_space<vmem>>, vector<16xf32>,
      %mul3A_836 = arith.constant 1.100000e+00 : f32
      %mul3A_837 = vector.broadcast %mul3A_836 : f32 to vector<16xf32>
      %mul3A_838 = arith.mulf %get3A_835, %mul3A_837 : vector<16xf32>
      %min3A_839 = arith.constant 2.000000e+00 : f32
      %min3A_840 = vector.broadcast %min3A_839 : f32 to vector<16xf32>
      %min3A_841 = arith.minimumf %mul3A_838, %min3A_840 : vector<16xf32>
      %get3A_842 = arith.constant 12 : i32
      %get3A_843 = arith.index_cast %get3A_842 : i32 to index
      %get3A_844 = arith.constant 0 : index
      %get3A_845 = tpu.vector_load %arg11[%get3A_843, %get3A_844] {strides = array<i32>} : memref<16x16xf32, #tpu.memory_space<vmem>>, vector<16xf32>,
      %gt3A_846 = arith.constant 5.000000e-01 : f32
      %gt3A_847 = vector.broadcast %gt3A_846 : f32 to vector<16xf32>
      %gt3A_848 = arith.cmpf ogt, %get3A_845, %gt3A_847 : vector<16xf32>
      %select_n3A_849 = arith.select %gt3A_848, %min3A_841, %get3A_835 : vector<16xi1>, vector<16xf32>
      %swap3A_850 = arith.constant 12 : i32
      %swap3A_851 = arith.index_cast %swap3A_850 : i32 to index
      %swap3A_852 = arith.constant 0 : index
      %swap3A_853 = tpu.vector_load %arg9[%swap3A_851, %swap3A_852] {strides = array<i32>} : memref<16x16xf32, #tpu.memory_space<vmem>>, vector<16xf32>,
      tpu.vector_store %arg9[%swap3A_851, %swap3A_852], %select_n3A_849 {strides = array<i32>} : memref<16x16xf32, #tpu.memory_space<vmem>>, vector<16xf32>,
      %get3A_854 = arith.constant 13 : i32
      %get3A_855 = arith.index_cast %get3A_854 : i32 to index
      %get3A_856 = arith.constant 0 : index
      %get3A_857 = tpu.vector_load %arg9[%get3A_855, %get3A_856] {strides = array<i32>} : memref<16x16xf32, #tpu.memory_space<vmem>>, vector<16xf32>,
      %mul3A_858 = arith.constant 1.100000e+00 : f32
      %mul3A_859 = vector.broadcast %mul3A_858 : f32 to vector<16xf32>
      %mul3A_860 = arith.mulf %get3A_857, %mul3A_859 : vector<16xf32>
      %min3A_861 = arith.constant 2.000000e+00 : f32
      %min3A_862 = vector.broadcast %min3A_861 : f32 to vector<16xf32>
      %min3A_863 = arith.minimumf %mul3A_860, %min3A_862 : vector<16xf32>
      %get3A_864 = arith.constant 13 : i32
      %get3A_865 = arith.index_cast %get3A_864 : i32 to index
      %get3A_866 = arith.constant 0 : index
      %get3A_867 = tpu.vector_load %arg11[%get3A_865, %get3A_866] {strides = array<i32>} : memref<16x16xf32, #tpu.memory_space<vmem>>, vector<16xf32>,
      %gt3A_868 = arith.constant 5.000000e-01 : f32
      %gt3A_869 = vector.broadcast %gt3A_868 : f32 to vector<16xf32>
      %gt3A_870 = arith.cmpf ogt, %get3A_867, %gt3A_869 : vector<16xf32>
      %select_n3A_871 = arith.select %gt3A_870, %min3A_863, %get3A_857 : vector<16xi1>, vector<16xf32>
      %swap3A_872 = arith.constant 13 : i32
      %swap3A_873 = arith.index_cast %swap3A_872 : i32 to index
      %swap3A_874 = arith.constant 0 : index
      %swap3A_875 = tpu.vector_load %arg9[%swap3A_873, %swap3A_874] {strides = array<i32>} : memref<16x16xf32, #tpu.memory_space<vmem>>, vector<16xf32>,
      tpu.vector_store %arg9[%swap3A_873, %swap3A_874], %select_n3A_871 {strides = array<i32>} : memref<16x16xf32, #tpu.memory_space<vmem>>, vector<16xf32>,
      %get3A_876 = arith.constant 14 : i32
      %get3A_877 = arith.index_cast %get3A_876 : i32 to index
      %get3A_878 = arith.constant 0 : index
      %get3A_879 = tpu.vector_load %arg9[%get3A_877, %get3A_878] {strides = array<i32>} : memref<16x16xf32, #tpu.memory_space<vmem>>, vector<16xf32>,
      %mul3A_880 = arith.constant 1.100000e+00 : f32
      %mul3A_881 = vector.broadcast %mul3A_880 : f32 to vector<16xf32>
      %mul3A_882 = arith.mulf %get3A_879, %mul3A_881 : vector<16xf32>
      %min3A_883 = arith.constant 2.000000e+00 : f32
      %min3A_884 = vector.broadcast %min3A_883 : f32 to vector<16xf32>
      %min3A_885 = arith.minimumf %mul3A_882, %min3A_884 : vector<16xf32>
      %get3A_886 = arith.constant 14 : i32
      %get3A_887 = arith.index_cast %get3A_886 : i32 to index
      %get3A_888 = arith.constant 0 : index
      %get3A_889 = tpu.vector_load %arg11[%get3A_887, %get3A_888] {strides = array<i32>} : memref<16x16xf32, #tpu.memory_space<vmem>>, vector<16xf32>,
      %gt3A_890 = arith.constant 5.000000e-01 : f32
      %gt3A_891 = vector.broadcast %gt3A_890 : f32 to vector<16xf32>
      %gt3A_892 = arith.cmpf ogt, %get3A_889, %gt3A_891 : vector<16xf32>
      %select_n3A_893 = arith.select %gt3A_892, %min3A_885, %get3A_879 : vector<16xi1>, vector<16xf32>
      %swap3A_894 = arith.constant 14 : i32
      %swap3A_895 = arith.index_cast %swap3A_894 : i32 to index
      %swap3A_896 = arith.constant 0 : index
      %swap3A_897 = tpu.vector_load %arg9[%swap3A_895, %swap3A_896] {strides = array<i32>} : memref<16x16xf32, #tpu.memory_space<vmem>>, vector<16xf32>,
      tpu.vector_store %arg9[%swap3A_895, %swap3A_896], %select_n3A_893 {strides = array<i32>} : memref<16x16xf32, #tpu.memory_space<vmem>>, vector<16xf32>,
      %get3A_898 = arith.constant 15 : i32
      %get3A_899 = arith.index_cast %get3A_898 : i32 to index
      %get3A_900 = arith.constant 0 : index
      %get3A_901 = tpu.vector_load %arg9[%get3A_899, %get3A_900] {strides = array<i32>} : memref<16x16xf32, #tpu.memory_space<vmem>>, vector<16xf32>,
      %mul3A_902 = arith.constant 1.100000e+00 : f32
      %mul3A_903 = vector.broadcast %mul3A_902 : f32 to vector<16xf32>
      %mul3A_904 = arith.mulf %get3A_901, %mul3A_903 : vector<16xf32>
      %min3A_905 = arith.constant 2.000000e+00 : f32
      %min3A_906 = vector.broadcast %min3A_905 : f32 to vector<16xf32>
      %min3A_907 = arith.minimumf %mul3A_904, %min3A_906 : vector<16xf32>
      %get3A_908 = arith.constant 15 : i32
      %get3A_909 = arith.index_cast %get3A_908 : i32 to index
      %get3A_910 = arith.constant 0 : index
      %get3A_911 = tpu.vector_load %arg11[%get3A_909, %get3A_910] {strides = array<i32>} : memref<16x16xf32, #tpu.memory_space<vmem>>, vector<16xf32>,
      %gt3A_912 = arith.constant 5.000000e-01 : f32
      %gt3A_913 = vector.broadcast %gt3A_912 : f32 to vector<16xf32>
      %gt3A_914 = arith.cmpf ogt, %get3A_911, %gt3A_913 : vector<16xf32>
      %select_n3A_915 = arith.select %gt3A_914, %min3A_907, %get3A_901 : vector<16xi1>, vector<16xf32>
      %swap3A_916 = arith.constant 15 : i32
      %swap3A_917 = arith.index_cast %swap3A_916 : i32 to index
      %swap3A_918 = arith.constant 0 : index
      %swap3A_919 = tpu.vector_load %arg9[%swap3A_917, %swap3A_918] {strides = array<i32>} : memref<16x16xf32, #tpu.memory_space<vmem>>, vector<16xf32>,
      tpu.vector_store %arg9[%swap3A_917, %swap3A_918], %select_n3A_915 {strides = array<i32>} : memref<16x16xf32, #tpu.memory_space<vmem>>, vector<16xf32>,
      "tpu.region"() ({
        %run_scoped3A = tpu.sem_alloc : memref<!tpu.dma_semaphore, #tpu.memory_space<semaphore_mem>>
        %dma_start3A_920 = arith.constant 0 : i32
        %dma_start3A_921 = arith.constant 0 : i32
        %dma_start3A_922 = tpu.memref_slice %arg5[%dma_start3A_920, %dma_start3A_921] : memref<16384x16xf32, #tpu.memory_space<hbm>> -> memref<16384x16xf32, #tpu.memory_space<hbm>>
        tpu.enqueue_indirect_dma source(%arg9 : memref<16x16xf32, #tpu.memory_space<vmem>>) target(%dma_start3A_922 : memref<16384x16xf32, #tpu.memory_space<hbm>>) offsets(%arg7 : memref<16xi32, #tpu.memory_space<vmem>>) semaphore(%run_scoped3A : memref<!tpu.dma_semaphore, #tpu.memory_space<semaphore_mem>>)
        %dma_wait3A_923 = arith.constant 0 : i32
        %dma_wait3A_924 = arith.constant 0 : i32
        %dma_wait3A_925 = tpu.memref_slice %arg5[%dma_wait3A_923, %dma_wait3A_924] : memref<16384x16xf32, #tpu.memory_space<hbm>> -> memref<16384x16xf32, #tpu.memory_space<hbm>>
        tpu.wait_indirect_dma semaphore(%run_scoped3A : memref<!tpu.dma_semaphore, #tpu.memory_space<semaphore_mem>>) src(%arg9 : memref<16x16xf32, #tpu.memory_space<vmem>>) dst(%dma_wait3A_925 : memref<16384x16xf32, #tpu.memory_space<hbm>>)
        tpu.yield
      }) : () -> ()
    } else {
    }
    return
  }
}

module attributes {stable_mosaic.version = 14 : i64} {
  func.func @_p1_body(%arg0: i32, %arg1: memref<64x64xf32, #tpu.memory_space<vmem>>, %arg2: memref<8192x64xf32, #tpu.memory_space<vmem>>, %arg3: memref<8x64xi32, #tpu.memory_space<vmem>>, %arg4: memref<2048x64xf32, #tpu.memory_space<vmem>>) attributes {dimension_semantics = [#tpu.dimension_semantics<arbitrary>], iteration_bounds = array<i64: 32>, scalar_prefetch = 0 : i64, scratch_operands = 1 : i64, tpu.core_type = #tpu.core_type<tc>, window_params = [{pipeline_mode = #tpu.pipeline_mode<synchronous>, transform_indices = @transform_0, window_bounds = array<i64: 64, 64>}, {transform_indices = @transform_1, window_bounds = array<i64: 8192, 64>}, {pipeline_mode = #tpu.pipeline_mode<synchronous>, transform_indices = @transform_2, window_bounds = array<i64: 8, 64>}]} {
    %get3A = arith.constant 0 : index
    %get3A_0 = arith.constant 0 : index
    %get3A_1 = vector.load %arg2[%get3A, %get3A_0] : memref<8192x64xf32, #tpu.memory_space<vmem>>, vector<8192x64xf32>
    %mul3A = arith.mulf %get3A_1, %get3A_1 : vector<8192x64xf32>
    %reduce_sum3A = arith.constant dense<0.000000e+00> : vector<8192xf32>
    %reduce_sum3A_2 = vector.multi_reduction <add>, %mul3A, %reduce_sum3A [1] : vector<8192x64xf32> to vector<8192xf32>
    %sqrt3A = math.sqrt %reduce_sum3A_2 : vector<8192xf32>
    %max3A = arith.constant 9.99999993E-9 : f32
    %max3A_3 = vector.broadcast %max3A : f32 to vector<8192xf32>
    %max3A_4 = arith.maximumf %sqrt3A, %max3A_3 : vector<8192xf32>
    %broadcast_in_dim3A = vector.shape_cast %max3A_4 : vector<8192xf32> to vector<8192x1xf32>
    %div3A = vector.broadcast %broadcast_in_dim3A : vector<8192x1xf32> to vector<8192x64xf32>
    %div3A_5 = arith.divf %get3A_1, %div3A : vector<8192x64xf32>
    %get3A_6 = arith.constant 0 : index
    %get3A_7 = arith.constant 0 : index
    %get3A_8 = vector.load %arg1[%get3A_6, %get3A_7] : memref<64x64xf32, #tpu.memory_space<vmem>>, vector<64x64xf32>
    %mul3A_9 = arith.mulf %get3A_8, %get3A_8 : vector<64x64xf32>
    %reduce_sum3A_10 = arith.constant dense<0.000000e+00> : vector<64xf32>
    %reduce_sum3A_11 = vector.multi_reduction <add>, %mul3A_9, %reduce_sum3A_10 [1] : vector<64x64xf32> to vector<64xf32>
    %sqrt3A_12 = math.sqrt %reduce_sum3A_11 : vector<64xf32>
    %max3A_13 = arith.constant 9.99999993E-9 : f32
    %max3A_14 = vector.broadcast %max3A_13 : f32 to vector<64xf32>
    %max3A_15 = arith.maximumf %sqrt3A_12, %max3A_14 : vector<64xf32>
    %broadcast_in_dim3A_16 = vector.shape_cast %max3A_15 : vector<64xf32> to vector<64x1xf32>
    %div3A_17 = vector.broadcast %broadcast_in_dim3A_16 : vector<64x1xf32> to vector<64x64xf32>
    %div3A_18 = arith.divf %get3A_8, %div3A_17 : vector<64x64xf32>
    %convert_element_type3A = arith.truncf %div3A_5 : vector<8192x64xf32> to vector<8192x64xbf16>
    %convert_element_type3A_19 = arith.truncf %div3A_18 : vector<64x64xf32> to vector<64x64xbf16>
    %dot_general3A = arith.constant dense<0.000000e+00> : vector<8192x64xf32>
    %dot_general3A_20 = tpu.matmul %convert_element_type3A, %convert_element_type3A_19, %dot_general3A {dimension_numbers = #tpu.dot_dimension_numbers<[1], [1], [0], [0], [0, 0, 1, 0], [], []>, transpose_lhs_hint = false} : vector<8192x64xbf16>, vector<64x64xbf16>, vector<8192x64xf32> -> vector<8192x64xf32>
    %reshape3A = vector.shape_cast %dot_general3A_20 : vector<8192x64xf32> to vector<64x128x64xf32>
    %reduce_max3A = arith.constant dense<0xFF800000> : vector<64x64xf32>
    %reduce_max3A_21 = vector.multi_reduction <maximumf>, %reshape3A, %reduce_max3A [1] : vector<64x128x64xf32> to vector<64x64xf32>
    %mul3A_22 = arith.constant 64 : i32
    %mul3A_23 = arith.muli %arg0, %mul3A_22 : i32
    %swap3A = arith.index_cast %mul3A_23 : i32 to index
    %swap3A_24 = arith.constant 0 : index
    %swap3A_25 = vector.load %arg4[%swap3A, %swap3A_24] : memref<2048x64xf32, #tpu.memory_space<vmem>>, vector<64x64xf32>
    tpu.vector_store %arg4[%swap3A, %swap3A_24], %reduce_max3A_21 {strides = array<i32>} : memref<2048x64xf32, #tpu.memory_space<vmem>>, vector<64x64xf32>,
    %eq3A = arith.constant 31 : i32
    %eq3A_26 = arith.cmpi eq, %arg0, %eq3A : i32
    %convert_element_type3A_27 = arith.extui %eq3A_26 : i1 to i32
    %cond3A = arith.constant 0 : i32
    %cond3A_28 = arith.cmpi ne, %convert_element_type3A_27, %cond3A : i32
    scf.if %cond3A_28 {
      %get3A_29 = arith.constant 0 : index
      %get3A_30 = arith.constant 0 : index
      %get3A_31 = vector.load %arg4[%get3A_29, %get3A_30] : memref<2048x64xf32, #tpu.memory_space<vmem>>, vector<2048x64xf32>
      %iota3A = tpu.iota {dimensions = array<i32: 0>} : vector<2048x64xi32>
      %reduce_max3A_32 = arith.constant dense<0xFF800000> : vector<64xf32>
      %reduce_max3A_33 = vector.multi_reduction <maximumf>, %get3A_31, %reduce_max3A_32 [0] : vector<2048x64xf32> to vector<64xf32>
      %broadcast_in_dim3A_34 = vector.shape_cast %reduce_max3A_33 : vector<64xf32> to vector<1x64xf32>
      %eq3A_35 = vector.broadcast %broadcast_in_dim3A_34 : vector<1x64xf32> to vector<2048x64xf32>
      %eq3A_36 = arith.cmpf oeq, %get3A_31, %eq3A_35 : vector<2048x64xf32>
      %jit3A = arith.constant 1073741824 : i32
      %broadcast_in_dim3A_37 = vector.broadcast %jit3A : i32 to vector<2048x64xi32>
      %select_n3A = arith.select %eq3A_36, %iota3A, %broadcast_in_dim3A_37 : vector<2048x64xi1>, vector<2048x64xi32>
      %reduce_min3A = arith.constant dense<2147483647> : vector<64xi32>
      %reduce_min3A_38 = vector.multi_reduction <minsi>, %select_n3A, %reduce_min3A [0] : vector<2048x64xi32> to vector<64xi32>
      %broadcast_in_dim3A_39 = vector.shape_cast %reduce_min3A_38 : vector<64xi32> to vector<1x64xi32>
      %eq3A_40 = vector.broadcast %broadcast_in_dim3A_39 : vector<1x64xi32> to vector<2048x64xi32>
      %eq3A_41 = arith.cmpi eq, %iota3A, %eq3A_40 : vector<2048x64xi32>
      %jit3A_42 = arith.constant 0xFF800000 : f32
      %broadcast_in_dim3A_43 = vector.broadcast %jit3A_42 : f32 to vector<2048x64xf32>
      %select_n3A_44 = arith.select %eq3A_41, %broadcast_in_dim3A_43, %get3A_31 : vector<2048x64xi1>, vector<2048x64xf32>
      %reduce_max3A_45 = arith.constant dense<0xFF800000> : vector<64xf32>
      %reduce_max3A_46 = vector.multi_reduction <maximumf>, %select_n3A_44, %reduce_max3A_45 [0] : vector<2048x64xf32> to vector<64xf32>
      %broadcast_in_dim3A_47 = vector.shape_cast %reduce_max3A_46 : vector<64xf32> to vector<1x64xf32>
      %eq3A_48 = vector.broadcast %broadcast_in_dim3A_47 : vector<1x64xf32> to vector<2048x64xf32>
      %eq3A_49 = arith.cmpf oeq, %select_n3A_44, %eq3A_48 : vector<2048x64xf32>
      %jit3A_50 = arith.constant 1073741824 : i32
      %broadcast_in_dim3A_51 = vector.broadcast %jit3A_50 : i32 to vector<2048x64xi32>
      %select_n3A_52 = arith.select %eq3A_49, %iota3A, %broadcast_in_dim3A_51 : vector<2048x64xi1>, vector<2048x64xi32>
      %reduce_min3A_53 = arith.constant dense<2147483647> : vector<64xi32>
      %reduce_min3A_54 = vector.multi_reduction <minsi>, %select_n3A_52, %reduce_min3A_53 [0] : vector<2048x64xi32> to vector<64xi32>
      %broadcast_in_dim3A_55 = vector.shape_cast %reduce_min3A_54 : vector<64xi32> to vector<1x64xi32>
      %eq3A_56 = vector.broadcast %broadcast_in_dim3A_55 : vector<1x64xi32> to vector<2048x64xi32>
      %eq3A_57 = arith.cmpi eq, %iota3A, %eq3A_56 : vector<2048x64xi32>
      %jit3A_58 = arith.constant 0xFF800000 : f32
      %broadcast_in_dim3A_59 = vector.broadcast %jit3A_58 : f32 to vector<2048x64xf32>
      %select_n3A_60 = arith.select %eq3A_57, %broadcast_in_dim3A_59, %select_n3A_44 : vector<2048x64xi1>, vector<2048x64xf32>
      %reduce_max3A_61 = arith.constant dense<0xFF800000> : vector<64xf32>
      %reduce_max3A_62 = vector.multi_reduction <maximumf>, %select_n3A_60, %reduce_max3A_61 [0] : vector<2048x64xf32> to vector<64xf32>
      %broadcast_in_dim3A_63 = vector.shape_cast %reduce_max3A_62 : vector<64xf32> to vector<1x64xf32>
      %eq3A_64 = vector.broadcast %broadcast_in_dim3A_63 : vector<1x64xf32> to vector<2048x64xf32>
      %eq3A_65 = arith.cmpf oeq, %select_n3A_60, %eq3A_64 : vector<2048x64xf32>
      %jit3A_66 = arith.constant 1073741824 : i32
      %broadcast_in_dim3A_67 = vector.broadcast %jit3A_66 : i32 to vector<2048x64xi32>
      %select_n3A_68 = arith.select %eq3A_65, %iota3A, %broadcast_in_dim3A_67 : vector<2048x64xi1>, vector<2048x64xi32>
      %reduce_min3A_69 = arith.constant dense<2147483647> : vector<64xi32>
      %reduce_min3A_70 = vector.multi_reduction <minsi>, %select_n3A_68, %reduce_min3A_69 [0] : vector<2048x64xi32> to vector<64xi32>
      %broadcast_in_dim3A_71 = vector.shape_cast %reduce_min3A_70 : vector<64xi32> to vector<1x64xi32>
      %eq3A_72 = vector.broadcast %broadcast_in_dim3A_71 : vector<1x64xi32> to vector<2048x64xi32>
      %eq3A_73 = arith.cmpi eq, %iota3A, %eq3A_72 : vector<2048x64xi32>
      %jit3A_74 = arith.constant 0xFF800000 : f32
      %broadcast_in_dim3A_75 = vector.broadcast %jit3A_74 : f32 to vector<2048x64xf32>
      %select_n3A_76 = arith.select %eq3A_73, %broadcast_in_dim3A_75, %select_n3A_60 : vector<2048x64xi1>, vector<2048x64xf32>
      %reduce_max3A_77 = arith.constant dense<0xFF800000> : vector<64xf32>
      %reduce_max3A_78 = vector.multi_reduction <maximumf>, %select_n3A_76, %reduce_max3A_77 [0] : vector<2048x64xf32> to vector<64xf32>
      %broadcast_in_dim3A_79 = vector.shape_cast %reduce_max3A_78 : vector<64xf32> to vector<1x64xf32>
      %eq3A_80 = vector.broadcast %broadcast_in_dim3A_79 : vector<1x64xf32> to vector<2048x64xf32>
      %eq3A_81 = arith.cmpf oeq, %select_n3A_76, %eq3A_80 : vector<2048x64xf32>
      %jit3A_82 = arith.constant 1073741824 : i32
      %broadcast_in_dim3A_83 = vector.broadcast %jit3A_82 : i32 to vector<2048x64xi32>
      %select_n3A_84 = arith.select %eq3A_81, %iota3A, %broadcast_in_dim3A_83 : vector<2048x64xi1>, vector<2048x64xi32>
      %reduce_min3A_85 = arith.constant dense<2147483647> : vector<64xi32>
      %reduce_min3A_86 = vector.multi_reduction <minsi>, %select_n3A_84, %reduce_min3A_85 [0] : vector<2048x64xi32> to vector<64xi32>
      %broadcast_in_dim3A_87 = arith.constant 0 : i32
      %broadcast_in_dim3A_88 = vector.broadcast %broadcast_in_dim3A_87 : i32 to vector<64xi32>
      %stack3A = vector.shape_cast %reduce_min3A_38 : vector<64xi32> to vector<1x64xi32>
      %stack3A_89 = vector.shape_cast %reduce_min3A_54 : vector<64xi32> to vector<1x64xi32>
      %stack3A_90 = vector.shape_cast %reduce_min3A_70 : vector<64xi32> to vector<1x64xi32>
      %stack3A_91 = vector.shape_cast %reduce_min3A_86 : vector<64xi32> to vector<1x64xi32>
      %stack3A_92 = vector.shape_cast %broadcast_in_dim3A_88 : vector<64xi32> to vector<1x64xi32>
      %stack3A_93 = vector.shape_cast %broadcast_in_dim3A_88 : vector<64xi32> to vector<1x64xi32>
      %stack3A_94 = vector.shape_cast %broadcast_in_dim3A_88 : vector<64xi32> to vector<1x64xi32>
      %stack3A_95 = vector.shape_cast %broadcast_in_dim3A_88 : vector<64xi32> to vector<1x64xi32>
      %stack3A_96 = tpu.concatenate %stack3A, %stack3A_89, %stack3A_90, %stack3A_91, %stack3A_92, %stack3A_93, %stack3A_94, %stack3A_95 in 0 : vector<1x64xi32>, vector<1x64xi32>, vector<1x64xi32>, vector<1x64xi32>, vector<1x64xi32>, vector<1x64xi32>, vector<1x64xi32>, vector<1x64xi32> -> vector<8x64xi32>
      %swap3A_97 = arith.constant 0 : index
      %swap3A_98 = arith.constant 0 : index
      %swap3A_99 = vector.load %arg3[%swap3A_97, %swap3A_98] : memref<8x64xi32, #tpu.memory_space<vmem>>, vector<8x64xi32>
      tpu.vector_store %arg3[%swap3A_97, %swap3A_98], %stack3A_96 {strides = array<i32>} : memref<8x64xi32, #tpu.memory_space<vmem>>, vector<8x64xi32>,
    } else {
    }
    return
  }
  func.func @transform_0(%arg0: i32) -> (i32, i32) {
    %c0_i32 = arith.constant 0 : i32
    %c0_i32_0 = arith.constant 0 : i32
    %c0_i32_1 = arith.constant 0 : i32
    return %c0_i32, %c0_i32_0 : i32, i32
  }
  func.func @transform_1(%arg0: i32) -> (i32, i32) {
    %c0_i32 = arith.constant 0 : i32
    %c0_i32_0 = arith.constant 0 : i32
    return %arg0, %c0_i32 : i32, i32
  }
  func.func @transform_2(%arg0: i32) -> (i32, i32) {
    %c0_i32 = arith.constant 0 : i32
    %c0_i32_0 = arith.constant 0 : i32
    %c0_i32_1 = arith.constant 0 : i32
    return %c0_i32, %c0_i32_0 : i32, i32
  }
}

module attributes {stable_mosaic.version = 14 : i64} {
  func.func @_p2_body(%arg0: i32, %arg1: memref<256xi32, #tpu.memory_space<smem>>, %arg2: memref<64x64xf32, #tpu.memory_space<vmem>>, %arg3: memref<128x64xf32, #tpu.memory_space<vmem>>, %arg4: memref<128x64xf32, #tpu.memory_space<vmem>>, %arg5: memref<128x64xf32, #tpu.memory_space<vmem>>, %arg6: memref<128x64xf32, #tpu.memory_space<vmem>>, %arg7: memref<128x64xf32, #tpu.memory_space<vmem>>, %arg8: memref<128x64xf32, #tpu.memory_space<vmem>>, %arg9: memref<128x64xf32, #tpu.memory_space<vmem>>, %arg10: memref<128x64xf32, #tpu.memory_space<vmem>>, %arg11: memref<128x64xf32, #tpu.memory_space<vmem>>, %arg12: memref<128x64xf32, #tpu.memory_space<vmem>>, %arg13: memref<128x64xf32, #tpu.memory_space<vmem>>, %arg14: memref<128x64xf32, #tpu.memory_space<vmem>>, %arg15: memref<128x64xf32, #tpu.memory_space<vmem>>, %arg16: memref<128x64xf32, #tpu.memory_space<vmem>>, %arg17: memref<128x64xf32, #tpu.memory_space<vmem>>, %arg18: memref<128x64xf32, #tpu.memory_space<vmem>>, %arg19: memref<4x1x4xi32, #tpu.memory_space<vmem>>, %arg20: memref<4x1x4xf32, #tpu.memory_space<vmem>>, %arg21: memref<4x1x4xf32, #tpu.memory_space<vmem>>, %arg22: memref<4x4x64xf32, #tpu.memory_space<vmem>>, %arg23: memref<64x2048xf32, #tpu.memory_space<vmem>>) attributes {dimension_semantics = [#tpu.dimension_semantics<arbitrary>], iteration_bounds = array<i64: 16>, scalar_prefetch = 1 : i64, scratch_operands = 1 : i64, tpu.core_type = #tpu.core_type<tc>, window_params = [{pipeline_mode = #tpu.pipeline_mode<synchronous>, transform_indices = @transform_0, window_bounds = array<i64: 64, 64>}, {transform_indices = @transform_1, window_bounds = array<i64: 128, 64>}, {transform_indices = @transform_2, window_bounds = array<i64: 128, 64>}, {transform_indices = @transform_3, window_bounds = array<i64: 128, 64>}, {transform_indices = @transform_4, window_bounds = array<i64: 128, 64>}, {transform_indices = @transform_5, window_bounds = array<i64: 128, 64>}, {transform_indices = @transform_6, window_bounds = array<i64: 128, 64>}, {transform_indices = @transform_7, window_bounds = array<i64: 128, 64>}, {transform_indices = @transform_8, window_bounds = array<i64: 128, 64>}, {transform_indices = @transform_9, window_bounds = array<i64: 128, 64>}, {transform_indices = @transform_10, window_bounds = array<i64: 128, 64>}, {transform_indices = @transform_11, window_bounds = array<i64: 128, 64>}, {transform_indices = @transform_12, window_bounds = array<i64: 128, 64>}, {transform_indices = @transform_13, window_bounds = array<i64: 128, 64>}, {transform_indices = @transform_14, window_bounds = array<i64: 128, 64>}, {transform_indices = @transform_15, window_bounds = array<i64: 128, 64>}, {transform_indices = @transform_16, window_bounds = array<i64: 128, 64>}, {transform_indices = @transform_17, window_bounds = array<i64: 4, 1, 4>}, {transform_indices = @transform_18, window_bounds = array<i64: 4, 1, 4>}, {transform_indices = @transform_19, window_bounds = array<i64: 4, 1, 4>}, {transform_indices = @transform_20, window_bounds = array<i64: 4, 4, 64>}]} {
    %get3A = arith.constant 0 : index
    %get3A_0 = arith.constant 0 : index
    %get3A_1 = vector.load %arg3[%get3A, %get3A_0] : memref<128x64xf32, #tpu.memory_space<vmem>>, vector<128x64xf32>
    %get3A_2 = arith.constant 0 : index
    %get3A_3 = arith.constant 0 : index
    %get3A_4 = vector.load %arg4[%get3A_2, %get3A_3] : memref<128x64xf32, #tpu.memory_space<vmem>>, vector<128x64xf32>
    %get3A_5 = arith.constant 0 : index
    %get3A_6 = arith.constant 0 : index
    %get3A_7 = vector.load %arg5[%get3A_5, %get3A_6] : memref<128x64xf32, #tpu.memory_space<vmem>>, vector<128x64xf32>
    %get3A_8 = arith.constant 0 : index
    %get3A_9 = arith.constant 0 : index
    %get3A_10 = vector.load %arg6[%get3A_8, %get3A_9] : memref<128x64xf32, #tpu.memory_space<vmem>>, vector<128x64xf32>
    %get3A_11 = arith.constant 0 : index
    %get3A_12 = arith.constant 0 : index
    %get3A_13 = vector.load %arg7[%get3A_11, %get3A_12] : memref<128x64xf32, #tpu.memory_space<vmem>>, vector<128x64xf32>
    %get3A_14 = arith.constant 0 : index
    %get3A_15 = arith.constant 0 : index
    %get3A_16 = vector.load %arg8[%get3A_14, %get3A_15] : memref<128x64xf32, #tpu.memory_space<vmem>>, vector<128x64xf32>
    %get3A_17 = arith.constant 0 : index
    %get3A_18 = arith.constant 0 : index
    %get3A_19 = vector.load %arg9[%get3A_17, %get3A_18] : memref<128x64xf32, #tpu.memory_space<vmem>>, vector<128x64xf32>
    %get3A_20 = arith.constant 0 : index
    %get3A_21 = arith.constant 0 : index
    %get3A_22 = vector.load %arg10[%get3A_20, %get3A_21] : memref<128x64xf32, #tpu.memory_space<vmem>>, vector<128x64xf32>
    %get3A_23 = arith.constant 0 : index
    %get3A_24 = arith.constant 0 : index
    %get3A_25 = vector.load %arg11[%get3A_23, %get3A_24] : memref<128x64xf32, #tpu.memory_space<vmem>>, vector<128x64xf32>
    %get3A_26 = arith.constant 0 : index
    %get3A_27 = arith.constant 0 : index
    %get3A_28 = vector.load %arg12[%get3A_26, %get3A_27] : memref<128x64xf32, #tpu.memory_space<vmem>>, vector<128x64xf32>
    %get3A_29 = arith.constant 0 : index
    %get3A_30 = arith.constant 0 : index
    %get3A_31 = vector.load %arg13[%get3A_29, %get3A_30] : memref<128x64xf32, #tpu.memory_space<vmem>>, vector<128x64xf32>
    %get3A_32 = arith.constant 0 : index
    %get3A_33 = arith.constant 0 : index
    %get3A_34 = vector.load %arg14[%get3A_32, %get3A_33] : memref<128x64xf32, #tpu.memory_space<vmem>>, vector<128x64xf32>
    %get3A_35 = arith.constant 0 : index
    %get3A_36 = arith.constant 0 : index
    %get3A_37 = vector.load %arg15[%get3A_35, %get3A_36] : memref<128x64xf32, #tpu.memory_space<vmem>>, vector<128x64xf32>
    %get3A_38 = arith.constant 0 : index
    %get3A_39 = arith.constant 0 : index
    %get3A_40 = vector.load %arg16[%get3A_38, %get3A_39] : memref<128x64xf32, #tpu.memory_space<vmem>>, vector<128x64xf32>
    %get3A_41 = arith.constant 0 : index
    %get3A_42 = arith.constant 0 : index
    %get3A_43 = vector.load %arg17[%get3A_41, %get3A_42] : memref<128x64xf32, #tpu.memory_space<vmem>>, vector<128x64xf32>
    %get3A_44 = arith.constant 0 : index
    %get3A_45 = arith.constant 0 : index
    %get3A_46 = vector.load %arg18[%get3A_44, %get3A_45] : memref<128x64xf32, #tpu.memory_space<vmem>>, vector<128x64xf32>
    %concatenate3A = tpu.concatenate %get3A_1, %get3A_4, %get3A_7, %get3A_10, %get3A_13, %get3A_16, %get3A_19, %get3A_22, %get3A_25, %get3A_28, %get3A_31, %get3A_34, %get3A_37, %get3A_40, %get3A_43, %get3A_46 in 0 : vector<128x64xf32>, vector<128x64xf32>, vector<128x64xf32>, vector<128x64xf32>, vector<128x64xf32>, vector<128x64xf32>, vector<128x64xf32>, vector<128x64xf32>, vector<128x64xf32>, vector<128x64xf32>, vector<128x64xf32>, vector<128x64xf32>, vector<128x64xf32>, vector<128x64xf32>, vector<128x64xf32>, vector<128x64xf32> -> vector<2048x64xf32>
    %mul3A = arith.mulf %concatenate3A, %concatenate3A : vector<2048x64xf32>
    %reduce_sum3A = arith.constant dense<0.000000e+00> : vector<2048xf32>
    %reduce_sum3A_47 = vector.multi_reduction <add>, %mul3A, %reduce_sum3A [1] : vector<2048x64xf32> to vector<2048xf32>
    %sqrt3A = math.sqrt %reduce_sum3A_47 : vector<2048xf32>
    %max3A = arith.constant 9.99999993E-9 : f32
    %max3A_48 = vector.broadcast %max3A : f32 to vector<2048xf32>
    %max3A_49 = arith.maximumf %sqrt3A, %max3A_48 : vector<2048xf32>
    %broadcast_in_dim3A = vector.shape_cast %max3A_49 : vector<2048xf32> to vector<2048x1xf32>
    %div3A = vector.broadcast %broadcast_in_dim3A : vector<2048x1xf32> to vector<2048x64xf32>
    %div3A_50 = arith.divf %concatenate3A, %div3A : vector<2048x64xf32>
    %get3A_51 = arith.constant 0 : index
    %get3A_52 = arith.constant 0 : index
    %get3A_53 = vector.load %arg2[%get3A_51, %get3A_52] : memref<64x64xf32, #tpu.memory_space<vmem>>, vector<64x64xf32>
    %mul3A_54 = arith.mulf %get3A_53, %get3A_53 : vector<64x64xf32>
    %reduce_sum3A_55 = arith.constant dense<0.000000e+00> : vector<64xf32>
    %reduce_sum3A_56 = vector.multi_reduction <add>, %mul3A_54, %reduce_sum3A_55 [1] : vector<64x64xf32> to vector<64xf32>
    %sqrt3A_57 = math.sqrt %reduce_sum3A_56 : vector<64xf32>
    %max3A_58 = arith.constant 9.99999993E-9 : f32
    %max3A_59 = vector.broadcast %max3A_58 : f32 to vector<64xf32>
    %max3A_60 = arith.maximumf %sqrt3A_57, %max3A_59 : vector<64xf32>
    %broadcast_in_dim3A_61 = vector.shape_cast %max3A_60 : vector<64xf32> to vector<64x1xf32>
    %div3A_62 = vector.broadcast %broadcast_in_dim3A_61 : vector<64x1xf32> to vector<64x64xf32>
    %div3A_63 = arith.divf %get3A_53, %div3A_62 : vector<64x64xf32>
    %convert_element_type3A = arith.truncf %div3A_63 : vector<64x64xf32> to vector<64x64xbf16>
    %convert_element_type3A_64 = arith.truncf %div3A_50 : vector<2048x64xf32> to vector<2048x64xbf16>
    %dot_general3A = arith.constant dense<0.000000e+00> : vector<64x2048xf32>
    %dot_general3A_65 = tpu.matmul %convert_element_type3A, %convert_element_type3A_64, %dot_general3A {dimension_numbers = #tpu.dot_dimension_numbers<[1], [1], [0], [0], [0, 0, 1, 0], [], []>, transpose_lhs_hint = false} : vector<64x64xbf16>, vector<2048x64xbf16>, vector<64x2048xf32> -> vector<64x2048xf32>
    %swap3A = arith.constant 0 : index
    %swap3A_66 = arith.constant 0 : index
    %swap3A_67 = vector.load %arg23[%swap3A, %swap3A_66] : memref<64x2048xf32, #tpu.memory_space<vmem>>, vector<64x2048xf32>
    tpu.vector_store %arg23[%swap3A, %swap3A_66], %dot_general3A_65 {strides = array<i32>} : memref<64x2048xf32, #tpu.memory_space<vmem>>, vector<64x2048xf32>,
    %iota3A = tpu.iota {dimensions = array<i32: 1>} : vector<1x512xi32>
    %shift_right_arithmetic3A = arith.constant 7 : i32
    %shift_right_arithmetic3A_68 = vector.broadcast %shift_right_arithmetic3A : i32 to vector<1x512xi32>
    %shift_right_arithmetic3A_69 = arith.shrsi %iota3A, %shift_right_arithmetic3A_68 : vector<1x512xi32>
    %and3A = arith.constant 127 : i32
    %and3A_70 = vector.broadcast %and3A : i32 to vector<1x512xi32>
    %and3A_71 = arith.andi %iota3A, %and3A_70 : vector<1x512xi32>
    %mul3A_72 = arith.constant 4 : i32
    %mul3A_73 = arith.muli %arg0, %mul3A_72 : i32
    %add3A = arith.constant 0 : i32
    %add3A_74 = arith.addi %mul3A_73, %add3A : i32
    %get3A_75 = arith.index_cast %add3A_74 : i32 to index
    %get3A_76 = arith.constant 0 : index
    %get3A_77 = vector.load %arg23[%get3A_75, %get3A_76] : memref<64x2048xf32, #tpu.memory_space<vmem>>, vector<1x512xf32>
    %eq3A = arith.constant 0 : i32
    %eq3A_78 = vector.broadcast %eq3A : i32 to vector<1x512xi32>
    %eq3A_79 = arith.cmpi eq, %shift_right_arithmetic3A_69, %eq3A_78 : vector<1x512xi32>
    %mul3A_80 = arith.constant 16 : i32
    %mul3A_81 = arith.muli %mul3A_80, %arg0 : i32
    %add3A_82 = arith.constant 0 : i32
    %add3A_83 = arith.addi %mul3A_81, %add3A_82 : i32
    %get3A_84 = arith.index_cast %add3A_83 : i32 to index
    %get3A_85 = memref.load %arg1[%get3A_84] : memref<256xi32, #tpu.memory_space<smem>>
    %eq3A_86 = arith.constant 1 : i32
    %eq3A_87 = vector.broadcast %eq3A_86 : i32 to vector<1x512xi32>
    %eq3A_88 = arith.cmpi eq, %shift_right_arithmetic3A_69, %eq3A_87 : vector<1x512xi32>
    %mul3A_89 = arith.constant 16 : i32
    %mul3A_90 = arith.muli %mul3A_89, %arg0 : i32
    %add3A_91 = arith.constant 0 : i32
    %add3A_92 = arith.addi %mul3A_90, %add3A_91 : i32
    %add3A_93 = arith.constant 1 : i32
    %add3A_94 = arith.addi %add3A_92, %add3A_93 : i32
    %get3A_95 = arith.index_cast %add3A_94 : i32 to index
    %get3A_96 = memref.load %arg1[%get3A_95] : memref<256xi32, #tpu.memory_space<smem>>
    %eq3A_97 = arith.constant 2 : i32
    %eq3A_98 = vector.broadcast %eq3A_97 : i32 to vector<1x512xi32>
    %eq3A_99 = arith.cmpi eq, %shift_right_arithmetic3A_69, %eq3A_98 : vector<1x512xi32>
    %mul3A_100 = arith.constant 16 : i32
    %mul3A_101 = arith.muli %mul3A_100, %arg0 : i32
    %add3A_102 = arith.constant 0 : i32
    %add3A_103 = arith.addi %mul3A_101, %add3A_102 : i32
    %add3A_104 = arith.constant 2 : i32
    %add3A_105 = arith.addi %add3A_103, %add3A_104 : i32
    %get3A_106 = arith.index_cast %add3A_105 : i32 to index
    %get3A_107 = memref.load %arg1[%get3A_106] : memref<256xi32, #tpu.memory_space<smem>>
    %mul3A_108 = arith.constant 16 : i32
    %mul3A_109 = arith.muli %mul3A_108, %arg0 : i32
    %add3A_110 = arith.constant 0 : i32
    %add3A_111 = arith.addi %mul3A_109, %add3A_110 : i32
    %add3A_112 = arith.constant 3 : i32
    %add3A_113 = arith.addi %add3A_111, %add3A_112 : i32
    %get3A_114 = arith.index_cast %add3A_113 : i32 to index
    %get3A_115 = memref.load %arg1[%get3A_114] : memref<256xi32, #tpu.memory_space<smem>>
    %broadcast_in_dim3A_116 = vector.broadcast %get3A_107 : i32 to vector<1x512xi32>
    %broadcast_in_dim3A_117 = vector.broadcast %get3A_115 : i32 to vector<1x512xi32>
    %select_n3A = arith.select %eq3A_99, %broadcast_in_dim3A_116, %broadcast_in_dim3A_117 : vector<1x512xi1>, vector<1x512xi32>
    %broadcast_in_dim3A_118 = vector.broadcast %get3A_96 : i32 to vector<1x512xi32>
    %select_n3A_119 = arith.select %eq3A_88, %broadcast_in_dim3A_118, %select_n3A : vector<1x512xi1>, vector<1x512xi32>
    %broadcast_in_dim3A_120 = vector.broadcast %get3A_85 : i32 to vector<1x512xi32>
    %select_n3A_121 = arith.select %eq3A_79, %broadcast_in_dim3A_120, %select_n3A_119 : vector<1x512xi1>, vector<1x512xi32>
    %mul3A_122 = arith.constant 128 : i32
    %mul3A_123 = vector.broadcast %mul3A_122 : i32 to vector<1x512xi32>
    %mul3A_124 = arith.muli %select_n3A_121, %mul3A_123 : vector<1x512xi32>
    %add3A_125 = arith.addi %mul3A_124, %and3A_71 : vector<1x512xi32>
    %slice3A = vector.extract_strided_slice %concatenate3A {offsets = [0, 0], sizes = [512, 64], strides = [1, 1]} : vector<2048x64xf32> to vector<512x64xf32>
    %ge3A = arith.constant 1.000000e-01 : f32
    %ge3A_126 = vector.broadcast %ge3A : f32 to vector<1x512xf32>
    %ge3A_127 = arith.cmpf oge, %get3A_77, %ge3A_126 : vector<1x512xf32>
    %jit3A = arith.constant 0xFF800000 : f32
    %broadcast_in_dim3A_128 = vector.broadcast %jit3A : f32 to vector<1x512xf32>
    %select_n3A_129 = arith.select %ge3A_127, %get3A_77, %broadcast_in_dim3A_128 : vector<1x512xi1>, vector<1x512xf32>
    %reduce_max3A = vector.shape_cast %select_n3A_129 : vector<1x512xf32> to vector<1x1x512xf32>
    %reduce_max3A_130 = arith.constant dense<0xFF800000> : vector<1xf32>
    %reduce_max3A_131 = vector.multi_reduction <maximumf>, %reduce_max3A, %reduce_max3A_130 [1, 2] : vector<1x1x512xf32> to vector<1xf32>
    %reduce_max3A_132 = vector.shape_cast %reduce_max3A_131 : vector<1xf32> to vector<1x1x1xf32>
    %reduce_max3A_133 = vector.extract %reduce_max3A_132[0, 0, 0] : f32 from vector<1x1x1xf32>
    %eq3A_134 = vector.broadcast %reduce_max3A_133 : f32 to vector<1x512xf32>
    %eq3A_135 = arith.cmpf oeq, %select_n3A_129, %eq3A_134 : vector<1x512xf32>
    %jit3A_136 = arith.constant 1073741824 : i32
    %broadcast_in_dim3A_137 = vector.broadcast %jit3A_136 : i32 to vector<1x512xi32>
    %select_n3A_138 = arith.select %eq3A_135, %add3A_125, %broadcast_in_dim3A_137 : vector<1x512xi1>, vector<1x512xi32>
    %reduce_min3A = vector.shape_cast %select_n3A_138 : vector<1x512xi32> to vector<1x1x512xi32>
    %reduce_min3A_139 = arith.constant dense<2147483647> : vector<1xi32>
    %reduce_min3A_140 = vector.multi_reduction <minsi>, %reduce_min3A, %reduce_min3A_139 [1, 2] : vector<1x1x512xi32> to vector<1xi32>
    %reduce_min3A_141 = vector.shape_cast %reduce_min3A_140 : vector<1xi32> to vector<1x1x1xi32>
    %reduce_min3A_142 = vector.extract %reduce_min3A_141[0, 0, 0] : i32 from vector<1x1x1xi32>
    %eq3A_143 = arith.constant 0xFF800000 : f32
    %eq3A_144 = arith.cmpf oeq, %reduce_max3A_133, %eq3A_143 : f32
    %jit3A_145 = arith.constant 0 : i32
    %select_n3A_146 = arith.select %eq3A_144, %jit3A_145, %reduce_min3A_142 : i32
    %ge3A_147 = arith.constant 1.000000e-01 : f32
    %ge3A_148 = arith.cmpf oge, %reduce_max3A_133, %ge3A_147 : f32
    %eq3A_149 = vector.broadcast %reduce_max3A_133 : f32 to vector<1x512xf32>
    %eq3A_150 = arith.cmpf oeq, %select_n3A_129, %eq3A_149 : vector<1x512xf32>
    %eq3A_151 = vector.broadcast %select_n3A_146 : i32 to vector<1x512xi32>
    %eq3A_152 = arith.cmpi eq, %add3A_125, %eq3A_151 : vector<1x512xi32>
    %and3A_153 = arith.andi %eq3A_150, %eq3A_152 : vector<1x512xi1>
    %eq3A_154 = vector.broadcast %select_n3A_146 : i32 to vector<1x512xi32>
    %eq3A_155 = arith.cmpi eq, %add3A_125, %eq3A_154 : vector<1x512xi32>
    %jit3A_156 = arith.constant 0xFF800000 : f32
    %broadcast_in_dim3A_157 = vector.broadcast %jit3A_156 : f32 to vector<1x512xf32>
    %select_n3A_158 = arith.select %eq3A_155, %broadcast_in_dim3A_157, %select_n3A_129 : vector<1x512xi1>, vector<1x512xf32>
    %jit3A_159 = arith.constant 0.000000e+00 : f32
    %select_n3A_160 = arith.select %ge3A_148, %reduce_max3A_133, %jit3A_159 : f32
    %jit3A_161 = arith.constant 1.000000e+00 : f32
    %jit3A_162 = arith.constant 0.000000e+00 : f32
    %select_n3A_163 = arith.select %ge3A_148, %jit3A_161, %jit3A_162 : f32
    %and3A_164 = vector.broadcast %ge3A_148 : i1 to vector<1x512xi1>
    %and3A_165 = arith.andi %and3A_153, %and3A_164 : vector<1x512xi1>
    %transpose3A = tpu.transpose %and3A_165, [1, 0] : vector<1x512xi1> -> vector<512x1xi1>
    %jit3A_166 = arith.constant 0.000000e+00 : f32
    %broadcast_in_dim3A_167 = vector.shape_cast %transpose3A : vector<512x1xi1> to vector<512x1xi1>
    %broadcast_in_dim3A_168 = vector.broadcast %broadcast_in_dim3A_167 : vector<512x1xi1> to vector<512x64xi1>
    %broadcast_in_dim3A_169 = vector.broadcast %jit3A_166 : f32 to vector<512x64xf32>
    %select_n3A_170 = arith.select %broadcast_in_dim3A_168, %slice3A, %broadcast_in_dim3A_169 : vector<512x64xi1>, vector<512x64xf32>
    %reduce_sum3A_171 = arith.constant dense<0.000000e+00> : vector<64xf32>
    %reduce_sum3A_172 = vector.multi_reduction <add>, %select_n3A_170, %reduce_sum3A_171 [0] : vector<512x64xf32> to vector<64xf32>
    %broadcast_in_dim3A_173 = vector.shape_cast %reduce_sum3A_172 : vector<64xf32> to vector<1x64xf32>
    %reduce_max3A_174 = vector.shape_cast %select_n3A_158 : vector<1x512xf32> to vector<1x1x512xf32>
    %reduce_max3A_175 = arith.constant dense<0xFF800000> : vector<1xf32>
    %reduce_max3A_176 = vector.multi_reduction <maximumf>, %reduce_max3A_174, %reduce_max3A_175 [1, 2] : vector<1x1x512xf32> to vector<1xf32>
    %reduce_max3A_177 = vector.shape_cast %reduce_max3A_176 : vector<1xf32> to vector<1x1x1xf32>
    %reduce_max3A_178 = vector.extract %reduce_max3A_177[0, 0, 0] : f32 from vector<1x1x1xf32>
    %eq3A_179 = vector.broadcast %reduce_max3A_178 : f32 to vector<1x512xf32>
    %eq3A_180 = arith.cmpf oeq, %select_n3A_158, %eq3A_179 : vector<1x512xf32>
    %jit3A_181 = arith.constant 1073741824 : i32
    %broadcast_in_dim3A_182 = vector.broadcast %jit3A_181 : i32 to vector<1x512xi32>
    %select_n3A_183 = arith.select %eq3A_180, %add3A_125, %broadcast_in_dim3A_182 : vector<1x512xi1>, vector<1x512xi32>
    %reduce_min3A_184 = vector.shape_cast %select_n3A_183 : vector<1x512xi32> to vector<1x1x512xi32>
    %reduce_min3A_185 = arith.constant dense<2147483647> : vector<1xi32>
    %reduce_min3A_186 = vector.multi_reduction <minsi>, %reduce_min3A_184, %reduce_min3A_185 [1, 2] : vector<1x1x512xi32> to vector<1xi32>
    %reduce_min3A_187 = vector.shape_cast %reduce_min3A_186 : vector<1xi32> to vector<1x1x1xi32>
    %reduce_min3A_188 = vector.extract %reduce_min3A_187[0, 0, 0] : i32 from vector<1x1x1xi32>
    %eq3A_189 = arith.constant 0xFF800000 : f32
    %eq3A_190 = arith.cmpf oeq, %reduce_max3A_178, %eq3A_189 : f32
    %jit3A_191 = arith.constant 0 : i32
    %select_n3A_192 = arith.select %eq3A_190, %jit3A_191, %reduce_min3A_188 : i32
    %ge3A_193 = arith.constant 1.000000e-01 : f32
    %ge3A_194 = arith.cmpf oge, %reduce_max3A_178, %ge3A_193 : f32
    %eq3A_195 = vector.broadcast %reduce_max3A_178 : f32 to vector<1x512xf32>
    %eq3A_196 = arith.cmpf oeq, %select_n3A_158, %eq3A_195 : vector<1x512xf32>
    %eq3A_197 = vector.broadcast %select_n3A_192 : i32 to vector<1x512xi32>
    %eq3A_198 = arith.cmpi eq, %add3A_125, %eq3A_197 : vector<1x512xi32>
    %and3A_199 = arith.andi %eq3A_196, %eq3A_198 : vector<1x512xi1>
    %eq3A_200 = vector.broadcast %select_n3A_192 : i32 to vector<1x512xi32>
    %eq3A_201 = arith.cmpi eq, %add3A_125, %eq3A_200 : vector<1x512xi32>
    %jit3A_202 = arith.constant 0xFF800000 : f32
    %broadcast_in_dim3A_203 = vector.broadcast %jit3A_202 : f32 to vector<1x512xf32>
    %select_n3A_204 = arith.select %eq3A_201, %broadcast_in_dim3A_203, %select_n3A_158 : vector<1x512xi1>, vector<1x512xf32>
    %jit3A_205 = arith.constant 0.000000e+00 : f32
    %select_n3A_206 = arith.select %ge3A_194, %reduce_max3A_178, %jit3A_205 : f32
    %jit3A_207 = arith.constant 1.000000e+00 : f32
    %jit3A_208 = arith.constant 0.000000e+00 : f32
    %select_n3A_209 = arith.select %ge3A_194, %jit3A_207, %jit3A_208 : f32
    %and3A_210 = vector.broadcast %ge3A_194 : i1 to vector<1x512xi1>
    %and3A_211 = arith.andi %and3A_199, %and3A_210 : vector<1x512xi1>
    %transpose3A_212 = tpu.transpose %and3A_211, [1, 0] : vector<1x512xi1> -> vector<512x1xi1>
    %jit3A_213 = arith.constant 0.000000e+00 : f32
    %broadcast_in_dim3A_214 = vector.shape_cast %transpose3A_212 : vector<512x1xi1> to vector<512x1xi1>
    %broadcast_in_dim3A_215 = vector.broadcast %broadcast_in_dim3A_214 : vector<512x1xi1> to vector<512x64xi1>
    %broadcast_in_dim3A_216 = vector.broadcast %jit3A_213 : f32 to vector<512x64xf32>
    %select_n3A_217 = arith.select %broadcast_in_dim3A_215, %slice3A, %broadcast_in_dim3A_216 : vector<512x64xi1>, vector<512x64xf32>
    %reduce_sum3A_218 = arith.constant dense<0.000000e+00> : vector<64xf32>
    %reduce_sum3A_219 = vector.multi_reduction <add>, %select_n3A_217, %reduce_sum3A_218 [0] : vector<512x64xf32> to vector<64xf32>
    %broadcast_in_dim3A_220 = vector.shape_cast %reduce_sum3A_219 : vector<64xf32> to vector<1x64xf32>
    %reduce_max3A_221 = vector.shape_cast %select_n3A_204 : vector<1x512xf32> to vector<1x1x512xf32>
    %reduce_max3A_222 = arith.constant dense<0xFF800000> : vector<1xf32>
    %reduce_max3A_223 = vector.multi_reduction <maximumf>, %reduce_max3A_221, %reduce_max3A_222 [1, 2] : vector<1x1x512xf32> to vector<1xf32>
    %reduce_max3A_224 = vector.shape_cast %reduce_max3A_223 : vector<1xf32> to vector<1x1x1xf32>
    %reduce_max3A_225 = vector.extract %reduce_max3A_224[0, 0, 0] : f32 from vector<1x1x1xf32>
    %eq3A_226 = vector.broadcast %reduce_max3A_225 : f32 to vector<1x512xf32>
    %eq3A_227 = arith.cmpf oeq, %select_n3A_204, %eq3A_226 : vector<1x512xf32>
    %jit3A_228 = arith.constant 1073741824 : i32
    %broadcast_in_dim3A_229 = vector.broadcast %jit3A_228 : i32 to vector<1x512xi32>
    %select_n3A_230 = arith.select %eq3A_227, %add3A_125, %broadcast_in_dim3A_229 : vector<1x512xi1>, vector<1x512xi32>
    %reduce_min3A_231 = vector.shape_cast %select_n3A_230 : vector<1x512xi32> to vector<1x1x512xi32>
    %reduce_min3A_232 = arith.constant dense<2147483647> : vector<1xi32>
    %reduce_min3A_233 = vector.multi_reduction <minsi>, %reduce_min3A_231, %reduce_min3A_232 [1, 2] : vector<1x1x512xi32> to vector<1xi32>
    %reduce_min3A_234 = vector.shape_cast %reduce_min3A_233 : vector<1xi32> to vector<1x1x1xi32>
    %reduce_min3A_235 = vector.extract %reduce_min3A_234[0, 0, 0] : i32 from vector<1x1x1xi32>
    %eq3A_236 = arith.constant 0xFF800000 : f32
    %eq3A_237 = arith.cmpf oeq, %reduce_max3A_225, %eq3A_236 : f32
    %jit3A_238 = arith.constant 0 : i32
    %select_n3A_239 = arith.select %eq3A_237, %jit3A_238, %reduce_min3A_235 : i32
    %ge3A_240 = arith.constant 1.000000e-01 : f32
    %ge3A_241 = arith.cmpf oge, %reduce_max3A_225, %ge3A_240 : f32
    %eq3A_242 = vector.broadcast %reduce_max3A_225 : f32 to vector<1x512xf32>
    %eq3A_243 = arith.cmpf oeq, %select_n3A_204, %eq3A_242 : vector<1x512xf32>
    %eq3A_244 = vector.broadcast %select_n3A_239 : i32 to vector<1x512xi32>
    %eq3A_245 = arith.cmpi eq, %add3A_125, %eq3A_244 : vector<1x512xi32>
    %and3A_246 = arith.andi %eq3A_243, %eq3A_245 : vector<1x512xi1>
    %eq3A_247 = vector.broadcast %select_n3A_239 : i32 to vector<1x512xi32>
    %eq3A_248 = arith.cmpi eq, %add3A_125, %eq3A_247 : vector<1x512xi32>
    %jit3A_249 = arith.constant 0xFF800000 : f32
    %broadcast_in_dim3A_250 = vector.broadcast %jit3A_249 : f32 to vector<1x512xf32>
    %select_n3A_251 = arith.select %eq3A_248, %broadcast_in_dim3A_250, %select_n3A_204 : vector<1x512xi1>, vector<1x512xf32>
    %jit3A_252 = arith.constant 0.000000e+00 : f32
    %select_n3A_253 = arith.select %ge3A_241, %reduce_max3A_225, %jit3A_252 : f32
    %jit3A_254 = arith.constant 1.000000e+00 : f32
    %jit3A_255 = arith.constant 0.000000e+00 : f32
    %select_n3A_256 = arith.select %ge3A_241, %jit3A_254, %jit3A_255 : f32
    %and3A_257 = vector.broadcast %ge3A_241 : i1 to vector<1x512xi1>
    %and3A_258 = arith.andi %and3A_246, %and3A_257 : vector<1x512xi1>
    %transpose3A_259 = tpu.transpose %and3A_258, [1, 0] : vector<1x512xi1> -> vector<512x1xi1>
    %jit3A_260 = arith.constant 0.000000e+00 : f32
    %broadcast_in_dim3A_261 = vector.shape_cast %transpose3A_259 : vector<512x1xi1> to vector<512x1xi1>
    %broadcast_in_dim3A_262 = vector.broadcast %broadcast_in_dim3A_261 : vector<512x1xi1> to vector<512x64xi1>
    %broadcast_in_dim3A_263 = vector.broadcast %jit3A_260 : f32 to vector<512x64xf32>
    %select_n3A_264 = arith.select %broadcast_in_dim3A_262, %slice3A, %broadcast_in_dim3A_263 : vector<512x64xi1>, vector<512x64xf32>
    %reduce_sum3A_265 = arith.constant dense<0.000000e+00> : vector<64xf32>
    %reduce_sum3A_266 = vector.multi_reduction <add>, %select_n3A_264, %reduce_sum3A_265 [0] : vector<512x64xf32> to vector<64xf32>
    %broadcast_in_dim3A_267 = vector.shape_cast %reduce_sum3A_266 : vector<64xf32> to vector<1x64xf32>
    %reduce_max3A_268 = vector.shape_cast %select_n3A_251 : vector<1x512xf32> to vector<1x1x512xf32>
    %reduce_max3A_269 = arith.constant dense<0xFF800000> : vector<1xf32>
    %reduce_max3A_270 = vector.multi_reduction <maximumf>, %reduce_max3A_268, %reduce_max3A_269 [1, 2] : vector<1x1x512xf32> to vector<1xf32>
    %reduce_max3A_271 = vector.shape_cast %reduce_max3A_270 : vector<1xf32> to vector<1x1x1xf32>
    %reduce_max3A_272 = vector.extract %reduce_max3A_271[0, 0, 0] : f32 from vector<1x1x1xf32>
    %eq3A_273 = vector.broadcast %reduce_max3A_272 : f32 to vector<1x512xf32>
    %eq3A_274 = arith.cmpf oeq, %select_n3A_251, %eq3A_273 : vector<1x512xf32>
    %jit3A_275 = arith.constant 1073741824 : i32
    %broadcast_in_dim3A_276 = vector.broadcast %jit3A_275 : i32 to vector<1x512xi32>
    %select_n3A_277 = arith.select %eq3A_274, %add3A_125, %broadcast_in_dim3A_276 : vector<1x512xi1>, vector<1x512xi32>
    %reduce_min3A_278 = vector.shape_cast %select_n3A_277 : vector<1x512xi32> to vector<1x1x512xi32>
    %reduce_min3A_279 = arith.constant dense<2147483647> : vector<1xi32>
    %reduce_min3A_280 = vector.multi_reduction <minsi>, %reduce_min3A_278, %reduce_min3A_279 [1, 2] : vector<1x1x512xi32> to vector<1xi32>
    %reduce_min3A_281 = vector.shape_cast %reduce_min3A_280 : vector<1xi32> to vector<1x1x1xi32>
    %reduce_min3A_282 = vector.extract %reduce_min3A_281[0, 0, 0] : i32 from vector<1x1x1xi32>
    %eq3A_283 = arith.constant 0xFF800000 : f32
    %eq3A_284 = arith.cmpf oeq, %reduce_max3A_272, %eq3A_283 : f32
    %jit3A_285 = arith.constant 0 : i32
    %select_n3A_286 = arith.select %eq3A_284, %jit3A_285, %reduce_min3A_282 : i32
    %ge3A_287 = arith.constant 1.000000e-01 : f32
    %ge3A_288 = arith.cmpf oge, %reduce_max3A_272, %ge3A_287 : f32
    %eq3A_289 = vector.broadcast %reduce_max3A_272 : f32 to vector<1x512xf32>
    %eq3A_290 = arith.cmpf oeq, %select_n3A_251, %eq3A_289 : vector<1x512xf32>
    %eq3A_291 = vector.broadcast %select_n3A_286 : i32 to vector<1x512xi32>
    %eq3A_292 = arith.cmpi eq, %add3A_125, %eq3A_291 : vector<1x512xi32>
    %and3A_293 = arith.andi %eq3A_290, %eq3A_292 : vector<1x512xi1>
    %jit3A_294 = arith.constant 0.000000e+00 : f32
    %select_n3A_295 = arith.select %ge3A_288, %reduce_max3A_272, %jit3A_294 : f32
    %jit3A_296 = arith.constant 1.000000e+00 : f32
    %jit3A_297 = arith.constant 0.000000e+00 : f32
    %select_n3A_298 = arith.select %ge3A_288, %jit3A_296, %jit3A_297 : f32
    %and3A_299 = vector.broadcast %ge3A_288 : i1 to vector<1x512xi1>
    %and3A_300 = arith.andi %and3A_293, %and3A_299 : vector<1x512xi1>
    %transpose3A_301 = tpu.transpose %and3A_300, [1, 0] : vector<1x512xi1> -> vector<512x1xi1>
    %jit3A_302 = arith.constant 0.000000e+00 : f32
    %broadcast_in_dim3A_303 = vector.shape_cast %transpose3A_301 : vector<512x1xi1> to vector<512x1xi1>
    %broadcast_in_dim3A_304 = vector.broadcast %broadcast_in_dim3A_303 : vector<512x1xi1> to vector<512x64xi1>
    %broadcast_in_dim3A_305 = vector.broadcast %jit3A_302 : f32 to vector<512x64xf32>
    %select_n3A_306 = arith.select %broadcast_in_dim3A_304, %slice3A, %broadcast_in_dim3A_305 : vector<512x64xi1>, vector<512x64xf32>
    %reduce_sum3A_307 = arith.constant dense<0.000000e+00> : vector<64xf32>
    %reduce_sum3A_308 = vector.multi_reduction <add>, %select_n3A_306, %reduce_sum3A_307 [0] : vector<512x64xf32> to vector<64xf32>
    %broadcast_in_dim3A_309 = vector.shape_cast %reduce_sum3A_308 : vector<64xf32> to vector<1x64xf32>
    %stack3A = vector.broadcast %select_n3A_146 : i32 to vector<1xi32>
    %stack3A_310 = vector.broadcast %select_n3A_192 : i32 to vector<1xi32>
    %stack3A_311 = vector.broadcast %select_n3A_239 : i32 to vector<1xi32>
    %stack3A_312 = vector.broadcast %select_n3A_286 : i32 to vector<1xi32>
    %stack3A_313 = tpu.concatenate %stack3A, %stack3A_310, %stack3A_311, %stack3A_312 in 0 : vector<1xi32>, vector<1xi32>, vector<1xi32>, vector<1xi32> -> vector<4xi32>
    %reshape3A = vector.shape_cast %stack3A_313 : vector<4xi32> to vector<1x1x4xi32>
    %stack3A_314 = vector.broadcast %select_n3A_160 : f32 to vector<1xf32>
    %stack3A_315 = vector.broadcast %select_n3A_206 : f32 to vector<1xf32>
    %stack3A_316 = vector.broadcast %select_n3A_253 : f32 to vector<1xf32>
    %stack3A_317 = vector.broadcast %select_n3A_295 : f32 to vector<1xf32>
    %stack3A_318 = tpu.concatenate %stack3A_314, %stack3A_315, %stack3A_316, %stack3A_317 in 0 : vector<1xf32>, vector<1xf32>, vector<1xf32>, vector<1xf32> -> vector<4xf32>
    %reshape3A_319 = vector.shape_cast %stack3A_318 : vector<4xf32> to vector<1x1x4xf32>
    %stack3A_320 = vector.broadcast %select_n3A_163 : f32 to vector<1xf32>
    %stack3A_321 = vector.broadcast %select_n3A_209 : f32 to vector<1xf32>
    %stack3A_322 = vector.broadcast %select_n3A_256 : f32 to vector<1xf32>
    %stack3A_323 = vector.broadcast %select_n3A_298 : f32 to vector<1xf32>
    %stack3A_324 = tpu.concatenate %stack3A_320, %stack3A_321, %stack3A_322, %stack3A_323 in 0 : vector<1xf32>, vector<1xf32>, vector<1xf32>, vector<1xf32> -> vector<4xf32>
    %reshape3A_325 = vector.shape_cast %stack3A_324 : vector<4xf32> to vector<1x1x4xf32>
    %concatenate3A_326 = tpu.concatenate %broadcast_in_dim3A_173, %broadcast_in_dim3A_220, %broadcast_in_dim3A_267, %broadcast_in_dim3A_309 in 0 : vector<1x64xf32>, vector<1x64xf32>, vector<1x64xf32>, vector<1x64xf32> -> vector<4x64xf32>
    %reshape3A_327 = vector.shape_cast %concatenate3A_326 : vector<4x64xf32> to vector<1x4x64xf32>
    %mul3A_328 = arith.constant 4 : i32
    %mul3A_329 = arith.muli %arg0, %mul3A_328 : i32
    %add3A_330 = arith.constant 1 : i32
    %add3A_331 = arith.addi %mul3A_329, %add3A_330 : i32
    %get3A_332 = arith.index_cast %add3A_331 : i32 to index
    %get3A_333 = arith.constant 512 : index
    %get3A_334 = vector.load %arg23[%get3A_332, %get3A_333] : memref<64x2048xf32, #tpu.memory_space<vmem>>, vector<1x512xf32>
    %eq3A_335 = arith.constant 0 : i32
    %eq3A_336 = vector.broadcast %eq3A_335 : i32 to vector<1x512xi32>
    %eq3A_337 = arith.cmpi eq, %shift_right_arithmetic3A_69, %eq3A_336 : vector<1x512xi32>
    %mul3A_338 = arith.constant 16 : i32
    %mul3A_339 = arith.muli %mul3A_338, %arg0 : i32
    %add3A_340 = arith.constant 4 : i32
    %add3A_341 = arith.addi %mul3A_339, %add3A_340 : i32
    %get3A_342 = arith.index_cast %add3A_341 : i32 to index
    %get3A_343 = memref.load %arg1[%get3A_342] : memref<256xi32, #tpu.memory_space<smem>>
    %eq3A_344 = arith.constant 1 : i32
    %eq3A_345 = vector.broadcast %eq3A_344 : i32 to vector<1x512xi32>
    %eq3A_346 = arith.cmpi eq, %shift_right_arithmetic3A_69, %eq3A_345 : vector<1x512xi32>
    %mul3A_347 = arith.constant 16 : i32
    %mul3A_348 = arith.muli %mul3A_347, %arg0 : i32
    %add3A_349 = arith.constant 4 : i32
    %add3A_350 = arith.addi %mul3A_348, %add3A_349 : i32
    %add3A_351 = arith.constant 1 : i32
    %add3A_352 = arith.addi %add3A_350, %add3A_351 : i32
    %get3A_353 = arith.index_cast %add3A_352 : i32 to index
    %get3A_354 = memref.load %arg1[%get3A_353] : memref<256xi32, #tpu.memory_space<smem>>
    %eq3A_355 = arith.constant 2 : i32
    %eq3A_356 = vector.broadcast %eq3A_355 : i32 to vector<1x512xi32>
    %eq3A_357 = arith.cmpi eq, %shift_right_arithmetic3A_69, %eq3A_356 : vector<1x512xi32>
    %mul3A_358 = arith.constant 16 : i32
    %mul3A_359 = arith.muli %mul3A_358, %arg0 : i32
    %add3A_360 = arith.constant 4 : i32
    %add3A_361 = arith.addi %mul3A_359, %add3A_360 : i32
    %add3A_362 = arith.constant 2 : i32
    %add3A_363 = arith.addi %add3A_361, %add3A_362 : i32
    %get3A_364 = arith.index_cast %add3A_363 : i32 to index
    %get3A_365 = memref.load %arg1[%get3A_364] : memref<256xi32, #tpu.memory_space<smem>>
    %mul3A_366 = arith.constant 16 : i32
    %mul3A_367 = arith.muli %mul3A_366, %arg0 : i32
    %add3A_368 = arith.constant 4 : i32
    %add3A_369 = arith.addi %mul3A_367, %add3A_368 : i32
    %add3A_370 = arith.constant 3 : i32
    %add3A_371 = arith.addi %add3A_369, %add3A_370 : i32
    %get3A_372 = arith.index_cast %add3A_371 : i32 to index
    %get3A_373 = memref.load %arg1[%get3A_372] : memref<256xi32, #tpu.memory_space<smem>>
    %broadcast_in_dim3A_374 = vector.broadcast %get3A_365 : i32 to vector<1x512xi32>
    %broadcast_in_dim3A_375 = vector.broadcast %get3A_373 : i32 to vector<1x512xi32>
    %select_n3A_376 = arith.select %eq3A_357, %broadcast_in_dim3A_374, %broadcast_in_dim3A_375 : vector<1x512xi1>, vector<1x512xi32>
    %broadcast_in_dim3A_377 = vector.broadcast %get3A_354 : i32 to vector<1x512xi32>
    %select_n3A_378 = arith.select %eq3A_346, %broadcast_in_dim3A_377, %select_n3A_376 : vector<1x512xi1>, vector<1x512xi32>
    %broadcast_in_dim3A_379 = vector.broadcast %get3A_343 : i32 to vector<1x512xi32>
    %select_n3A_380 = arith.select %eq3A_337, %broadcast_in_dim3A_379, %select_n3A_378 : vector<1x512xi1>, vector<1x512xi32>
    %mul3A_381 = arith.constant 128 : i32
    %mul3A_382 = vector.broadcast %mul3A_381 : i32 to vector<1x512xi32>
    %mul3A_383 = arith.muli %select_n3A_380, %mul3A_382 : vector<1x512xi32>
    %add3A_384 = arith.addi %mul3A_383, %and3A_71 : vector<1x512xi32>
    %slice3A_385 = vector.extract_strided_slice %concatenate3A {offsets = [512, 0], sizes = [512, 64], strides = [1, 1]} : vector<2048x64xf32> to vector<512x64xf32>
    %ge3A_386 = arith.constant 1.000000e-01 : f32
    %ge3A_387 = vector.broadcast %ge3A_386 : f32 to vector<1x512xf32>
    %ge3A_388 = arith.cmpf oge, %get3A_334, %ge3A_387 : vector<1x512xf32>
    %jit3A_389 = arith.constant 0xFF800000 : f32
    %broadcast_in_dim3A_390 = vector.broadcast %jit3A_389 : f32 to vector<1x512xf32>
    %select_n3A_391 = arith.select %ge3A_388, %get3A_334, %broadcast_in_dim3A_390 : vector<1x512xi1>, vector<1x512xf32>
    %reduce_max3A_392 = vector.shape_cast %select_n3A_391 : vector<1x512xf32> to vector<1x1x512xf32>
    %reduce_max3A_393 = arith.constant dense<0xFF800000> : vector<1xf32>
    %reduce_max3A_394 = vector.multi_reduction <maximumf>, %reduce_max3A_392, %reduce_max3A_393 [1, 2] : vector<1x1x512xf32> to vector<1xf32>
    %reduce_max3A_395 = vector.shape_cast %reduce_max3A_394 : vector<1xf32> to vector<1x1x1xf32>
    %reduce_max3A_396 = vector.extract %reduce_max3A_395[0, 0, 0] : f32 from vector<1x1x1xf32>
    %eq3A_397 = vector.broadcast %reduce_max3A_396 : f32 to vector<1x512xf32>
    %eq3A_398 = arith.cmpf oeq, %select_n3A_391, %eq3A_397 : vector<1x512xf32>
    %jit3A_399 = arith.constant 1073741824 : i32
    %broadcast_in_dim3A_400 = vector.broadcast %jit3A_399 : i32 to vector<1x512xi32>
    %select_n3A_401 = arith.select %eq3A_398, %add3A_384, %broadcast_in_dim3A_400 : vector<1x512xi1>, vector<1x512xi32>
    %reduce_min3A_402 = vector.shape_cast %select_n3A_401 : vector<1x512xi32> to vector<1x1x512xi32>
    %reduce_min3A_403 = arith.constant dense<2147483647> : vector<1xi32>
    %reduce_min3A_404 = vector.multi_reduction <minsi>, %reduce_min3A_402, %reduce_min3A_403 [1, 2] : vector<1x1x512xi32> to vector<1xi32>
    %reduce_min3A_405 = vector.shape_cast %reduce_min3A_404 : vector<1xi32> to vector<1x1x1xi32>
    %reduce_min3A_406 = vector.extract %reduce_min3A_405[0, 0, 0] : i32 from vector<1x1x1xi32>
    %eq3A_407 = arith.constant 0xFF800000 : f32
    %eq3A_408 = arith.cmpf oeq, %reduce_max3A_396, %eq3A_407 : f32
    %jit3A_409 = arith.constant 0 : i32
    %select_n3A_410 = arith.select %eq3A_408, %jit3A_409, %reduce_min3A_406 : i32
    %ge3A_411 = arith.constant 1.000000e-01 : f32
    %ge3A_412 = arith.cmpf oge, %reduce_max3A_396, %ge3A_411 : f32
    %eq3A_413 = vector.broadcast %reduce_max3A_396 : f32 to vector<1x512xf32>
    %eq3A_414 = arith.cmpf oeq, %select_n3A_391, %eq3A_413 : vector<1x512xf32>
    %eq3A_415 = vector.broadcast %select_n3A_410 : i32 to vector<1x512xi32>
    %eq3A_416 = arith.cmpi eq, %add3A_384, %eq3A_415 : vector<1x512xi32>
    %and3A_417 = arith.andi %eq3A_414, %eq3A_416 : vector<1x512xi1>
    %eq3A_418 = vector.broadcast %select_n3A_410 : i32 to vector<1x512xi32>
    %eq3A_419 = arith.cmpi eq, %add3A_384, %eq3A_418 : vector<1x512xi32>
    %jit3A_420 = arith.constant 0xFF800000 : f32
    %broadcast_in_dim3A_421 = vector.broadcast %jit3A_420 : f32 to vector<1x512xf32>
    %select_n3A_422 = arith.select %eq3A_419, %broadcast_in_dim3A_421, %select_n3A_391 : vector<1x512xi1>, vector<1x512xf32>
    %jit3A_423 = arith.constant 0.000000e+00 : f32
    %select_n3A_424 = arith.select %ge3A_412, %reduce_max3A_396, %jit3A_423 : f32
    %jit3A_425 = arith.constant 1.000000e+00 : f32
    %jit3A_426 = arith.constant 0.000000e+00 : f32
    %select_n3A_427 = arith.select %ge3A_412, %jit3A_425, %jit3A_426 : f32
    %and3A_428 = vector.broadcast %ge3A_412 : i1 to vector<1x512xi1>
    %and3A_429 = arith.andi %and3A_417, %and3A_428 : vector<1x512xi1>
    %transpose3A_430 = tpu.transpose %and3A_429, [1, 0] : vector<1x512xi1> -> vector<512x1xi1>
    %jit3A_431 = arith.constant 0.000000e+00 : f32
    %broadcast_in_dim3A_432 = vector.shape_cast %transpose3A_430 : vector<512x1xi1> to vector<512x1xi1>
    %broadcast_in_dim3A_433 = vector.broadcast %broadcast_in_dim3A_432 : vector<512x1xi1> to vector<512x64xi1>
    %broadcast_in_dim3A_434 = vector.broadcast %jit3A_431 : f32 to vector<512x64xf32>
    %select_n3A_435 = arith.select %broadcast_in_dim3A_433, %slice3A_385, %broadcast_in_dim3A_434 : vector<512x64xi1>, vector<512x64xf32>
    %reduce_sum3A_436 = arith.constant dense<0.000000e+00> : vector<64xf32>
    %reduce_sum3A_437 = vector.multi_reduction <add>, %select_n3A_435, %reduce_sum3A_436 [0] : vector<512x64xf32> to vector<64xf32>
    %broadcast_in_dim3A_438 = vector.shape_cast %reduce_sum3A_437 : vector<64xf32> to vector<1x64xf32>
    %reduce_max3A_439 = vector.shape_cast %select_n3A_422 : vector<1x512xf32> to vector<1x1x512xf32>
    %reduce_max3A_440 = arith.constant dense<0xFF800000> : vector<1xf32>
    %reduce_max3A_441 = vector.multi_reduction <maximumf>, %reduce_max3A_439, %reduce_max3A_440 [1, 2] : vector<1x1x512xf32> to vector<1xf32>
    %reduce_max3A_442 = vector.shape_cast %reduce_max3A_441 : vector<1xf32> to vector<1x1x1xf32>
    %reduce_max3A_443 = vector.extract %reduce_max3A_442[0, 0, 0] : f32 from vector<1x1x1xf32>
    %eq3A_444 = vector.broadcast %reduce_max3A_443 : f32 to vector<1x512xf32>
    %eq3A_445 = arith.cmpf oeq, %select_n3A_422, %eq3A_444 : vector<1x512xf32>
    %jit3A_446 = arith.constant 1073741824 : i32
    %broadcast_in_dim3A_447 = vector.broadcast %jit3A_446 : i32 to vector<1x512xi32>
    %select_n3A_448 = arith.select %eq3A_445, %add3A_384, %broadcast_in_dim3A_447 : vector<1x512xi1>, vector<1x512xi32>
    %reduce_min3A_449 = vector.shape_cast %select_n3A_448 : vector<1x512xi32> to vector<1x1x512xi32>
    %reduce_min3A_450 = arith.constant dense<2147483647> : vector<1xi32>
    %reduce_min3A_451 = vector.multi_reduction <minsi>, %reduce_min3A_449, %reduce_min3A_450 [1, 2] : vector<1x1x512xi32> to vector<1xi32>
    %reduce_min3A_452 = vector.shape_cast %reduce_min3A_451 : vector<1xi32> to vector<1x1x1xi32>
    %reduce_min3A_453 = vector.extract %reduce_min3A_452[0, 0, 0] : i32 from vector<1x1x1xi32>
    %eq3A_454 = arith.constant 0xFF800000 : f32
    %eq3A_455 = arith.cmpf oeq, %reduce_max3A_443, %eq3A_454 : f32
    %jit3A_456 = arith.constant 0 : i32
    %select_n3A_457 = arith.select %eq3A_455, %jit3A_456, %reduce_min3A_453 : i32
    %ge3A_458 = arith.constant 1.000000e-01 : f32
    %ge3A_459 = arith.cmpf oge, %reduce_max3A_443, %ge3A_458 : f32
    %eq3A_460 = vector.broadcast %reduce_max3A_443 : f32 to vector<1x512xf32>
    %eq3A_461 = arith.cmpf oeq, %select_n3A_422, %eq3A_460 : vector<1x512xf32>
    %eq3A_462 = vector.broadcast %select_n3A_457 : i32 to vector<1x512xi32>
    %eq3A_463 = arith.cmpi eq, %add3A_384, %eq3A_462 : vector<1x512xi32>
    %and3A_464 = arith.andi %eq3A_461, %eq3A_463 : vector<1x512xi1>
    %eq3A_465 = vector.broadcast %select_n3A_457 : i32 to vector<1x512xi32>
    %eq3A_466 = arith.cmpi eq, %add3A_384, %eq3A_465 : vector<1x512xi32>
    %jit3A_467 = arith.constant 0xFF800000 : f32
    %broadcast_in_dim3A_468 = vector.broadcast %jit3A_467 : f32 to vector<1x512xf32>
    %select_n3A_469 = arith.select %eq3A_466, %broadcast_in_dim3A_468, %select_n3A_422 : vector<1x512xi1>, vector<1x512xf32>
    %jit3A_470 = arith.constant 0.000000e+00 : f32
    %select_n3A_471 = arith.select %ge3A_459, %reduce_max3A_443, %jit3A_470 : f32
    %jit3A_472 = arith.constant 1.000000e+00 : f32
    %jit3A_473 = arith.constant 0.000000e+00 : f32
    %select_n3A_474 = arith.select %ge3A_459, %jit3A_472, %jit3A_473 : f32
    %and3A_475 = vector.broadcast %ge3A_459 : i1 to vector<1x512xi1>
    %and3A_476 = arith.andi %and3A_464, %and3A_475 : vector<1x512xi1>
    %transpose3A_477 = tpu.transpose %and3A_476, [1, 0] : vector<1x512xi1> -> vector<512x1xi1>
    %jit3A_478 = arith.constant 0.000000e+00 : f32
    %broadcast_in_dim3A_479 = vector.shape_cast %transpose3A_477 : vector<512x1xi1> to vector<512x1xi1>
    %broadcast_in_dim3A_480 = vector.broadcast %broadcast_in_dim3A_479 : vector<512x1xi1> to vector<512x64xi1>
    %broadcast_in_dim3A_481 = vector.broadcast %jit3A_478 : f32 to vector<512x64xf32>
    %select_n3A_482 = arith.select %broadcast_in_dim3A_480, %slice3A_385, %broadcast_in_dim3A_481 : vector<512x64xi1>, vector<512x64xf32>
    %reduce_sum3A_483 = arith.constant dense<0.000000e+00> : vector<64xf32>
    %reduce_sum3A_484 = vector.multi_reduction <add>, %select_n3A_482, %reduce_sum3A_483 [0] : vector<512x64xf32> to vector<64xf32>
    %broadcast_in_dim3A_485 = vector.shape_cast %reduce_sum3A_484 : vector<64xf32> to vector<1x64xf32>
    %reduce_max3A_486 = vector.shape_cast %select_n3A_469 : vector<1x512xf32> to vector<1x1x512xf32>
    %reduce_max3A_487 = arith.constant dense<0xFF800000> : vector<1xf32>
    %reduce_max3A_488 = vector.multi_reduction <maximumf>, %reduce_max3A_486, %reduce_max3A_487 [1, 2] : vector<1x1x512xf32> to vector<1xf32>
    %reduce_max3A_489 = vector.shape_cast %reduce_max3A_488 : vector<1xf32> to vector<1x1x1xf32>
    %reduce_max3A_490 = vector.extract %reduce_max3A_489[0, 0, 0] : f32 from vector<1x1x1xf32>
    %eq3A_491 = vector.broadcast %reduce_max3A_490 : f32 to vector<1x512xf32>
    %eq3A_492 = arith.cmpf oeq, %select_n3A_469, %eq3A_491 : vector<1x512xf32>
    %jit3A_493 = arith.constant 1073741824 : i32
    %broadcast_in_dim3A_494 = vector.broadcast %jit3A_493 : i32 to vector<1x512xi32>
    %select_n3A_495 = arith.select %eq3A_492, %add3A_384, %broadcast_in_dim3A_494 : vector<1x512xi1>, vector<1x512xi32>
    %reduce_min3A_496 = vector.shape_cast %select_n3A_495 : vector<1x512xi32> to vector<1x1x512xi32>
    %reduce_min3A_497 = arith.constant dense<2147483647> : vector<1xi32>
    %reduce_min3A_498 = vector.multi_reduction <minsi>, %reduce_min3A_496, %reduce_min3A_497 [1, 2] : vector<1x1x512xi32> to vector<1xi32>
    %reduce_min3A_499 = vector.shape_cast %reduce_min3A_498 : vector<1xi32> to vector<1x1x1xi32>
    %reduce_min3A_500 = vector.extract %reduce_min3A_499[0, 0, 0] : i32 from vector<1x1x1xi32>
    %eq3A_501 = arith.constant 0xFF800000 : f32
    %eq3A_502 = arith.cmpf oeq, %reduce_max3A_490, %eq3A_501 : f32
    %jit3A_503 = arith.constant 0 : i32
    %select_n3A_504 = arith.select %eq3A_502, %jit3A_503, %reduce_min3A_500 : i32
    %ge3A_505 = arith.constant 1.000000e-01 : f32
    %ge3A_506 = arith.cmpf oge, %reduce_max3A_490, %ge3A_505 : f32
    %eq3A_507 = vector.broadcast %reduce_max3A_490 : f32 to vector<1x512xf32>
    %eq3A_508 = arith.cmpf oeq, %select_n3A_469, %eq3A_507 : vector<1x512xf32>
    %eq3A_509 = vector.broadcast %select_n3A_504 : i32 to vector<1x512xi32>
    %eq3A_510 = arith.cmpi eq, %add3A_384, %eq3A_509 : vector<1x512xi32>
    %and3A_511 = arith.andi %eq3A_508, %eq3A_510 : vector<1x512xi1>
    %eq3A_512 = vector.broadcast %select_n3A_504 : i32 to vector<1x512xi32>
    %eq3A_513 = arith.cmpi eq, %add3A_384, %eq3A_512 : vector<1x512xi32>
    %jit3A_514 = arith.constant 0xFF800000 : f32
    %broadcast_in_dim3A_515 = vector.broadcast %jit3A_514 : f32 to vector<1x512xf32>
    %select_n3A_516 = arith.select %eq3A_513, %broadcast_in_dim3A_515, %select_n3A_469 : vector<1x512xi1>, vector<1x512xf32>
    %jit3A_517 = arith.constant 0.000000e+00 : f32
    %select_n3A_518 = arith.select %ge3A_506, %reduce_max3A_490, %jit3A_517 : f32
    %jit3A_519 = arith.constant 1.000000e+00 : f32
    %jit3A_520 = arith.constant 0.000000e+00 : f32
    %select_n3A_521 = arith.select %ge3A_506, %jit3A_519, %jit3A_520 : f32
    %and3A_522 = vector.broadcast %ge3A_506 : i1 to vector<1x512xi1>
    %and3A_523 = arith.andi %and3A_511, %and3A_522 : vector<1x512xi1>
    %transpose3A_524 = tpu.transpose %and3A_523, [1, 0] : vector<1x512xi1> -> vector<512x1xi1>
    %jit3A_525 = arith.constant 0.000000e+00 : f32
    %broadcast_in_dim3A_526 = vector.shape_cast %transpose3A_524 : vector<512x1xi1> to vector<512x1xi1>
    %broadcast_in_dim3A_527 = vector.broadcast %broadcast_in_dim3A_526 : vector<512x1xi1> to vector<512x64xi1>
    %broadcast_in_dim3A_528 = vector.broadcast %jit3A_525 : f32 to vector<512x64xf32>
    %select_n3A_529 = arith.select %broadcast_in_dim3A_527, %slice3A_385, %broadcast_in_dim3A_528 : vector<512x64xi1>, vector<512x64xf32>
    %reduce_sum3A_530 = arith.constant dense<0.000000e+00> : vector<64xf32>
    %reduce_sum3A_531 = vector.multi_reduction <add>, %select_n3A_529, %reduce_sum3A_530 [0] : vector<512x64xf32> to vector<64xf32>
    %broadcast_in_dim3A_532 = vector.shape_cast %reduce_sum3A_531 : vector<64xf32> to vector<1x64xf32>
    %reduce_max3A_533 = vector.shape_cast %select_n3A_516 : vector<1x512xf32> to vector<1x1x512xf32>
    %reduce_max3A_534 = arith.constant dense<0xFF800000> : vector<1xf32>
    %reduce_max3A_535 = vector.multi_reduction <maximumf>, %reduce_max3A_533, %reduce_max3A_534 [1, 2] : vector<1x1x512xf32> to vector<1xf32>
    %reduce_max3A_536 = vector.shape_cast %reduce_max3A_535 : vector<1xf32> to vector<1x1x1xf32>
    %reduce_max3A_537 = vector.extract %reduce_max3A_536[0, 0, 0] : f32 from vector<1x1x1xf32>
    %eq3A_538 = vector.broadcast %reduce_max3A_537 : f32 to vector<1x512xf32>
    %eq3A_539 = arith.cmpf oeq, %select_n3A_516, %eq3A_538 : vector<1x512xf32>
    %jit3A_540 = arith.constant 1073741824 : i32
    %broadcast_in_dim3A_541 = vector.broadcast %jit3A_540 : i32 to vector<1x512xi32>
    %select_n3A_542 = arith.select %eq3A_539, %add3A_384, %broadcast_in_dim3A_541 : vector<1x512xi1>, vector<1x512xi32>
    %reduce_min3A_543 = vector.shape_cast %select_n3A_542 : vector<1x512xi32> to vector<1x1x512xi32>
    %reduce_min3A_544 = arith.constant dense<2147483647> : vector<1xi32>
    %reduce_min3A_545 = vector.multi_reduction <minsi>, %reduce_min3A_543, %reduce_min3A_544 [1, 2] : vector<1x1x512xi32> to vector<1xi32>
    %reduce_min3A_546 = vector.shape_cast %reduce_min3A_545 : vector<1xi32> to vector<1x1x1xi32>
    %reduce_min3A_547 = vector.extract %reduce_min3A_546[0, 0, 0] : i32 from vector<1x1x1xi32>
    %eq3A_548 = arith.constant 0xFF800000 : f32
    %eq3A_549 = arith.cmpf oeq, %reduce_max3A_537, %eq3A_548 : f32
    %jit3A_550 = arith.constant 0 : i32
    %select_n3A_551 = arith.select %eq3A_549, %jit3A_550, %reduce_min3A_547 : i32
    %ge3A_552 = arith.constant 1.000000e-01 : f32
    %ge3A_553 = arith.cmpf oge, %reduce_max3A_537, %ge3A_552 : f32
    %eq3A_554 = vector.broadcast %reduce_max3A_537 : f32 to vector<1x512xf32>
    %eq3A_555 = arith.cmpf oeq, %select_n3A_516, %eq3A_554 : vector<1x512xf32>
    %eq3A_556 = vector.broadcast %select_n3A_551 : i32 to vector<1x512xi32>
    %eq3A_557 = arith.cmpi eq, %add3A_384, %eq3A_556 : vector<1x512xi32>
    %and3A_558 = arith.andi %eq3A_555, %eq3A_557 : vector<1x512xi1>
    %jit3A_559 = arith.constant 0.000000e+00 : f32
    %select_n3A_560 = arith.select %ge3A_553, %reduce_max3A_537, %jit3A_559 : f32
    %jit3A_561 = arith.constant 1.000000e+00 : f32
    %jit3A_562 = arith.constant 0.000000e+00 : f32
    %select_n3A_563 = arith.select %ge3A_553, %jit3A_561, %jit3A_562 : f32
    %and3A_564 = vector.broadcast %ge3A_553 : i1 to vector<1x512xi1>
    %and3A_565 = arith.andi %and3A_558, %and3A_564 : vector<1x512xi1>
    %transpose3A_566 = tpu.transpose %and3A_565, [1, 0] : vector<1x512xi1> -> vector<512x1xi1>
    %jit3A_567 = arith.constant 0.000000e+00 : f32
    %broadcast_in_dim3A_568 = vector.shape_cast %transpose3A_566 : vector<512x1xi1> to vector<512x1xi1>
    %broadcast_in_dim3A_569 = vector.broadcast %broadcast_in_dim3A_568 : vector<512x1xi1> to vector<512x64xi1>
    %broadcast_in_dim3A_570 = vector.broadcast %jit3A_567 : f32 to vector<512x64xf32>
    %select_n3A_571 = arith.select %broadcast_in_dim3A_569, %slice3A_385, %broadcast_in_dim3A_570 : vector<512x64xi1>, vector<512x64xf32>
    %reduce_sum3A_572 = arith.constant dense<0.000000e+00> : vector<64xf32>
    %reduce_sum3A_573 = vector.multi_reduction <add>, %select_n3A_571, %reduce_sum3A_572 [0] : vector<512x64xf32> to vector<64xf32>
    %broadcast_in_dim3A_574 = vector.shape_cast %reduce_sum3A_573 : vector<64xf32> to vector<1x64xf32>
    %stack3A_575 = vector.broadcast %select_n3A_410 : i32 to vector<1xi32>
    %stack3A_576 = vector.broadcast %select_n3A_457 : i32 to vector<1xi32>
    %stack3A_577 = vector.broadcast %select_n3A_504 : i32 to vector<1xi32>
    %stack3A_578 = vector.broadcast %select_n3A_551 : i32 to vector<1xi32>
    %stack3A_579 = tpu.concatenate %stack3A_575, %stack3A_576, %stack3A_577, %stack3A_578 in 0 : vector<1xi32>, vector<1xi32>, vector<1xi32>, vector<1xi32> -> vector<4xi32>
    %reshape3A_580 = vector.shape_cast %stack3A_579 : vector<4xi32> to vector<1x1x4xi32>
    %stack3A_581 = vector.broadcast %select_n3A_424 : f32 to vector<1xf32>
    %stack3A_582 = vector.broadcast %select_n3A_471 : f32 to vector<1xf32>
    %stack3A_583 = vector.broadcast %select_n3A_518 : f32 to vector<1xf32>
    %stack3A_584 = vector.broadcast %select_n3A_560 : f32 to vector<1xf32>
    %stack3A_585 = tpu.concatenate %stack3A_581, %stack3A_582, %stack3A_583, %stack3A_584 in 0 : vector<1xf32>, vector<1xf32>, vector<1xf32>, vector<1xf32> -> vector<4xf32>
    %reshape3A_586 = vector.shape_cast %stack3A_585 : vector<4xf32> to vector<1x1x4xf32>
    %stack3A_587 = vector.broadcast %select_n3A_427 : f32 to vector<1xf32>
    %stack3A_588 = vector.broadcast %select_n3A_474 : f32 to vector<1xf32>
    %stack3A_589 = vector.broadcast %select_n3A_521 : f32 to vector<1xf32>
    %stack3A_590 = vector.broadcast %select_n3A_563 : f32 to vector<1xf32>
    %stack3A_591 = tpu.concatenate %stack3A_587, %stack3A_588, %stack3A_589, %stack3A_590 in 0 : vector<1xf32>, vector<1xf32>, vector<1xf32>, vector<1xf32> -> vector<4xf32>
    %reshape3A_592 = vector.shape_cast %stack3A_591 : vector<4xf32> to vector<1x1x4xf32>
    %concatenate3A_593 = tpu.concatenate %broadcast_in_dim3A_438, %broadcast_in_dim3A_485, %broadcast_in_dim3A_532, %broadcast_in_dim3A_574 in 0 : vector<1x64xf32>, vector<1x64xf32>, vector<1x64xf32>, vector<1x64xf32> -> vector<4x64xf32>
    %reshape3A_594 = vector.shape_cast %concatenate3A_593 : vector<4x64xf32> to vector<1x4x64xf32>
    %mul3A_595 = arith.constant 4 : i32
    %mul3A_596 = arith.muli %arg0, %mul3A_595 : i32
    %add3A_597 = arith.constant 2 : i32
    %add3A_598 = arith.addi %mul3A_596, %add3A_597 : i32
    %get3A_599 = arith.index_cast %add3A_598 : i32 to index
    %get3A_600 = arith.constant 1024 : index
    %get3A_601 = vector.load %arg23[%get3A_599, %get3A_600] : memref<64x2048xf32, #tpu.memory_space<vmem>>, vector<1x512xf32>
    %eq3A_602 = arith.constant 0 : i32
    %eq3A_603 = vector.broadcast %eq3A_602 : i32 to vector<1x512xi32>
    %eq3A_604 = arith.cmpi eq, %shift_right_arithmetic3A_69, %eq3A_603 : vector<1x512xi32>
    %mul3A_605 = arith.constant 16 : i32
    %mul3A_606 = arith.muli %mul3A_605, %arg0 : i32
    %add3A_607 = arith.constant 8 : i32
    %add3A_608 = arith.addi %mul3A_606, %add3A_607 : i32
    %get3A_609 = arith.index_cast %add3A_608 : i32 to index
    %get3A_610 = memref.load %arg1[%get3A_609] : memref<256xi32, #tpu.memory_space<smem>>
    %eq3A_611 = arith.constant 1 : i32
    %eq3A_612 = vector.broadcast %eq3A_611 : i32 to vector<1x512xi32>
    %eq3A_613 = arith.cmpi eq, %shift_right_arithmetic3A_69, %eq3A_612 : vector<1x512xi32>
    %mul3A_614 = arith.constant 16 : i32
    %mul3A_615 = arith.muli %mul3A_614, %arg0 : i32
    %add3A_616 = arith.constant 8 : i32
    %add3A_617 = arith.addi %mul3A_615, %add3A_616 : i32
    %add3A_618 = arith.constant 1 : i32
    %add3A_619 = arith.addi %add3A_617, %add3A_618 : i32
    %get3A_620 = arith.index_cast %add3A_619 : i32 to index
    %get3A_621 = memref.load %arg1[%get3A_620] : memref<256xi32, #tpu.memory_space<smem>>
    %eq3A_622 = arith.constant 2 : i32
    %eq3A_623 = vector.broadcast %eq3A_622 : i32 to vector<1x512xi32>
    %eq3A_624 = arith.cmpi eq, %shift_right_arithmetic3A_69, %eq3A_623 : vector<1x512xi32>
    %mul3A_625 = arith.constant 16 : i32
    %mul3A_626 = arith.muli %mul3A_625, %arg0 : i32
    %add3A_627 = arith.constant 8 : i32
    %add3A_628 = arith.addi %mul3A_626, %add3A_627 : i32
    %add3A_629 = arith.constant 2 : i32
    %add3A_630 = arith.addi %add3A_628, %add3A_629 : i32
    %get3A_631 = arith.index_cast %add3A_630 : i32 to index
    %get3A_632 = memref.load %arg1[%get3A_631] : memref<256xi32, #tpu.memory_space<smem>>
    %mul3A_633 = arith.constant 16 : i32
    %mul3A_634 = arith.muli %mul3A_633, %arg0 : i32
    %add3A_635 = arith.constant 8 : i32
    %add3A_636 = arith.addi %mul3A_634, %add3A_635 : i32
    %add3A_637 = arith.constant 3 : i32
    %add3A_638 = arith.addi %add3A_636, %add3A_637 : i32
    %get3A_639 = arith.index_cast %add3A_638 : i32 to index
    %get3A_640 = memref.load %arg1[%get3A_639] : memref<256xi32, #tpu.memory_space<smem>>
    %broadcast_in_dim3A_641 = vector.broadcast %get3A_632 : i32 to vector<1x512xi32>
    %broadcast_in_dim3A_642 = vector.broadcast %get3A_640 : i32 to vector<1x512xi32>
    %select_n3A_643 = arith.select %eq3A_624, %broadcast_in_dim3A_641, %broadcast_in_dim3A_642 : vector<1x512xi1>, vector<1x512xi32>
    %broadcast_in_dim3A_644 = vector.broadcast %get3A_621 : i32 to vector<1x512xi32>
    %select_n3A_645 = arith.select %eq3A_613, %broadcast_in_dim3A_644, %select_n3A_643 : vector<1x512xi1>, vector<1x512xi32>
    %broadcast_in_dim3A_646 = vector.broadcast %get3A_610 : i32 to vector<1x512xi32>
    %select_n3A_647 = arith.select %eq3A_604, %broadcast_in_dim3A_646, %select_n3A_645 : vector<1x512xi1>, vector<1x512xi32>
    %mul3A_648 = arith.constant 128 : i32
    %mul3A_649 = vector.broadcast %mul3A_648 : i32 to vector<1x512xi32>
    %mul3A_650 = arith.muli %select_n3A_647, %mul3A_649 : vector<1x512xi32>
    %add3A_651 = arith.addi %mul3A_650, %and3A_71 : vector<1x512xi32>
    %slice3A_652 = vector.extract_strided_slice %concatenate3A {offsets = [1024, 0], sizes = [512, 64], strides = [1, 1]} : vector<2048x64xf32> to vector<512x64xf32>
    %ge3A_653 = arith.constant 1.000000e-01 : f32
    %ge3A_654 = vector.broadcast %ge3A_653 : f32 to vector<1x512xf32>
    %ge3A_655 = arith.cmpf oge, %get3A_601, %ge3A_654 : vector<1x512xf32>
    %jit3A_656 = arith.constant 0xFF800000 : f32
    %broadcast_in_dim3A_657 = vector.broadcast %jit3A_656 : f32 to vector<1x512xf32>
    %select_n3A_658 = arith.select %ge3A_655, %get3A_601, %broadcast_in_dim3A_657 : vector<1x512xi1>, vector<1x512xf32>
    %reduce_max3A_659 = vector.shape_cast %select_n3A_658 : vector<1x512xf32> to vector<1x1x512xf32>
    %reduce_max3A_660 = arith.constant dense<0xFF800000> : vector<1xf32>
    %reduce_max3A_661 = vector.multi_reduction <maximumf>, %reduce_max3A_659, %reduce_max3A_660 [1, 2] : vector<1x1x512xf32> to vector<1xf32>
    %reduce_max3A_662 = vector.shape_cast %reduce_max3A_661 : vector<1xf32> to vector<1x1x1xf32>
    %reduce_max3A_663 = vector.extract %reduce_max3A_662[0, 0, 0] : f32 from vector<1x1x1xf32>
    %eq3A_664 = vector.broadcast %reduce_max3A_663 : f32 to vector<1x512xf32>
    %eq3A_665 = arith.cmpf oeq, %select_n3A_658, %eq3A_664 : vector<1x512xf32>
    %jit3A_666 = arith.constant 1073741824 : i32
    %broadcast_in_dim3A_667 = vector.broadcast %jit3A_666 : i32 to vector<1x512xi32>
    %select_n3A_668 = arith.select %eq3A_665, %add3A_651, %broadcast_in_dim3A_667 : vector<1x512xi1>, vector<1x512xi32>
    %reduce_min3A_669 = vector.shape_cast %select_n3A_668 : vector<1x512xi32> to vector<1x1x512xi32>
    %reduce_min3A_670 = arith.constant dense<2147483647> : vector<1xi32>
    %reduce_min3A_671 = vector.multi_reduction <minsi>, %reduce_min3A_669, %reduce_min3A_670 [1, 2] : vector<1x1x512xi32> to vector<1xi32>
    %reduce_min3A_672 = vector.shape_cast %reduce_min3A_671 : vector<1xi32> to vector<1x1x1xi32>
    %reduce_min3A_673 = vector.extract %reduce_min3A_672[0, 0, 0] : i32 from vector<1x1x1xi32>
    %eq3A_674 = arith.constant 0xFF800000 : f32
    %eq3A_675 = arith.cmpf oeq, %reduce_max3A_663, %eq3A_674 : f32
    %jit3A_676 = arith.constant 0 : i32
    %select_n3A_677 = arith.select %eq3A_675, %jit3A_676, %reduce_min3A_673 : i32
    %ge3A_678 = arith.constant 1.000000e-01 : f32
    %ge3A_679 = arith.cmpf oge, %reduce_max3A_663, %ge3A_678 : f32
    %eq3A_680 = vector.broadcast %reduce_max3A_663 : f32 to vector<1x512xf32>
    %eq3A_681 = arith.cmpf oeq, %select_n3A_658, %eq3A_680 : vector<1x512xf32>
    %eq3A_682 = vector.broadcast %select_n3A_677 : i32 to vector<1x512xi32>
    %eq3A_683 = arith.cmpi eq, %add3A_651, %eq3A_682 : vector<1x512xi32>
    %and3A_684 = arith.andi %eq3A_681, %eq3A_683 : vector<1x512xi1>
    %eq3A_685 = vector.broadcast %select_n3A_677 : i32 to vector<1x512xi32>
    %eq3A_686 = arith.cmpi eq, %add3A_651, %eq3A_685 : vector<1x512xi32>
    %jit3A_687 = arith.constant 0xFF800000 : f32
    %broadcast_in_dim3A_688 = vector.broadcast %jit3A_687 : f32 to vector<1x512xf32>
    %select_n3A_689 = arith.select %eq3A_686, %broadcast_in_dim3A_688, %select_n3A_658 : vector<1x512xi1>, vector<1x512xf32>
    %jit3A_690 = arith.constant 0.000000e+00 : f32
    %select_n3A_691 = arith.select %ge3A_679, %reduce_max3A_663, %jit3A_690 : f32
    %jit3A_692 = arith.constant 1.000000e+00 : f32
    %jit3A_693 = arith.constant 0.000000e+00 : f32
    %select_n3A_694 = arith.select %ge3A_679, %jit3A_692, %jit3A_693 : f32
    %and3A_695 = vector.broadcast %ge3A_679 : i1 to vector<1x512xi1>
    %and3A_696 = arith.andi %and3A_684, %and3A_695 : vector<1x512xi1>
    %transpose3A_697 = tpu.transpose %and3A_696, [1, 0] : vector<1x512xi1> -> vector<512x1xi1>
    %jit3A_698 = arith.constant 0.000000e+00 : f32
    %broadcast_in_dim3A_699 = vector.shape_cast %transpose3A_697 : vector<512x1xi1> to vector<512x1xi1>
    %broadcast_in_dim3A_700 = vector.broadcast %broadcast_in_dim3A_699 : vector<512x1xi1> to vector<512x64xi1>
    %broadcast_in_dim3A_701 = vector.broadcast %jit3A_698 : f32 to vector<512x64xf32>
    %select_n3A_702 = arith.select %broadcast_in_dim3A_700, %slice3A_652, %broadcast_in_dim3A_701 : vector<512x64xi1>, vector<512x64xf32>
    %reduce_sum3A_703 = arith.constant dense<0.000000e+00> : vector<64xf32>
    %reduce_sum3A_704 = vector.multi_reduction <add>, %select_n3A_702, %reduce_sum3A_703 [0] : vector<512x64xf32> to vector<64xf32>
    %broadcast_in_dim3A_705 = vector.shape_cast %reduce_sum3A_704 : vector<64xf32> to vector<1x64xf32>
    %reduce_max3A_706 = vector.shape_cast %select_n3A_689 : vector<1x512xf32> to vector<1x1x512xf32>
    %reduce_max3A_707 = arith.constant dense<0xFF800000> : vector<1xf32>
    %reduce_max3A_708 = vector.multi_reduction <maximumf>, %reduce_max3A_706, %reduce_max3A_707 [1, 2] : vector<1x1x512xf32> to vector<1xf32>
    %reduce_max3A_709 = vector.shape_cast %reduce_max3A_708 : vector<1xf32> to vector<1x1x1xf32>
    %reduce_max3A_710 = vector.extract %reduce_max3A_709[0, 0, 0] : f32 from vector<1x1x1xf32>
    %eq3A_711 = vector.broadcast %reduce_max3A_710 : f32 to vector<1x512xf32>
    %eq3A_712 = arith.cmpf oeq, %select_n3A_689, %eq3A_711 : vector<1x512xf32>
    %jit3A_713 = arith.constant 1073741824 : i32
    %broadcast_in_dim3A_714 = vector.broadcast %jit3A_713 : i32 to vector<1x512xi32>
    %select_n3A_715 = arith.select %eq3A_712, %add3A_651, %broadcast_in_dim3A_714 : vector<1x512xi1>, vector<1x512xi32>
    %reduce_min3A_716 = vector.shape_cast %select_n3A_715 : vector<1x512xi32> to vector<1x1x512xi32>
    %reduce_min3A_717 = arith.constant dense<2147483647> : vector<1xi32>
    %reduce_min3A_718 = vector.multi_reduction <minsi>, %reduce_min3A_716, %reduce_min3A_717 [1, 2] : vector<1x1x512xi32> to vector<1xi32>
    %reduce_min3A_719 = vector.shape_cast %reduce_min3A_718 : vector<1xi32> to vector<1x1x1xi32>
    %reduce_min3A_720 = vector.extract %reduce_min3A_719[0, 0, 0] : i32 from vector<1x1x1xi32>
    %eq3A_721 = arith.constant 0xFF800000 : f32
    %eq3A_722 = arith.cmpf oeq, %reduce_max3A_710, %eq3A_721 : f32
    %jit3A_723 = arith.constant 0 : i32
    %select_n3A_724 = arith.select %eq3A_722, %jit3A_723, %reduce_min3A_720 : i32
    %ge3A_725 = arith.constant 1.000000e-01 : f32
    %ge3A_726 = arith.cmpf oge, %reduce_max3A_710, %ge3A_725 : f32
    %eq3A_727 = vector.broadcast %reduce_max3A_710 : f32 to vector<1x512xf32>
    %eq3A_728 = arith.cmpf oeq, %select_n3A_689, %eq3A_727 : vector<1x512xf32>
    %eq3A_729 = vector.broadcast %select_n3A_724 : i32 to vector<1x512xi32>
    %eq3A_730 = arith.cmpi eq, %add3A_651, %eq3A_729 : vector<1x512xi32>
    %and3A_731 = arith.andi %eq3A_728, %eq3A_730 : vector<1x512xi1>
    %eq3A_732 = vector.broadcast %select_n3A_724 : i32 to vector<1x512xi32>
    %eq3A_733 = arith.cmpi eq, %add3A_651, %eq3A_732 : vector<1x512xi32>
    %jit3A_734 = arith.constant 0xFF800000 : f32
    %broadcast_in_dim3A_735 = vector.broadcast %jit3A_734 : f32 to vector<1x512xf32>
    %select_n3A_736 = arith.select %eq3A_733, %broadcast_in_dim3A_735, %select_n3A_689 : vector<1x512xi1>, vector<1x512xf32>
    %jit3A_737 = arith.constant 0.000000e+00 : f32
    %select_n3A_738 = arith.select %ge3A_726, %reduce_max3A_710, %jit3A_737 : f32
    %jit3A_739 = arith.constant 1.000000e+00 : f32
    %jit3A_740 = arith.constant 0.000000e+00 : f32
    %select_n3A_741 = arith.select %ge3A_726, %jit3A_739, %jit3A_740 : f32
    %and3A_742 = vector.broadcast %ge3A_726 : i1 to vector<1x512xi1>
    %and3A_743 = arith.andi %and3A_731, %and3A_742 : vector<1x512xi1>
    %transpose3A_744 = tpu.transpose %and3A_743, [1, 0] : vector<1x512xi1> -> vector<512x1xi1>
    %jit3A_745 = arith.constant 0.000000e+00 : f32
    %broadcast_in_dim3A_746 = vector.shape_cast %transpose3A_744 : vector<512x1xi1> to vector<512x1xi1>
    %broadcast_in_dim3A_747 = vector.broadcast %broadcast_in_dim3A_746 : vector<512x1xi1> to vector<512x64xi1>
    %broadcast_in_dim3A_748 = vector.broadcast %jit3A_745 : f32 to vector<512x64xf32>
    %select_n3A_749 = arith.select %broadcast_in_dim3A_747, %slice3A_652, %broadcast_in_dim3A_748 : vector<512x64xi1>, vector<512x64xf32>
    %reduce_sum3A_750 = arith.constant dense<0.000000e+00> : vector<64xf32>
    %reduce_sum3A_751 = vector.multi_reduction <add>, %select_n3A_749, %reduce_sum3A_750 [0] : vector<512x64xf32> to vector<64xf32>
    %broadcast_in_dim3A_752 = vector.shape_cast %reduce_sum3A_751 : vector<64xf32> to vector<1x64xf32>
    %reduce_max3A_753 = vector.shape_cast %select_n3A_736 : vector<1x512xf32> to vector<1x1x512xf32>
    %reduce_max3A_754 = arith.constant dense<0xFF800000> : vector<1xf32>
    %reduce_max3A_755 = vector.multi_reduction <maximumf>, %reduce_max3A_753, %reduce_max3A_754 [1, 2] : vector<1x1x512xf32> to vector<1xf32>
    %reduce_max3A_756 = vector.shape_cast %reduce_max3A_755 : vector<1xf32> to vector<1x1x1xf32>
    %reduce_max3A_757 = vector.extract %reduce_max3A_756[0, 0, 0] : f32 from vector<1x1x1xf32>
    %eq3A_758 = vector.broadcast %reduce_max3A_757 : f32 to vector<1x512xf32>
    %eq3A_759 = arith.cmpf oeq, %select_n3A_736, %eq3A_758 : vector<1x512xf32>
    %jit3A_760 = arith.constant 1073741824 : i32
    %broadcast_in_dim3A_761 = vector.broadcast %jit3A_760 : i32 to vector<1x512xi32>
    %select_n3A_762 = arith.select %eq3A_759, %add3A_651, %broadcast_in_dim3A_761 : vector<1x512xi1>, vector<1x512xi32>
    %reduce_min3A_763 = vector.shape_cast %select_n3A_762 : vector<1x512xi32> to vector<1x1x512xi32>
    %reduce_min3A_764 = arith.constant dense<2147483647> : vector<1xi32>
    %reduce_min3A_765 = vector.multi_reduction <minsi>, %reduce_min3A_763, %reduce_min3A_764 [1, 2] : vector<1x1x512xi32> to vector<1xi32>
    %reduce_min3A_766 = vector.shape_cast %reduce_min3A_765 : vector<1xi32> to vector<1x1x1xi32>
    %reduce_min3A_767 = vector.extract %reduce_min3A_766[0, 0, 0] : i32 from vector<1x1x1xi32>
    %eq3A_768 = arith.constant 0xFF800000 : f32
    %eq3A_769 = arith.cmpf oeq, %reduce_max3A_757, %eq3A_768 : f32
    %jit3A_770 = arith.constant 0 : i32
    %select_n3A_771 = arith.select %eq3A_769, %jit3A_770, %reduce_min3A_767 : i32
    %ge3A_772 = arith.constant 1.000000e-01 : f32
    %ge3A_773 = arith.cmpf oge, %reduce_max3A_757, %ge3A_772 : f32
    %eq3A_774 = vector.broadcast %reduce_max3A_757 : f32 to vector<1x512xf32>
    %eq3A_775 = arith.cmpf oeq, %select_n3A_736, %eq3A_774 : vector<1x512xf32>
    %eq3A_776 = vector.broadcast %select_n3A_771 : i32 to vector<1x512xi32>
    %eq3A_777 = arith.cmpi eq, %add3A_651, %eq3A_776 : vector<1x512xi32>
    %and3A_778 = arith.andi %eq3A_775, %eq3A_777 : vector<1x512xi1>
    %eq3A_779 = vector.broadcast %select_n3A_771 : i32 to vector<1x512xi32>
    %eq3A_780 = arith.cmpi eq, %add3A_651, %eq3A_779 : vector<1x512xi32>
    %jit3A_781 = arith.constant 0xFF800000 : f32
    %broadcast_in_dim3A_782 = vector.broadcast %jit3A_781 : f32 to vector<1x512xf32>
    %select_n3A_783 = arith.select %eq3A_780, %broadcast_in_dim3A_782, %select_n3A_736 : vector<1x512xi1>, vector<1x512xf32>
    %jit3A_784 = arith.constant 0.000000e+00 : f32
    %select_n3A_785 = arith.select %ge3A_773, %reduce_max3A_757, %jit3A_784 : f32
    %jit3A_786 = arith.constant 1.000000e+00 : f32
    %jit3A_787 = arith.constant 0.000000e+00 : f32
    %select_n3A_788 = arith.select %ge3A_773, %jit3A_786, %jit3A_787 : f32
    %and3A_789 = vector.broadcast %ge3A_773 : i1 to vector<1x512xi1>
    %and3A_790 = arith.andi %and3A_778, %and3A_789 : vector<1x512xi1>
    %transpose3A_791 = tpu.transpose %and3A_790, [1, 0] : vector<1x512xi1> -> vector<512x1xi1>
    %jit3A_792 = arith.constant 0.000000e+00 : f32
    %broadcast_in_dim3A_793 = vector.shape_cast %transpose3A_791 : vector<512x1xi1> to vector<512x1xi1>
    %broadcast_in_dim3A_794 = vector.broadcast %broadcast_in_dim3A_793 : vector<512x1xi1> to vector<512x64xi1>
    %broadcast_in_dim3A_795 = vector.broadcast %jit3A_792 : f32 to vector<512x64xf32>
    %select_n3A_796 = arith.select %broadcast_in_dim3A_794, %slice3A_652, %broadcast_in_dim3A_795 : vector<512x64xi1>, vector<512x64xf32>
    %reduce_sum3A_797 = arith.constant dense<0.000000e+00> : vector<64xf32>
    %reduce_sum3A_798 = vector.multi_reduction <add>, %select_n3A_796, %reduce_sum3A_797 [0] : vector<512x64xf32> to vector<64xf32>
    %broadcast_in_dim3A_799 = vector.shape_cast %reduce_sum3A_798 : vector<64xf32> to vector<1x64xf32>
    %reduce_max3A_800 = vector.shape_cast %select_n3A_783 : vector<1x512xf32> to vector<1x1x512xf32>
    %reduce_max3A_801 = arith.constant dense<0xFF800000> : vector<1xf32>
    %reduce_max3A_802 = vector.multi_reduction <maximumf>, %reduce_max3A_800, %reduce_max3A_801 [1, 2] : vector<1x1x512xf32> to vector<1xf32>
    %reduce_max3A_803 = vector.shape_cast %reduce_max3A_802 : vector<1xf32> to vector<1x1x1xf32>
    %reduce_max3A_804 = vector.extract %reduce_max3A_803[0, 0, 0] : f32 from vector<1x1x1xf32>
    %eq3A_805 = vector.broadcast %reduce_max3A_804 : f32 to vector<1x512xf32>
    %eq3A_806 = arith.cmpf oeq, %select_n3A_783, %eq3A_805 : vector<1x512xf32>
    %jit3A_807 = arith.constant 1073741824 : i32
    %broadcast_in_dim3A_808 = vector.broadcast %jit3A_807 : i32 to vector<1x512xi32>
    %select_n3A_809 = arith.select %eq3A_806, %add3A_651, %broadcast_in_dim3A_808 : vector<1x512xi1>, vector<1x512xi32>
    %reduce_min3A_810 = vector.shape_cast %select_n3A_809 : vector<1x512xi32> to vector<1x1x512xi32>
    %reduce_min3A_811 = arith.constant dense<2147483647> : vector<1xi32>
    %reduce_min3A_812 = vector.multi_reduction <minsi>, %reduce_min3A_810, %reduce_min3A_811 [1, 2] : vector<1x1x512xi32> to vector<1xi32>
    %reduce_min3A_813 = vector.shape_cast %reduce_min3A_812 : vector<1xi32> to vector<1x1x1xi32>
    %reduce_min3A_814 = vector.extract %reduce_min3A_813[0, 0, 0] : i32 from vector<1x1x1xi32>
    %eq3A_815 = arith.constant 0xFF800000 : f32
    %eq3A_816 = arith.cmpf oeq, %reduce_max3A_804, %eq3A_815 : f32
    %jit3A_817 = arith.constant 0 : i32
    %select_n3A_818 = arith.select %eq3A_816, %jit3A_817, %reduce_min3A_814 : i32
    %ge3A_819 = arith.constant 1.000000e-01 : f32
    %ge3A_820 = arith.cmpf oge, %reduce_max3A_804, %ge3A_819 : f32
    %eq3A_821 = vector.broadcast %reduce_max3A_804 : f32 to vector<1x512xf32>
    %eq3A_822 = arith.cmpf oeq, %select_n3A_783, %eq3A_821 : vector<1x512xf32>
    %eq3A_823 = vector.broadcast %select_n3A_818 : i32 to vector<1x512xi32>
    %eq3A_824 = arith.cmpi eq, %add3A_651, %eq3A_823 : vector<1x512xi32>
    %and3A_825 = arith.andi %eq3A_822, %eq3A_824 : vector<1x512xi1>
    %jit3A_826 = arith.constant 0.000000e+00 : f32
    %select_n3A_827 = arith.select %ge3A_820, %reduce_max3A_804, %jit3A_826 : f32
    %jit3A_828 = arith.constant 1.000000e+00 : f32
    %jit3A_829 = arith.constant 0.000000e+00 : f32
    %select_n3A_830 = arith.select %ge3A_820, %jit3A_828, %jit3A_829 : f32
    %and3A_831 = vector.broadcast %ge3A_820 : i1 to vector<1x512xi1>
    %and3A_832 = arith.andi %and3A_825, %and3A_831 : vector<1x512xi1>
    %transpose3A_833 = tpu.transpose %and3A_832, [1, 0] : vector<1x512xi1> -> vector<512x1xi1>
    %jit3A_834 = arith.constant 0.000000e+00 : f32
    %broadcast_in_dim3A_835 = vector.shape_cast %transpose3A_833 : vector<512x1xi1> to vector<512x1xi1>
    %broadcast_in_dim3A_836 = vector.broadcast %broadcast_in_dim3A_835 : vector<512x1xi1> to vector<512x64xi1>
    %broadcast_in_dim3A_837 = vector.broadcast %jit3A_834 : f32 to vector<512x64xf32>
    %select_n3A_838 = arith.select %broadcast_in_dim3A_836, %slice3A_652, %broadcast_in_dim3A_837 : vector<512x64xi1>, vector<512x64xf32>
    %reduce_sum3A_839 = arith.constant dense<0.000000e+00> : vector<64xf32>
    %reduce_sum3A_840 = vector.multi_reduction <add>, %select_n3A_838, %reduce_sum3A_839 [0] : vector<512x64xf32> to vector<64xf32>
    %broadcast_in_dim3A_841 = vector.shape_cast %reduce_sum3A_840 : vector<64xf32> to vector<1x64xf32>
    %stack3A_842 = vector.broadcast %select_n3A_677 : i32 to vector<1xi32>
    %stack3A_843 = vector.broadcast %select_n3A_724 : i32 to vector<1xi32>
    %stack3A_844 = vector.broadcast %select_n3A_771 : i32 to vector<1xi32>
    %stack3A_845 = vector.broadcast %select_n3A_818 : i32 to vector<1xi32>
    %stack3A_846 = tpu.concatenate %stack3A_842, %stack3A_843, %stack3A_844, %stack3A_845 in 0 : vector<1xi32>, vector<1xi32>, vector<1xi32>, vector<1xi32> -> vector<4xi32>
    %reshape3A_847 = vector.shape_cast %stack3A_846 : vector<4xi32> to vector<1x1x4xi32>
    %stack3A_848 = vector.broadcast %select_n3A_691 : f32 to vector<1xf32>
    %stack3A_849 = vector.broadcast %select_n3A_738 : f32 to vector<1xf32>
    %stack3A_850 = vector.broadcast %select_n3A_785 : f32 to vector<1xf32>
    %stack3A_851 = vector.broadcast %select_n3A_827 : f32 to vector<1xf32>
    %stack3A_852 = tpu.concatenate %stack3A_848, %stack3A_849, %stack3A_850, %stack3A_851 in 0 : vector<1xf32>, vector<1xf32>, vector<1xf32>, vector<1xf32> -> vector<4xf32>
    %reshape3A_853 = vector.shape_cast %stack3A_852 : vector<4xf32> to vector<1x1x4xf32>
    %stack3A_854 = vector.broadcast %select_n3A_694 : f32 to vector<1xf32>
    %stack3A_855 = vector.broadcast %select_n3A_741 : f32 to vector<1xf32>
    %stack3A_856 = vector.broadcast %select_n3A_788 : f32 to vector<1xf32>
    %stack3A_857 = vector.broadcast %select_n3A_830 : f32 to vector<1xf32>
    %stack3A_858 = tpu.concatenate %stack3A_854, %stack3A_855, %stack3A_856, %stack3A_857 in 0 : vector<1xf32>, vector<1xf32>, vector<1xf32>, vector<1xf32> -> vector<4xf32>
    %reshape3A_859 = vector.shape_cast %stack3A_858 : vector<4xf32> to vector<1x1x4xf32>
    %concatenate3A_860 = tpu.concatenate %broadcast_in_dim3A_705, %broadcast_in_dim3A_752, %broadcast_in_dim3A_799, %broadcast_in_dim3A_841 in 0 : vector<1x64xf32>, vector<1x64xf32>, vector<1x64xf32>, vector<1x64xf32> -> vector<4x64xf32>
    %reshape3A_861 = vector.shape_cast %concatenate3A_860 : vector<4x64xf32> to vector<1x4x64xf32>
    %mul3A_862 = arith.constant 4 : i32
    %mul3A_863 = arith.muli %arg0, %mul3A_862 : i32
    %add3A_864 = arith.constant 3 : i32
    %add3A_865 = arith.addi %mul3A_863, %add3A_864 : i32
    %get3A_866 = arith.index_cast %add3A_865 : i32 to index
    %get3A_867 = arith.constant 1536 : index
    %get3A_868 = vector.load %arg23[%get3A_866, %get3A_867] : memref<64x2048xf32, #tpu.memory_space<vmem>>, vector<1x512xf32>
    %eq3A_869 = arith.constant 0 : i32
    %eq3A_870 = vector.broadcast %eq3A_869 : i32 to vector<1x512xi32>
    %eq3A_871 = arith.cmpi eq, %shift_right_arithmetic3A_69, %eq3A_870 : vector<1x512xi32>
    %mul3A_872 = arith.constant 16 : i32
    %mul3A_873 = arith.muli %mul3A_872, %arg0 : i32
    %add3A_874 = arith.constant 12 : i32
    %add3A_875 = arith.addi %mul3A_873, %add3A_874 : i32
    %get3A_876 = arith.index_cast %add3A_875 : i32 to index
    %get3A_877 = memref.load %arg1[%get3A_876] : memref<256xi32, #tpu.memory_space<smem>>
    %eq3A_878 = arith.constant 1 : i32
    %eq3A_879 = vector.broadcast %eq3A_878 : i32 to vector<1x512xi32>
    %eq3A_880 = arith.cmpi eq, %shift_right_arithmetic3A_69, %eq3A_879 : vector<1x512xi32>
    %mul3A_881 = arith.constant 16 : i32
    %mul3A_882 = arith.muli %mul3A_881, %arg0 : i32
    %add3A_883 = arith.constant 12 : i32
    %add3A_884 = arith.addi %mul3A_882, %add3A_883 : i32
    %add3A_885 = arith.constant 1 : i32
    %add3A_886 = arith.addi %add3A_884, %add3A_885 : i32
    %get3A_887 = arith.index_cast %add3A_886 : i32 to index
    %get3A_888 = memref.load %arg1[%get3A_887] : memref<256xi32, #tpu.memory_space<smem>>
    %eq3A_889 = arith.constant 2 : i32
    %eq3A_890 = vector.broadcast %eq3A_889 : i32 to vector<1x512xi32>
    %eq3A_891 = arith.cmpi eq, %shift_right_arithmetic3A_69, %eq3A_890 : vector<1x512xi32>
    %mul3A_892 = arith.constant 16 : i32
    %mul3A_893 = arith.muli %mul3A_892, %arg0 : i32
    %add3A_894 = arith.constant 12 : i32
    %add3A_895 = arith.addi %mul3A_893, %add3A_894 : i32
    %add3A_896 = arith.constant 2 : i32
    %add3A_897 = arith.addi %add3A_895, %add3A_896 : i32
    %get3A_898 = arith.index_cast %add3A_897 : i32 to index
    %get3A_899 = memref.load %arg1[%get3A_898] : memref<256xi32, #tpu.memory_space<smem>>
    %mul3A_900 = arith.constant 16 : i32
    %mul3A_901 = arith.muli %mul3A_900, %arg0 : i32
    %add3A_902 = arith.constant 12 : i32
    %add3A_903 = arith.addi %mul3A_901, %add3A_902 : i32
    %add3A_904 = arith.constant 3 : i32
    %add3A_905 = arith.addi %add3A_903, %add3A_904 : i32
    %get3A_906 = arith.index_cast %add3A_905 : i32 to index
    %get3A_907 = memref.load %arg1[%get3A_906] : memref<256xi32, #tpu.memory_space<smem>>
    %broadcast_in_dim3A_908 = vector.broadcast %get3A_899 : i32 to vector<1x512xi32>
    %broadcast_in_dim3A_909 = vector.broadcast %get3A_907 : i32 to vector<1x512xi32>
    %select_n3A_910 = arith.select %eq3A_891, %broadcast_in_dim3A_908, %broadcast_in_dim3A_909 : vector<1x512xi1>, vector<1x512xi32>
    %broadcast_in_dim3A_911 = vector.broadcast %get3A_888 : i32 to vector<1x512xi32>
    %select_n3A_912 = arith.select %eq3A_880, %broadcast_in_dim3A_911, %select_n3A_910 : vector<1x512xi1>, vector<1x512xi32>
    %broadcast_in_dim3A_913 = vector.broadcast %get3A_877 : i32 to vector<1x512xi32>
    %select_n3A_914 = arith.select %eq3A_871, %broadcast_in_dim3A_913, %select_n3A_912 : vector<1x512xi1>, vector<1x512xi32>
    %mul3A_915 = arith.constant 128 : i32
    %mul3A_916 = vector.broadcast %mul3A_915 : i32 to vector<1x512xi32>
    %mul3A_917 = arith.muli %select_n3A_914, %mul3A_916 : vector<1x512xi32>
    %add3A_918 = arith.addi %mul3A_917, %and3A_71 : vector<1x512xi32>
    %slice3A_919 = vector.extract_strided_slice %concatenate3A {offsets = [1536, 0], sizes = [512, 64], strides = [1, 1]} : vector<2048x64xf32> to vector<512x64xf32>
    %ge3A_920 = arith.constant 1.000000e-01 : f32
    %ge3A_921 = vector.broadcast %ge3A_920 : f32 to vector<1x512xf32>
    %ge3A_922 = arith.cmpf oge, %get3A_868, %ge3A_921 : vector<1x512xf32>
    %jit3A_923 = arith.constant 0xFF800000 : f32
    %broadcast_in_dim3A_924 = vector.broadcast %jit3A_923 : f32 to vector<1x512xf32>
    %select_n3A_925 = arith.select %ge3A_922, %get3A_868, %broadcast_in_dim3A_924 : vector<1x512xi1>, vector<1x512xf32>
    %reduce_max3A_926 = vector.shape_cast %select_n3A_925 : vector<1x512xf32> to vector<1x1x512xf32>
    %reduce_max3A_927 = arith.constant dense<0xFF800000> : vector<1xf32>
    %reduce_max3A_928 = vector.multi_reduction <maximumf>, %reduce_max3A_926, %reduce_max3A_927 [1, 2] : vector<1x1x512xf32> to vector<1xf32>
    %reduce_max3A_929 = vector.shape_cast %reduce_max3A_928 : vector<1xf32> to vector<1x1x1xf32>
    %reduce_max3A_930 = vector.extract %reduce_max3A_929[0, 0, 0] : f32 from vector<1x1x1xf32>
    %eq3A_931 = vector.broadcast %reduce_max3A_930 : f32 to vector<1x512xf32>
    %eq3A_932 = arith.cmpf oeq, %select_n3A_925, %eq3A_931 : vector<1x512xf32>
    %jit3A_933 = arith.constant 1073741824 : i32
    %broadcast_in_dim3A_934 = vector.broadcast %jit3A_933 : i32 to vector<1x512xi32>
    %select_n3A_935 = arith.select %eq3A_932, %add3A_918, %broadcast_in_dim3A_934 : vector<1x512xi1>, vector<1x512xi32>
    %reduce_min3A_936 = vector.shape_cast %select_n3A_935 : vector<1x512xi32> to vector<1x1x512xi32>
    %reduce_min3A_937 = arith.constant dense<2147483647> : vector<1xi32>
    %reduce_min3A_938 = vector.multi_reduction <minsi>, %reduce_min3A_936, %reduce_min3A_937 [1, 2] : vector<1x1x512xi32> to vector<1xi32>
    %reduce_min3A_939 = vector.shape_cast %reduce_min3A_938 : vector<1xi32> to vector<1x1x1xi32>
    %reduce_min3A_940 = vector.extract %reduce_min3A_939[0, 0, 0] : i32 from vector<1x1x1xi32>
    %eq3A_941 = arith.constant 0xFF800000 : f32
    %eq3A_942 = arith.cmpf oeq, %reduce_max3A_930, %eq3A_941 : f32
    %jit3A_943 = arith.constant 0 : i32
    %select_n3A_944 = arith.select %eq3A_942, %jit3A_943, %reduce_min3A_940 : i32
    %ge3A_945 = arith.constant 1.000000e-01 : f32
    %ge3A_946 = arith.cmpf oge, %reduce_max3A_930, %ge3A_945 : f32
    %eq3A_947 = vector.broadcast %reduce_max3A_930 : f32 to vector<1x512xf32>
    %eq3A_948 = arith.cmpf oeq, %select_n3A_925, %eq3A_947 : vector<1x512xf32>
    %eq3A_949 = vector.broadcast %select_n3A_944 : i32 to vector<1x512xi32>
    %eq3A_950 = arith.cmpi eq, %add3A_918, %eq3A_949 : vector<1x512xi32>
    %and3A_951 = arith.andi %eq3A_948, %eq3A_950 : vector<1x512xi1>
    %eq3A_952 = vector.broadcast %select_n3A_944 : i32 to vector<1x512xi32>
    %eq3A_953 = arith.cmpi eq, %add3A_918, %eq3A_952 : vector<1x512xi32>
    %jit3A_954 = arith.constant 0xFF800000 : f32
    %broadcast_in_dim3A_955 = vector.broadcast %jit3A_954 : f32 to vector<1x512xf32>
    %select_n3A_956 = arith.select %eq3A_953, %broadcast_in_dim3A_955, %select_n3A_925 : vector<1x512xi1>, vector<1x512xf32>
    %jit3A_957 = arith.constant 0.000000e+00 : f32
    %select_n3A_958 = arith.select %ge3A_946, %reduce_max3A_930, %jit3A_957 : f32
    %jit3A_959 = arith.constant 1.000000e+00 : f32
    %jit3A_960 = arith.constant 0.000000e+00 : f32
    %select_n3A_961 = arith.select %ge3A_946, %jit3A_959, %jit3A_960 : f32
    %and3A_962 = vector.broadcast %ge3A_946 : i1 to vector<1x512xi1>
    %and3A_963 = arith.andi %and3A_951, %and3A_962 : vector<1x512xi1>
    %transpose3A_964 = tpu.transpose %and3A_963, [1, 0] : vector<1x512xi1> -> vector<512x1xi1>
    %jit3A_965 = arith.constant 0.000000e+00 : f32
    %broadcast_in_dim3A_966 = vector.shape_cast %transpose3A_964 : vector<512x1xi1> to vector<512x1xi1>
    %broadcast_in_dim3A_967 = vector.broadcast %broadcast_in_dim3A_966 : vector<512x1xi1> to vector<512x64xi1>
    %broadcast_in_dim3A_968 = vector.broadcast %jit3A_965 : f32 to vector<512x64xf32>
    %select_n3A_969 = arith.select %broadcast_in_dim3A_967, %slice3A_919, %broadcast_in_dim3A_968 : vector<512x64xi1>, vector<512x64xf32>
    %reduce_sum3A_970 = arith.constant dense<0.000000e+00> : vector<64xf32>
    %reduce_sum3A_971 = vector.multi_reduction <add>, %select_n3A_969, %reduce_sum3A_970 [0] : vector<512x64xf32> to vector<64xf32>
    %broadcast_in_dim3A_972 = vector.shape_cast %reduce_sum3A_971 : vector<64xf32> to vector<1x64xf32>
    %reduce_max3A_973 = vector.shape_cast %select_n3A_956 : vector<1x512xf32> to vector<1x1x512xf32>
    %reduce_max3A_974 = arith.constant dense<0xFF800000> : vector<1xf32>
    %reduce_max3A_975 = vector.multi_reduction <maximumf>, %reduce_max3A_973, %reduce_max3A_974 [1, 2] : vector<1x1x512xf32> to vector<1xf32>
    %reduce_max3A_976 = vector.shape_cast %reduce_max3A_975 : vector<1xf32> to vector<1x1x1xf32>
    %reduce_max3A_977 = vector.extract %reduce_max3A_976[0, 0, 0] : f32 from vector<1x1x1xf32>
    %eq3A_978 = vector.broadcast %reduce_max3A_977 : f32 to vector<1x512xf32>
    %eq3A_979 = arith.cmpf oeq, %select_n3A_956, %eq3A_978 : vector<1x512xf32>
    %jit3A_980 = arith.constant 1073741824 : i32
    %broadcast_in_dim3A_981 = vector.broadcast %jit3A_980 : i32 to vector<1x512xi32>
    %select_n3A_982 = arith.select %eq3A_979, %add3A_918, %broadcast_in_dim3A_981 : vector<1x512xi1>, vector<1x512xi32>
    %reduce_min3A_983 = vector.shape_cast %select_n3A_982 : vector<1x512xi32> to vector<1x1x512xi32>
    %reduce_min3A_984 = arith.constant dense<2147483647> : vector<1xi32>
    %reduce_min3A_985 = vector.multi_reduction <minsi>, %reduce_min3A_983, %reduce_min3A_984 [1, 2] : vector<1x1x512xi32> to vector<1xi32>
    %reduce_min3A_986 = vector.shape_cast %reduce_min3A_985 : vector<1xi32> to vector<1x1x1xi32>
    %reduce_min3A_987 = vector.extract %reduce_min3A_986[0, 0, 0] : i32 from vector<1x1x1xi32>
    %eq3A_988 = arith.constant 0xFF800000 : f32
    %eq3A_989 = arith.cmpf oeq, %reduce_max3A_977, %eq3A_988 : f32
    %jit3A_990 = arith.constant 0 : i32
    %select_n3A_991 = arith.select %eq3A_989, %jit3A_990, %reduce_min3A_987 : i32
    %ge3A_992 = arith.constant 1.000000e-01 : f32
    %ge3A_993 = arith.cmpf oge, %reduce_max3A_977, %ge3A_992 : f32
    %eq3A_994 = vector.broadcast %reduce_max3A_977 : f32 to vector<1x512xf32>
    %eq3A_995 = arith.cmpf oeq, %select_n3A_956, %eq3A_994 : vector<1x512xf32>
    %eq3A_996 = vector.broadcast %select_n3A_991 : i32 to vector<1x512xi32>
    %eq3A_997 = arith.cmpi eq, %add3A_918, %eq3A_996 : vector<1x512xi32>
    %and3A_998 = arith.andi %eq3A_995, %eq3A_997 : vector<1x512xi1>
    %eq3A_999 = vector.broadcast %select_n3A_991 : i32 to vector<1x512xi32>
    %eq3A_1000 = arith.cmpi eq, %add3A_918, %eq3A_999 : vector<1x512xi32>
    %jit3A_1001 = arith.constant 0xFF800000 : f32
    %broadcast_in_dim3A_1002 = vector.broadcast %jit3A_1001 : f32 to vector<1x512xf32>
    %select_n3A_1003 = arith.select %eq3A_1000, %broadcast_in_dim3A_1002, %select_n3A_956 : vector<1x512xi1>, vector<1x512xf32>
    %jit3A_1004 = arith.constant 0.000000e+00 : f32
    %select_n3A_1005 = arith.select %ge3A_993, %reduce_max3A_977, %jit3A_1004 : f32
    %jit3A_1006 = arith.constant 1.000000e+00 : f32
    %jit3A_1007 = arith.constant 0.000000e+00 : f32
    %select_n3A_1008 = arith.select %ge3A_993, %jit3A_1006, %jit3A_1007 : f32
    %and3A_1009 = vector.broadcast %ge3A_993 : i1 to vector<1x512xi1>
    %and3A_1010 = arith.andi %and3A_998, %and3A_1009 : vector<1x512xi1>
    %transpose3A_1011 = tpu.transpose %and3A_1010, [1, 0] : vector<1x512xi1> -> vector<512x1xi1>
    %jit3A_1012 = arith.constant 0.000000e+00 : f32
    %broadcast_in_dim3A_1013 = vector.shape_cast %transpose3A_1011 : vector<512x1xi1> to vector<512x1xi1>
    %broadcast_in_dim3A_1014 = vector.broadcast %broadcast_in_dim3A_1013 : vector<512x1xi1> to vector<512x64xi1>
    %broadcast_in_dim3A_1015 = vector.broadcast %jit3A_1012 : f32 to vector<512x64xf32>
    %select_n3A_1016 = arith.select %broadcast_in_dim3A_1014, %slice3A_919, %broadcast_in_dim3A_1015 : vector<512x64xi1>, vector<512x64xf32>
    %reduce_sum3A_1017 = arith.constant dense<0.000000e+00> : vector<64xf32>
    %reduce_sum3A_1018 = vector.multi_reduction <add>, %select_n3A_1016, %reduce_sum3A_1017 [0] : vector<512x64xf32> to vector<64xf32>
    %broadcast_in_dim3A_1019 = vector.shape_cast %reduce_sum3A_1018 : vector<64xf32> to vector<1x64xf32>
    %reduce_max3A_1020 = vector.shape_cast %select_n3A_1003 : vector<1x512xf32> to vector<1x1x512xf32>
    %reduce_max3A_1021 = arith.constant dense<0xFF800000> : vector<1xf32>
    %reduce_max3A_1022 = vector.multi_reduction <maximumf>, %reduce_max3A_1020, %reduce_max3A_1021 [1, 2] : vector<1x1x512xf32> to vector<1xf32>
    %reduce_max3A_1023 = vector.shape_cast %reduce_max3A_1022 : vector<1xf32> to vector<1x1x1xf32>
    %reduce_max3A_1024 = vector.extract %reduce_max3A_1023[0, 0, 0] : f32 from vector<1x1x1xf32>
    %eq3A_1025 = vector.broadcast %reduce_max3A_1024 : f32 to vector<1x512xf32>
    %eq3A_1026 = arith.cmpf oeq, %select_n3A_1003, %eq3A_1025 : vector<1x512xf32>
    %jit3A_1027 = arith.constant 1073741824 : i32
    %broadcast_in_dim3A_1028 = vector.broadcast %jit3A_1027 : i32 to vector<1x512xi32>
    %select_n3A_1029 = arith.select %eq3A_1026, %add3A_918, %broadcast_in_dim3A_1028 : vector<1x512xi1>, vector<1x512xi32>
    %reduce_min3A_1030 = vector.shape_cast %select_n3A_1029 : vector<1x512xi32> to vector<1x1x512xi32>
    %reduce_min3A_1031 = arith.constant dense<2147483647> : vector<1xi32>
    %reduce_min3A_1032 = vector.multi_reduction <minsi>, %reduce_min3A_1030, %reduce_min3A_1031 [1, 2] : vector<1x1x512xi32> to vector<1xi32>
    %reduce_min3A_1033 = vector.shape_cast %reduce_min3A_1032 : vector<1xi32> to vector<1x1x1xi32>
    %reduce_min3A_1034 = vector.extract %reduce_min3A_1033[0, 0, 0] : i32 from vector<1x1x1xi32>
    %eq3A_1035 = arith.constant 0xFF800000 : f32
    %eq3A_1036 = arith.cmpf oeq, %reduce_max3A_1024, %eq3A_1035 : f32
    %jit3A_1037 = arith.constant 0 : i32
    %select_n3A_1038 = arith.select %eq3A_1036, %jit3A_1037, %reduce_min3A_1034 : i32
    %ge3A_1039 = arith.constant 1.000000e-01 : f32
    %ge3A_1040 = arith.cmpf oge, %reduce_max3A_1024, %ge3A_1039 : f32
    %eq3A_1041 = vector.broadcast %reduce_max3A_1024 : f32 to vector<1x512xf32>
    %eq3A_1042 = arith.cmpf oeq, %select_n3A_1003, %eq3A_1041 : vector<1x512xf32>
    %eq3A_1043 = vector.broadcast %select_n3A_1038 : i32 to vector<1x512xi32>
    %eq3A_1044 = arith.cmpi eq, %add3A_918, %eq3A_1043 : vector<1x512xi32>
    %and3A_1045 = arith.andi %eq3A_1042, %eq3A_1044 : vector<1x512xi1>
    %eq3A_1046 = vector.broadcast %select_n3A_1038 : i32 to vector<1x512xi32>
    %eq3A_1047 = arith.cmpi eq, %add3A_918, %eq3A_1046 : vector<1x512xi32>
    %jit3A_1048 = arith.constant 0xFF800000 : f32
    %broadcast_in_dim3A_1049 = vector.broadcast %jit3A_1048 : f32 to vector<1x512xf32>
    %select_n3A_1050 = arith.select %eq3A_1047, %broadcast_in_dim3A_1049, %select_n3A_1003 : vector<1x512xi1>, vector<1x512xf32>
    %jit3A_1051 = arith.constant 0.000000e+00 : f32
    %select_n3A_1052 = arith.select %ge3A_1040, %reduce_max3A_1024, %jit3A_1051 : f32
    %jit3A_1053 = arith.constant 1.000000e+00 : f32
    %jit3A_1054 = arith.constant 0.000000e+00 : f32
    %select_n3A_1055 = arith.select %ge3A_1040, %jit3A_1053, %jit3A_1054 : f32
    %and3A_1056 = vector.broadcast %ge3A_1040 : i1 to vector<1x512xi1>
    %and3A_1057 = arith.andi %and3A_1045, %and3A_1056 : vector<1x512xi1>
    %transpose3A_1058 = tpu.transpose %and3A_1057, [1, 0] : vector<1x512xi1> -> vector<512x1xi1>
    %jit3A_1059 = arith.constant 0.000000e+00 : f32
    %broadcast_in_dim3A_1060 = vector.shape_cast %transpose3A_1058 : vector<512x1xi1> to vector<512x1xi1>
    %broadcast_in_dim3A_1061 = vector.broadcast %broadcast_in_dim3A_1060 : vector<512x1xi1> to vector<512x64xi1>
    %broadcast_in_dim3A_1062 = vector.broadcast %jit3A_1059 : f32 to vector<512x64xf32>
    %select_n3A_1063 = arith.select %broadcast_in_dim3A_1061, %slice3A_919, %broadcast_in_dim3A_1062 : vector<512x64xi1>, vector<512x64xf32>
    %reduce_sum3A_1064 = arith.constant dense<0.000000e+00> : vector<64xf32>
    %reduce_sum3A_1065 = vector.multi_reduction <add>, %select_n3A_1063, %reduce_sum3A_1064 [0] : vector<512x64xf32> to vector<64xf32>
    %broadcast_in_dim3A_1066 = vector.shape_cast %reduce_sum3A_1065 : vector<64xf32> to vector<1x64xf32>
    %reduce_max3A_1067 = vector.shape_cast %select_n3A_1050 : vector<1x512xf32> to vector<1x1x512xf32>
    %reduce_max3A_1068 = arith.constant dense<0xFF800000> : vector<1xf32>
    %reduce_max3A_1069 = vector.multi_reduction <maximumf>, %reduce_max3A_1067, %reduce_max3A_1068 [1, 2] : vector<1x1x512xf32> to vector<1xf32>
    %reduce_max3A_1070 = vector.shape_cast %reduce_max3A_1069 : vector<1xf32> to vector<1x1x1xf32>
    %reduce_max3A_1071 = vector.extract %reduce_max3A_1070[0, 0, 0] : f32 from vector<1x1x1xf32>
    %eq3A_1072 = vector.broadcast %reduce_max3A_1071 : f32 to vector<1x512xf32>
    %eq3A_1073 = arith.cmpf oeq, %select_n3A_1050, %eq3A_1072 : vector<1x512xf32>
    %jit3A_1074 = arith.constant 1073741824 : i32
    %broadcast_in_dim3A_1075 = vector.broadcast %jit3A_1074 : i32 to vector<1x512xi32>
    %select_n3A_1076 = arith.select %eq3A_1073, %add3A_918, %broadcast_in_dim3A_1075 : vector<1x512xi1>, vector<1x512xi32>
    %reduce_min3A_1077 = vector.shape_cast %select_n3A_1076 : vector<1x512xi32> to vector<1x1x512xi32>
    %reduce_min3A_1078 = arith.constant dense<2147483647> : vector<1xi32>
    %reduce_min3A_1079 = vector.multi_reduction <minsi>, %reduce_min3A_1077, %reduce_min3A_1078 [1, 2] : vector<1x1x512xi32> to vector<1xi32>
    %reduce_min3A_1080 = vector.shape_cast %reduce_min3A_1079 : vector<1xi32> to vector<1x1x1xi32>
    %reduce_min3A_1081 = vector.extract %reduce_min3A_1080[0, 0, 0] : i32 from vector<1x1x1xi32>
    %eq3A_1082 = arith.constant 0xFF800000 : f32
    %eq3A_1083 = arith.cmpf oeq, %reduce_max3A_1071, %eq3A_1082 : f32
    %jit3A_1084 = arith.constant 0 : i32
    %select_n3A_1085 = arith.select %eq3A_1083, %jit3A_1084, %reduce_min3A_1081 : i32
    %ge3A_1086 = arith.constant 1.000000e-01 : f32
    %ge3A_1087 = arith.cmpf oge, %reduce_max3A_1071, %ge3A_1086 : f32
    %eq3A_1088 = vector.broadcast %reduce_max3A_1071 : f32 to vector<1x512xf32>
    %eq3A_1089 = arith.cmpf oeq, %select_n3A_1050, %eq3A_1088 : vector<1x512xf32>
    %eq3A_1090 = vector.broadcast %select_n3A_1085 : i32 to vector<1x512xi32>
    %eq3A_1091 = arith.cmpi eq, %add3A_918, %eq3A_1090 : vector<1x512xi32>
    %and3A_1092 = arith.andi %eq3A_1089, %eq3A_1091 : vector<1x512xi1>
    %jit3A_1093 = arith.constant 0.000000e+00 : f32
    %select_n3A_1094 = arith.select %ge3A_1087, %reduce_max3A_1071, %jit3A_1093 : f32
    %jit3A_1095 = arith.constant 1.000000e+00 : f32
    %jit3A_1096 = arith.constant 0.000000e+00 : f32
    %select_n3A_1097 = arith.select %ge3A_1087, %jit3A_1095, %jit3A_1096 : f32
    %and3A_1098 = vector.broadcast %ge3A_1087 : i1 to vector<1x512xi1>
    %and3A_1099 = arith.andi %and3A_1092, %and3A_1098 : vector<1x512xi1>
    %transpose3A_1100 = tpu.transpose %and3A_1099, [1, 0] : vector<1x512xi1> -> vector<512x1xi1>
    %jit3A_1101 = arith.constant 0.000000e+00 : f32
    %broadcast_in_dim3A_1102 = vector.shape_cast %transpose3A_1100 : vector<512x1xi1> to vector<512x1xi1>
    %broadcast_in_dim3A_1103 = vector.broadcast %broadcast_in_dim3A_1102 : vector<512x1xi1> to vector<512x64xi1>
    %broadcast_in_dim3A_1104 = vector.broadcast %jit3A_1101 : f32 to vector<512x64xf32>
    %select_n3A_1105 = arith.select %broadcast_in_dim3A_1103, %slice3A_919, %broadcast_in_dim3A_1104 : vector<512x64xi1>, vector<512x64xf32>
    %reduce_sum3A_1106 = arith.constant dense<0.000000e+00> : vector<64xf32>
    %reduce_sum3A_1107 = vector.multi_reduction <add>, %select_n3A_1105, %reduce_sum3A_1106 [0] : vector<512x64xf32> to vector<64xf32>
    %broadcast_in_dim3A_1108 = vector.shape_cast %reduce_sum3A_1107 : vector<64xf32> to vector<1x64xf32>
    %stack3A_1109 = vector.broadcast %select_n3A_944 : i32 to vector<1xi32>
    %stack3A_1110 = vector.broadcast %select_n3A_991 : i32 to vector<1xi32>
    %stack3A_1111 = vector.broadcast %select_n3A_1038 : i32 to vector<1xi32>
    %stack3A_1112 = vector.broadcast %select_n3A_1085 : i32 to vector<1xi32>
    %stack3A_1113 = tpu.concatenate %stack3A_1109, %stack3A_1110, %stack3A_1111, %stack3A_1112 in 0 : vector<1xi32>, vector<1xi32>, vector<1xi32>, vector<1xi32> -> vector<4xi32>
    %reshape3A_1114 = vector.shape_cast %stack3A_1113 : vector<4xi32> to vector<1x1x4xi32>
    %stack3A_1115 = vector.broadcast %select_n3A_958 : f32 to vector<1xf32>
    %stack3A_1116 = vector.broadcast %select_n3A_1005 : f32 to vector<1xf32>
    %stack3A_1117 = vector.broadcast %select_n3A_1052 : f32 to vector<1xf32>
    %stack3A_1118 = vector.broadcast %select_n3A_1094 : f32 to vector<1xf32>
    %stack3A_1119 = tpu.concatenate %stack3A_1115, %stack3A_1116, %stack3A_1117, %stack3A_1118 in 0 : vector<1xf32>, vector<1xf32>, vector<1xf32>, vector<1xf32> -> vector<4xf32>
    %reshape3A_1120 = vector.shape_cast %stack3A_1119 : vector<4xf32> to vector<1x1x4xf32>
    %stack3A_1121 = vector.broadcast %select_n3A_961 : f32 to vector<1xf32>
    %stack3A_1122 = vector.broadcast %select_n3A_1008 : f32 to vector<1xf32>
    %stack3A_1123 = vector.broadcast %select_n3A_1055 : f32 to vector<1xf32>
    %stack3A_1124 = vector.broadcast %select_n3A_1097 : f32 to vector<1xf32>
    %stack3A_1125 = tpu.concatenate %stack3A_1121, %stack3A_1122, %stack3A_1123, %stack3A_1124 in 0 : vector<1xf32>, vector<1xf32>, vector<1xf32>, vector<1xf32> -> vector<4xf32>
    %reshape3A_1126 = vector.shape_cast %stack3A_1125 : vector<4xf32> to vector<1x1x4xf32>
    %concatenate3A_1127 = tpu.concatenate %broadcast_in_dim3A_972, %broadcast_in_dim3A_1019, %broadcast_in_dim3A_1066, %broadcast_in_dim3A_1108 in 0 : vector<1x64xf32>, vector<1x64xf32>, vector<1x64xf32>, vector<1x64xf32> -> vector<4x64xf32>
    %reshape3A_1128 = vector.shape_cast %concatenate3A_1127 : vector<4x64xf32> to vector<1x4x64xf32>
    %concatenate3A_1129 = tpu.concatenate %reshape3A, %reshape3A_580, %reshape3A_847, %reshape3A_1114 in 0 : vector<1x1x4xi32>, vector<1x1x4xi32>, vector<1x1x4xi32>, vector<1x1x4xi32> -> vector<4x1x4xi32>
    %swap3A_1130 = arith.constant 0 : index
    %swap3A_1131 = arith.constant 0 : index
    %swap3A_1132 = arith.constant 0 : index
    %swap3A_1133 = vector.load %arg19[%swap3A_1130, %swap3A_1131, %swap3A_1132] : memref<4x1x4xi32, #tpu.memory_space<vmem>>, vector<4x1x4xi32>
    tpu.vector_store %arg19[%swap3A_1130, %swap3A_1131, %swap3A_1132], %concatenate3A_1129 {strides = array<i32>} : memref<4x1x4xi32, #tpu.memory_space<vmem>>, vector<4x1x4xi32>,
    %concatenate3A_1134 = tpu.concatenate %reshape3A_319, %reshape3A_586, %reshape3A_853, %reshape3A_1120 in 0 : vector<1x1x4xf32>, vector<1x1x4xf32>, vector<1x1x4xf32>, vector<1x1x4xf32> -> vector<4x1x4xf32>
    %swap3A_1135 = arith.constant 0 : index
    %swap3A_1136 = arith.constant 0 : index
    %swap3A_1137 = arith.constant 0 : index
    %swap3A_1138 = vector.load %arg20[%swap3A_1135, %swap3A_1136, %swap3A_1137] : memref<4x1x4xf32, #tpu.memory_space<vmem>>, vector<4x1x4xf32>
    tpu.vector_store %arg20[%swap3A_1135, %swap3A_1136, %swap3A_1137], %concatenate3A_1134 {strides = array<i32>} : memref<4x1x4xf32, #tpu.memory_space<vmem>>, vector<4x1x4xf32>,
    %concatenate3A_1139 = tpu.concatenate %reshape3A_325, %reshape3A_592, %reshape3A_859, %reshape3A_1126 in 0 : vector<1x1x4xf32>, vector<1x1x4xf32>, vector<1x1x4xf32>, vector<1x1x4xf32> -> vector<4x1x4xf32>
    %swap3A_1140 = arith.constant 0 : index
    %swap3A_1141 = arith.constant 0 : index
    %swap3A_1142 = arith.constant 0 : index
    %swap3A_1143 = vector.load %arg21[%swap3A_1140, %swap3A_1141, %swap3A_1142] : memref<4x1x4xf32, #tpu.memory_space<vmem>>, vector<4x1x4xf32>
    tpu.vector_store %arg21[%swap3A_1140, %swap3A_1141, %swap3A_1142], %concatenate3A_1139 {strides = array<i32>} : memref<4x1x4xf32, #tpu.memory_space<vmem>>, vector<4x1x4xf32>,
    %concatenate3A_1144 = tpu.concatenate %reshape3A_327, %reshape3A_594, %reshape3A_861, %reshape3A_1128 in 0 : vector<1x4x64xf32>, vector<1x4x64xf32>, vector<1x4x64xf32>, vector<1x4x64xf32> -> vector<4x4x64xf32>
    %swap3A_1145 = arith.constant 0 : index
    %swap3A_1146 = arith.constant 0 : index
    %swap3A_1147 = arith.constant 0 : index
    %swap3A_1148 = vector.load %arg22[%swap3A_1145, %swap3A_1146, %swap3A_1147] : memref<4x4x64xf32, #tpu.memory_space<vmem>>, vector<4x4x64xf32>
    tpu.vector_store %arg22[%swap3A_1145, %swap3A_1146, %swap3A_1147], %concatenate3A_1144 {strides = array<i32>} : memref<4x4x64xf32, #tpu.memory_space<vmem>>, vector<4x4x64xf32>,
    return
  }
  func.func @transform_0(%arg0: i32, %arg1: memref<256xi32, #tpu.memory_space<smem>>) -> (i32, i32) {
    %c0_i32 = arith.constant 0 : i32
    %c0_i32_0 = arith.constant 0 : i32
    %c0_i32_1 = arith.constant 0 : i32
    return %c0_i32, %c0_i32_0 : i32, i32
  }
  func.func @transform_1(%arg0: i32, %arg1: memref<256xi32, #tpu.memory_space<smem>>) -> (i32, i32) {
    %mul3A = arith.constant 16 : i32
    %mul3A_0 = arith.muli %mul3A, %arg0 : i32
    %add3A = arith.constant 0 : i32
    %add3A_1 = arith.addi %mul3A_0, %add3A : i32
    %get3A = arith.index_cast %add3A_1 : i32 to index
    %get3A_2 = memref.load %arg1[%get3A] : memref<256xi32, #tpu.memory_space<smem>>
    %c0_i32 = arith.constant 0 : i32
    %c0_i32_3 = arith.constant 0 : i32
    return %get3A_2, %c0_i32 : i32, i32
  }
  func.func @transform_2(%arg0: i32, %arg1: memref<256xi32, #tpu.memory_space<smem>>) -> (i32, i32) {
    %mul3A = arith.constant 16 : i32
    %mul3A_0 = arith.muli %mul3A, %arg0 : i32
    %add3A = arith.constant 1 : i32
    %add3A_1 = arith.addi %mul3A_0, %add3A : i32
    %get3A = arith.index_cast %add3A_1 : i32 to index
    %get3A_2 = memref.load %arg1[%get3A] : memref<256xi32, #tpu.memory_space<smem>>
    %c0_i32 = arith.constant 0 : i32
    %c0_i32_3 = arith.constant 0 : i32
    return %get3A_2, %c0_i32 : i32, i32
  }
  func.func @transform_3(%arg0: i32, %arg1: memref<256xi32, #tpu.memory_space<smem>>) -> (i32, i32) {
    %mul3A = arith.constant 16 : i32
    %mul3A_0 = arith.muli %mul3A, %arg0 : i32
    %add3A = arith.constant 2 : i32
    %add3A_1 = arith.addi %mul3A_0, %add3A : i32
    %get3A = arith.index_cast %add3A_1 : i32 to index
    %get3A_2 = memref.load %arg1[%get3A] : memref<256xi32, #tpu.memory_space<smem>>
    %c0_i32 = arith.constant 0 : i32
    %c0_i32_3 = arith.constant 0 : i32
    return %get3A_2, %c0_i32 : i32, i32
  }
  func.func @transform_4(%arg0: i32, %arg1: memref<256xi32, #tpu.memory_space<smem>>) -> (i32, i32) {
    %mul3A = arith.constant 16 : i32
    %mul3A_0 = arith.muli %mul3A, %arg0 : i32
    %add3A = arith.constant 3 : i32
    %add3A_1 = arith.addi %mul3A_0, %add3A : i32
    %get3A = arith.index_cast %add3A_1 : i32 to index
    %get3A_2 = memref.load %arg1[%get3A] : memref<256xi32, #tpu.memory_space<smem>>
    %c0_i32 = arith.constant 0 : i32
    %c0_i32_3 = arith.constant 0 : i32
    return %get3A_2, %c0_i32 : i32, i32
  }
  func.func @transform_5(%arg0: i32, %arg1: memref<256xi32, #tpu.memory_space<smem>>) -> (i32, i32) {
    %mul3A = arith.constant 16 : i32
    %mul3A_0 = arith.muli %mul3A, %arg0 : i32
    %add3A = arith.constant 4 : i32
    %add3A_1 = arith.addi %mul3A_0, %add3A : i32
    %get3A = arith.index_cast %add3A_1 : i32 to index
    %get3A_2 = memref.load %arg1[%get3A] : memref<256xi32, #tpu.memory_space<smem>>
    %c0_i32 = arith.constant 0 : i32
    %c0_i32_3 = arith.constant 0 : i32
    return %get3A_2, %c0_i32 : i32, i32
  }
  func.func @transform_6(%arg0: i32, %arg1: memref<256xi32, #tpu.memory_space<smem>>) -> (i32, i32) {
    %mul3A = arith.constant 16 : i32
    %mul3A_0 = arith.muli %mul3A, %arg0 : i32
    %add3A = arith.constant 5 : i32
    %add3A_1 = arith.addi %mul3A_0, %add3A : i32
    %get3A = arith.index_cast %add3A_1 : i32 to index
    %get3A_2 = memref.load %arg1[%get3A] : memref<256xi32, #tpu.memory_space<smem>>
    %c0_i32 = arith.constant 0 : i32
    %c0_i32_3 = arith.constant 0 : i32
    return %get3A_2, %c0_i32 : i32, i32
  }
  func.func @transform_7(%arg0: i32, %arg1: memref<256xi32, #tpu.memory_space<smem>>) -> (i32, i32) {
    %mul3A = arith.constant 16 : i32
    %mul3A_0 = arith.muli %mul3A, %arg0 : i32
    %add3A = arith.constant 6 : i32
    %add3A_1 = arith.addi %mul3A_0, %add3A : i32
    %get3A = arith.index_cast %add3A_1 : i32 to index
    %get3A_2 = memref.load %arg1[%get3A] : memref<256xi32, #tpu.memory_space<smem>>
    %c0_i32 = arith.constant 0 : i32
    %c0_i32_3 = arith.constant 0 : i32
    return %get3A_2, %c0_i32 : i32, i32
  }
  func.func @transform_8(%arg0: i32, %arg1: memref<256xi32, #tpu.memory_space<smem>>) -> (i32, i32) {
    %mul3A = arith.constant 16 : i32
    %mul3A_0 = arith.muli %mul3A, %arg0 : i32
    %add3A = arith.constant 7 : i32
    %add3A_1 = arith.addi %mul3A_0, %add3A : i32
    %get3A = arith.index_cast %add3A_1 : i32 to index
    %get3A_2 = memref.load %arg1[%get3A] : memref<256xi32, #tpu.memory_space<smem>>
    %c0_i32 = arith.constant 0 : i32
    %c0_i32_3 = arith.constant 0 : i32
    return %get3A_2, %c0_i32 : i32, i32
  }
  func.func @transform_9(%arg0: i32, %arg1: memref<256xi32, #tpu.memory_space<smem>>) -> (i32, i32) {
    %mul3A = arith.constant 16 : i32
    %mul3A_0 = arith.muli %mul3A, %arg0 : i32
    %add3A = arith.constant 8 : i32
    %add3A_1 = arith.addi %mul3A_0, %add3A : i32
    %get3A = arith.index_cast %add3A_1 : i32 to index
    %get3A_2 = memref.load %arg1[%get3A] : memref<256xi32, #tpu.memory_space<smem>>
    %c0_i32 = arith.constant 0 : i32
    %c0_i32_3 = arith.constant 0 : i32
    return %get3A_2, %c0_i32 : i32, i32
  }
  func.func @transform_10(%arg0: i32, %arg1: memref<256xi32, #tpu.memory_space<smem>>) -> (i32, i32) {
    %mul3A = arith.constant 16 : i32
    %mul3A_0 = arith.muli %mul3A, %arg0 : i32
    %add3A = arith.constant 9 : i32
    %add3A_1 = arith.addi %mul3A_0, %add3A : i32
    %get3A = arith.index_cast %add3A_1 : i32 to index
    %get3A_2 = memref.load %arg1[%get3A] : memref<256xi32, #tpu.memory_space<smem>>
    %c0_i32 = arith.constant 0 : i32
    %c0_i32_3 = arith.constant 0 : i32
    return %get3A_2, %c0_i32 : i32, i32
  }
  func.func @transform_11(%arg0: i32, %arg1: memref<256xi32, #tpu.memory_space<smem>>) -> (i32, i32) {
    %mul3A = arith.constant 16 : i32
    %mul3A_0 = arith.muli %mul3A, %arg0 : i32
    %add3A = arith.constant 10 : i32
    %add3A_1 = arith.addi %mul3A_0, %add3A : i32
    %get3A = arith.index_cast %add3A_1 : i32 to index
    %get3A_2 = memref.load %arg1[%get3A] : memref<256xi32, #tpu.memory_space<smem>>
    %c0_i32 = arith.constant 0 : i32
    %c0_i32_3 = arith.constant 0 : i32
    return %get3A_2, %c0_i32 : i32, i32
  }
  func.func @transform_12(%arg0: i32, %arg1: memref<256xi32, #tpu.memory_space<smem>>) -> (i32, i32) {
    %mul3A = arith.constant 16 : i32
    %mul3A_0 = arith.muli %mul3A, %arg0 : i32
    %add3A = arith.constant 11 : i32
    %add3A_1 = arith.addi %mul3A_0, %add3A : i32
    %get3A = arith.index_cast %add3A_1 : i32 to index
    %get3A_2 = memref.load %arg1[%get3A] : memref<256xi32, #tpu.memory_space<smem>>
    %c0_i32 = arith.constant 0 : i32
    %c0_i32_3 = arith.constant 0 : i32
    return %get3A_2, %c0_i32 : i32, i32
  }
  func.func @transform_13(%arg0: i32, %arg1: memref<256xi32, #tpu.memory_space<smem>>) -> (i32, i32) {
    %mul3A = arith.constant 16 : i32
    %mul3A_0 = arith.muli %mul3A, %arg0 : i32
    %add3A = arith.constant 12 : i32
    %add3A_1 = arith.addi %mul3A_0, %add3A : i32
    %get3A = arith.index_cast %add3A_1 : i32 to index
    %get3A_2 = memref.load %arg1[%get3A] : memref<256xi32, #tpu.memory_space<smem>>
    %c0_i32 = arith.constant 0 : i32
    %c0_i32_3 = arith.constant 0 : i32
    return %get3A_2, %c0_i32 : i32, i32
  }
  func.func @transform_14(%arg0: i32, %arg1: memref<256xi32, #tpu.memory_space<smem>>) -> (i32, i32) {
    %mul3A = arith.constant 16 : i32
    %mul3A_0 = arith.muli %mul3A, %arg0 : i32
    %add3A = arith.constant 13 : i32
    %add3A_1 = arith.addi %mul3A_0, %add3A : i32
    %get3A = arith.index_cast %add3A_1 : i32 to index
    %get3A_2 = memref.load %arg1[%get3A] : memref<256xi32, #tpu.memory_space<smem>>
    %c0_i32 = arith.constant 0 : i32
    %c0_i32_3 = arith.constant 0 : i32
    return %get3A_2, %c0_i32 : i32, i32
  }
  func.func @transform_15(%arg0: i32, %arg1: memref<256xi32, #tpu.memory_space<smem>>) -> (i32, i32) {
    %mul3A = arith.constant 16 : i32
    %mul3A_0 = arith.muli %mul3A, %arg0 : i32
    %add3A = arith.constant 14 : i32
    %add3A_1 = arith.addi %mul3A_0, %add3A : i32
    %get3A = arith.index_cast %add3A_1 : i32 to index
    %get3A_2 = memref.load %arg1[%get3A] : memref<256xi32, #tpu.memory_space<smem>>
    %c0_i32 = arith.constant 0 : i32
    %c0_i32_3 = arith.constant 0 : i32
    return %get3A_2, %c0_i32 : i32, i32
  }
  func.func @transform_16(%arg0: i32, %arg1: memref<256xi32, #tpu.memory_space<smem>>) -> (i32, i32) {
    %mul3A = arith.constant 16 : i32
    %mul3A_0 = arith.muli %mul3A, %arg0 : i32
    %add3A = arith.constant 15 : i32
    %add3A_1 = arith.addi %mul3A_0, %add3A : i32
    %get3A = arith.index_cast %add3A_1 : i32 to index
    %get3A_2 = memref.load %arg1[%get3A] : memref<256xi32, #tpu.memory_space<smem>>
    %c0_i32 = arith.constant 0 : i32
    %c0_i32_3 = arith.constant 0 : i32
    return %get3A_2, %c0_i32 : i32, i32
  }
  func.func @transform_17(%arg0: i32, %arg1: memref<256xi32, #tpu.memory_space<smem>>) -> (i32, i32, i32) {
    %c0_i32 = arith.constant 0 : i32
    %c0_i32_0 = arith.constant 0 : i32
    %c0_i32_1 = arith.constant 0 : i32
    return %arg0, %c0_i32, %c0_i32_0 : i32, i32, i32
  }
  func.func @transform_18(%arg0: i32, %arg1: memref<256xi32, #tpu.memory_space<smem>>) -> (i32, i32, i32) {
    %c0_i32 = arith.constant 0 : i32
    %c0_i32_0 = arith.constant 0 : i32
    %c0_i32_1 = arith.constant 0 : i32
    return %arg0, %c0_i32, %c0_i32_0 : i32, i32, i32
  }
  func.func @transform_19(%arg0: i32, %arg1: memref<256xi32, #tpu.memory_space<smem>>) -> (i32, i32, i32) {
    %c0_i32 = arith.constant 0 : i32
    %c0_i32_0 = arith.constant 0 : i32
    %c0_i32_1 = arith.constant 0 : i32
    return %arg0, %c0_i32, %c0_i32_0 : i32, i32, i32
  }
  func.func @transform_20(%arg0: i32, %arg1: memref<256xi32, #tpu.memory_space<smem>>) -> (i32, i32, i32) {
    %c0_i32 = arith.constant 0 : i32
    %c0_i32_0 = arith.constant 0 : i32
    %c0_i32_1 = arith.constant 0 : i32
    return %arg0, %c0_i32, %c0_i32_0 : i32, i32, i32
  }
}

module attributes {stable_mosaic.version = 14 : i64} {
  func.func @_p2v_body(%arg0: i32, %arg1: memref<256xi32, #tpu.memory_space<smem>>, %arg2: memref<1x1x64xf32, #tpu.memory_space<vmem>>, %arg3: memref<1x1x64xf32, #tpu.memory_space<vmem>>, %arg4: memref<1x1x64xf32, #tpu.memory_space<vmem>>, %arg5: memref<1x1x64xf32, #tpu.memory_space<vmem>>, %arg6: memref<1x1x64xf32, #tpu.memory_space<vmem>>, %arg7: memref<1x1x64xf32, #tpu.memory_space<vmem>>, %arg8: memref<1x1x64xf32, #tpu.memory_space<vmem>>, %arg9: memref<1x1x64xf32, #tpu.memory_space<vmem>>, %arg10: memref<1x1x64xf32, #tpu.memory_space<vmem>>, %arg11: memref<1x1x64xf32, #tpu.memory_space<vmem>>, %arg12: memref<1x1x64xf32, #tpu.memory_space<vmem>>, %arg13: memref<1x1x64xf32, #tpu.memory_space<vmem>>, %arg14: memref<1x1x64xf32, #tpu.memory_space<vmem>>, %arg15: memref<1x1x64xf32, #tpu.memory_space<vmem>>, %arg16: memref<1x1x64xf32, #tpu.memory_space<vmem>>, %arg17: memref<1x1x64xf32, #tpu.memory_space<vmem>>, %arg18: memref<1x1x64xf32, #tpu.memory_space<vmem>>, %arg19: memref<1x1x64xf32, #tpu.memory_space<vmem>>, %arg20: memref<1x1x64xf32, #tpu.memory_space<vmem>>, %arg21: memref<1x1x64xf32, #tpu.memory_space<vmem>>, %arg22: memref<1x1x64xf32, #tpu.memory_space<vmem>>, %arg23: memref<1x1x64xf32, #tpu.memory_space<vmem>>, %arg24: memref<1x1x64xf32, #tpu.memory_space<vmem>>, %arg25: memref<1x1x64xf32, #tpu.memory_space<vmem>>, %arg26: memref<1x1x64xf32, #tpu.memory_space<vmem>>, %arg27: memref<1x1x64xf32, #tpu.memory_space<vmem>>, %arg28: memref<1x1x64xf32, #tpu.memory_space<vmem>>, %arg29: memref<1x1x64xf32, #tpu.memory_space<vmem>>, %arg30: memref<1x1x64xf32, #tpu.memory_space<vmem>>, %arg31: memref<1x1x64xf32, #tpu.memory_space<vmem>>, %arg32: memref<1x1x64xf32, #tpu.memory_space<vmem>>, %arg33: memref<1x1x64xf32, #tpu.memory_space<vmem>>, %arg34: memref<8x1x4xf32, #tpu.memory_space<vmem>>, %arg35: memref<8x4x64xf32, #tpu.memory_space<vmem>>) attributes {dimension_semantics = [#tpu.dimension_semantics<arbitrary>], iteration_bounds = array<i64: 8>, scalar_prefetch = 1 : i64, scratch_operands = 0 : i64, tpu.core_type = #tpu.core_type<tc>, window_params = [{transform_indices = @transform_0, window_bounds = array<i64: 1, 1, 64>}, {transform_indices = @transform_1, window_bounds = array<i64: 1, 1, 64>}, {transform_indices = @transform_2, window_bounds = array<i64: 1, 1, 64>}, {transform_indices = @transform_3, window_bounds = array<i64: 1, 1, 64>}, {transform_indices = @transform_4, window_bounds = array<i64: 1, 1, 64>}, {transform_indices = @transform_5, window_bounds = array<i64: 1, 1, 64>}, {transform_indices = @transform_6, window_bounds = array<i64: 1, 1, 64>}, {transform_indices = @transform_7, window_bounds = array<i64: 1, 1, 64>}, {transform_indices = @transform_8, window_bounds = array<i64: 1, 1, 64>}, {transform_indices = @transform_9, window_bounds = array<i64: 1, 1, 64>}, {transform_indices = @transform_10, window_bounds = array<i64: 1, 1, 64>}, {transform_indices = @transform_11, window_bounds = array<i64: 1, 1, 64>}, {transform_indices = @transform_12, window_bounds = array<i64: 1, 1, 64>}, {transform_indices = @transform_13, window_bounds = array<i64: 1, 1, 64>}, {transform_indices = @transform_14, window_bounds = array<i64: 1, 1, 64>}, {transform_indices = @transform_15, window_bounds = array<i64: 1, 1, 64>}, {transform_indices = @transform_16, window_bounds = array<i64: 1, 1, 64>}, {transform_indices = @transform_17, window_bounds = array<i64: 1, 1, 64>}, {transform_indices = @transform_18, window_bounds = array<i64: 1, 1, 64>}, {transform_indices = @transform_19, window_bounds = array<i64: 1, 1, 64>}, {transform_indices = @transform_20, window_bounds = array<i64: 1, 1, 64>}, {transform_indices = @transform_21, window_bounds = array<i64: 1, 1, 64>}, {transform_indices = @transform_22, window_bounds = array<i64: 1, 1, 64>}, {transform_indices = @transform_23, window_bounds = array<i64: 1, 1, 64>}, {transform_indices = @transform_24, window_bounds = array<i64: 1, 1, 64>}, {transform_indices = @transform_25, window_bounds = array<i64: 1, 1, 64>}, {transform_indices = @transform_26, window_bounds = array<i64: 1, 1, 64>}, {transform_indices = @transform_27, window_bounds = array<i64: 1, 1, 64>}, {transform_indices = @transform_28, window_bounds = array<i64: 1, 1, 64>}, {transform_indices = @transform_29, window_bounds = array<i64: 1, 1, 64>}, {transform_indices = @transform_30, window_bounds = array<i64: 1, 1, 64>}, {transform_indices = @transform_31, window_bounds = array<i64: 1, 1, 64>}, {transform_indices = @transform_32, window_bounds = array<i64: 8, 1, 4>}, {transform_indices = @transform_33, window_bounds = array<i64: 8, 4, 64>}]} {
    %get3A = arith.constant 0 : index
    %get3A_0 = arith.constant 0 : index
    %get3A_1 = arith.constant 0 : index
    %get3A_2 = vector.load %arg2[%get3A, %get3A_0, %get3A_1] : memref<1x1x64xf32, #tpu.memory_space<vmem>>, vector<1x1x64xf32>
    %get3A_3 = vector.shape_cast %get3A_2 : vector<1x1x64xf32> to vector<1x64xf32>
    %get3A_4 = arith.constant 0 : index
    %get3A_5 = arith.constant 0 : index
    %get3A_6 = arith.constant 0 : index
    %get3A_7 = vector.load %arg3[%get3A_4, %get3A_5, %get3A_6] : memref<1x1x64xf32, #tpu.memory_space<vmem>>, vector<1x1x64xf32>
    %get3A_8 = vector.shape_cast %get3A_7 : vector<1x1x64xf32> to vector<1x64xf32>
    %get3A_9 = arith.constant 0 : index
    %get3A_10 = arith.constant 0 : index
    %get3A_11 = arith.constant 0 : index
    %get3A_12 = vector.load %arg4[%get3A_9, %get3A_10, %get3A_11] : memref<1x1x64xf32, #tpu.memory_space<vmem>>, vector<1x1x64xf32>
    %get3A_13 = vector.shape_cast %get3A_12 : vector<1x1x64xf32> to vector<1x64xf32>
    %get3A_14 = arith.constant 0 : index
    %get3A_15 = arith.constant 0 : index
    %get3A_16 = arith.constant 0 : index
    %get3A_17 = vector.load %arg5[%get3A_14, %get3A_15, %get3A_16] : memref<1x1x64xf32, #tpu.memory_space<vmem>>, vector<1x1x64xf32>
    %get3A_18 = vector.shape_cast %get3A_17 : vector<1x1x64xf32> to vector<1x64xf32>
    %get3A_19 = arith.constant 0 : index
    %get3A_20 = arith.constant 0 : index
    %get3A_21 = arith.constant 0 : index
    %get3A_22 = vector.load %arg6[%get3A_19, %get3A_20, %get3A_21] : memref<1x1x64xf32, #tpu.memory_space<vmem>>, vector<1x1x64xf32>
    %get3A_23 = vector.shape_cast %get3A_22 : vector<1x1x64xf32> to vector<1x64xf32>
    %get3A_24 = arith.constant 0 : index
    %get3A_25 = arith.constant 0 : index
    %get3A_26 = arith.constant 0 : index
    %get3A_27 = vector.load %arg7[%get3A_24, %get3A_25, %get3A_26] : memref<1x1x64xf32, #tpu.memory_space<vmem>>, vector<1x1x64xf32>
    %get3A_28 = vector.shape_cast %get3A_27 : vector<1x1x64xf32> to vector<1x64xf32>
    %get3A_29 = arith.constant 0 : index
    %get3A_30 = arith.constant 0 : index
    %get3A_31 = arith.constant 0 : index
    %get3A_32 = vector.load %arg8[%get3A_29, %get3A_30, %get3A_31] : memref<1x1x64xf32, #tpu.memory_space<vmem>>, vector<1x1x64xf32>
    %get3A_33 = vector.shape_cast %get3A_32 : vector<1x1x64xf32> to vector<1x64xf32>
    %get3A_34 = arith.constant 0 : index
    %get3A_35 = arith.constant 0 : index
    %get3A_36 = arith.constant 0 : index
    %get3A_37 = vector.load %arg9[%get3A_34, %get3A_35, %get3A_36] : memref<1x1x64xf32, #tpu.memory_space<vmem>>, vector<1x1x64xf32>
    %get3A_38 = vector.shape_cast %get3A_37 : vector<1x1x64xf32> to vector<1x64xf32>
    %get3A_39 = arith.constant 0 : index
    %get3A_40 = arith.constant 0 : index
    %get3A_41 = arith.constant 0 : index
    %get3A_42 = vector.load %arg10[%get3A_39, %get3A_40, %get3A_41] : memref<1x1x64xf32, #tpu.memory_space<vmem>>, vector<1x1x64xf32>
    %get3A_43 = vector.shape_cast %get3A_42 : vector<1x1x64xf32> to vector<1x64xf32>
    %get3A_44 = arith.constant 0 : index
    %get3A_45 = arith.constant 0 : index
    %get3A_46 = arith.constant 0 : index
    %get3A_47 = vector.load %arg11[%get3A_44, %get3A_45, %get3A_46] : memref<1x1x64xf32, #tpu.memory_space<vmem>>, vector<1x1x64xf32>
    %get3A_48 = vector.shape_cast %get3A_47 : vector<1x1x64xf32> to vector<1x64xf32>
    %get3A_49 = arith.constant 0 : index
    %get3A_50 = arith.constant 0 : index
    %get3A_51 = arith.constant 0 : index
    %get3A_52 = vector.load %arg12[%get3A_49, %get3A_50, %get3A_51] : memref<1x1x64xf32, #tpu.memory_space<vmem>>, vector<1x1x64xf32>
    %get3A_53 = vector.shape_cast %get3A_52 : vector<1x1x64xf32> to vector<1x64xf32>
    %get3A_54 = arith.constant 0 : index
    %get3A_55 = arith.constant 0 : index
    %get3A_56 = arith.constant 0 : index
    %get3A_57 = vector.load %arg13[%get3A_54, %get3A_55, %get3A_56] : memref<1x1x64xf32, #tpu.memory_space<vmem>>, vector<1x1x64xf32>
    %get3A_58 = vector.shape_cast %get3A_57 : vector<1x1x64xf32> to vector<1x64xf32>
    %get3A_59 = arith.constant 0 : index
    %get3A_60 = arith.constant 0 : index
    %get3A_61 = arith.constant 0 : index
    %get3A_62 = vector.load %arg14[%get3A_59, %get3A_60, %get3A_61] : memref<1x1x64xf32, #tpu.memory_space<vmem>>, vector<1x1x64xf32>
    %get3A_63 = vector.shape_cast %get3A_62 : vector<1x1x64xf32> to vector<1x64xf32>
    %get3A_64 = arith.constant 0 : index
    %get3A_65 = arith.constant 0 : index
    %get3A_66 = arith.constant 0 : index
    %get3A_67 = vector.load %arg15[%get3A_64, %get3A_65, %get3A_66] : memref<1x1x64xf32, #tpu.memory_space<vmem>>, vector<1x1x64xf32>
    %get3A_68 = vector.shape_cast %get3A_67 : vector<1x1x64xf32> to vector<1x64xf32>
    %get3A_69 = arith.constant 0 : index
    %get3A_70 = arith.constant 0 : index
    %get3A_71 = arith.constant 0 : index
    %get3A_72 = vector.load %arg16[%get3A_69, %get3A_70, %get3A_71] : memref<1x1x64xf32, #tpu.memory_space<vmem>>, vector<1x1x64xf32>
    %get3A_73 = vector.shape_cast %get3A_72 : vector<1x1x64xf32> to vector<1x64xf32>
    %get3A_74 = arith.constant 0 : index
    %get3A_75 = arith.constant 0 : index
    %get3A_76 = arith.constant 0 : index
    %get3A_77 = vector.load %arg17[%get3A_74, %get3A_75, %get3A_76] : memref<1x1x64xf32, #tpu.memory_space<vmem>>, vector<1x1x64xf32>
    %get3A_78 = vector.shape_cast %get3A_77 : vector<1x1x64xf32> to vector<1x64xf32>
    %get3A_79 = arith.constant 0 : index
    %get3A_80 = arith.constant 0 : index
    %get3A_81 = arith.constant 0 : index
    %get3A_82 = vector.load %arg18[%get3A_79, %get3A_80, %get3A_81] : memref<1x1x64xf32, #tpu.memory_space<vmem>>, vector<1x1x64xf32>
    %get3A_83 = vector.shape_cast %get3A_82 : vector<1x1x64xf32> to vector<1x64xf32>
    %get3A_84 = arith.constant 0 : index
    %get3A_85 = arith.constant 0 : index
    %get3A_86 = arith.constant 0 : index
    %get3A_87 = vector.load %arg19[%get3A_84, %get3A_85, %get3A_86] : memref<1x1x64xf32, #tpu.memory_space<vmem>>, vector<1x1x64xf32>
    %get3A_88 = vector.shape_cast %get3A_87 : vector<1x1x64xf32> to vector<1x64xf32>
    %get3A_89 = arith.constant 0 : index
    %get3A_90 = arith.constant 0 : index
    %get3A_91 = arith.constant 0 : index
    %get3A_92 = vector.load %arg20[%get3A_89, %get3A_90, %get3A_91] : memref<1x1x64xf32, #tpu.memory_space<vmem>>, vector<1x1x64xf32>
    %get3A_93 = vector.shape_cast %get3A_92 : vector<1x1x64xf32> to vector<1x64xf32>
    %get3A_94 = arith.constant 0 : index
    %get3A_95 = arith.constant 0 : index
    %get3A_96 = arith.constant 0 : index
    %get3A_97 = vector.load %arg21[%get3A_94, %get3A_95, %get3A_96] : memref<1x1x64xf32, #tpu.memory_space<vmem>>, vector<1x1x64xf32>
    %get3A_98 = vector.shape_cast %get3A_97 : vector<1x1x64xf32> to vector<1x64xf32>
    %get3A_99 = arith.constant 0 : index
    %get3A_100 = arith.constant 0 : index
    %get3A_101 = arith.constant 0 : index
    %get3A_102 = vector.load %arg22[%get3A_99, %get3A_100, %get3A_101] : memref<1x1x64xf32, #tpu.memory_space<vmem>>, vector<1x1x64xf32>
    %get3A_103 = vector.shape_cast %get3A_102 : vector<1x1x64xf32> to vector<1x64xf32>
    %get3A_104 = arith.constant 0 : index
    %get3A_105 = arith.constant 0 : index
    %get3A_106 = arith.constant 0 : index
    %get3A_107 = vector.load %arg23[%get3A_104, %get3A_105, %get3A_106] : memref<1x1x64xf32, #tpu.memory_space<vmem>>, vector<1x1x64xf32>
    %get3A_108 = vector.shape_cast %get3A_107 : vector<1x1x64xf32> to vector<1x64xf32>
    %get3A_109 = arith.constant 0 : index
    %get3A_110 = arith.constant 0 : index
    %get3A_111 = arith.constant 0 : index
    %get3A_112 = vector.load %arg24[%get3A_109, %get3A_110, %get3A_111] : memref<1x1x64xf32, #tpu.memory_space<vmem>>, vector<1x1x64xf32>
    %get3A_113 = vector.shape_cast %get3A_112 : vector<1x1x64xf32> to vector<1x64xf32>
    %get3A_114 = arith.constant 0 : index
    %get3A_115 = arith.constant 0 : index
    %get3A_116 = arith.constant 0 : index
    %get3A_117 = vector.load %arg25[%get3A_114, %get3A_115, %get3A_116] : memref<1x1x64xf32, #tpu.memory_space<vmem>>, vector<1x1x64xf32>
    %get3A_118 = vector.shape_cast %get3A_117 : vector<1x1x64xf32> to vector<1x64xf32>
    %get3A_119 = arith.constant 0 : index
    %get3A_120 = arith.constant 0 : index
    %get3A_121 = arith.constant 0 : index
    %get3A_122 = vector.load %arg26[%get3A_119, %get3A_120, %get3A_121] : memref<1x1x64xf32, #tpu.memory_space<vmem>>, vector<1x1x64xf32>
    %get3A_123 = vector.shape_cast %get3A_122 : vector<1x1x64xf32> to vector<1x64xf32>
    %get3A_124 = arith.constant 0 : index
    %get3A_125 = arith.constant 0 : index
    %get3A_126 = arith.constant 0 : index
    %get3A_127 = vector.load %arg27[%get3A_124, %get3A_125, %get3A_126] : memref<1x1x64xf32, #tpu.memory_space<vmem>>, vector<1x1x64xf32>
    %get3A_128 = vector.shape_cast %get3A_127 : vector<1x1x64xf32> to vector<1x64xf32>
    %get3A_129 = arith.constant 0 : index
    %get3A_130 = arith.constant 0 : index
    %get3A_131 = arith.constant 0 : index
    %get3A_132 = vector.load %arg28[%get3A_129, %get3A_130, %get3A_131] : memref<1x1x64xf32, #tpu.memory_space<vmem>>, vector<1x1x64xf32>
    %get3A_133 = vector.shape_cast %get3A_132 : vector<1x1x64xf32> to vector<1x64xf32>
    %get3A_134 = arith.constant 0 : index
    %get3A_135 = arith.constant 0 : index
    %get3A_136 = arith.constant 0 : index
    %get3A_137 = vector.load %arg29[%get3A_134, %get3A_135, %get3A_136] : memref<1x1x64xf32, #tpu.memory_space<vmem>>, vector<1x1x64xf32>
    %get3A_138 = vector.shape_cast %get3A_137 : vector<1x1x64xf32> to vector<1x64xf32>
    %get3A_139 = arith.constant 0 : index
    %get3A_140 = arith.constant 0 : index
    %get3A_141 = arith.constant 0 : index
    %get3A_142 = vector.load %arg30[%get3A_139, %get3A_140, %get3A_141] : memref<1x1x64xf32, #tpu.memory_space<vmem>>, vector<1x1x64xf32>
    %get3A_143 = vector.shape_cast %get3A_142 : vector<1x1x64xf32> to vector<1x64xf32>
    %get3A_144 = arith.constant 0 : index
    %get3A_145 = arith.constant 0 : index
    %get3A_146 = arith.constant 0 : index
    %get3A_147 = vector.load %arg31[%get3A_144, %get3A_145, %get3A_146] : memref<1x1x64xf32, #tpu.memory_space<vmem>>, vector<1x1x64xf32>
    %get3A_148 = vector.shape_cast %get3A_147 : vector<1x1x64xf32> to vector<1x64xf32>
    %get3A_149 = arith.constant 0 : index
    %get3A_150 = arith.constant 0 : index
    %get3A_151 = arith.constant 0 : index
    %get3A_152 = vector.load %arg32[%get3A_149, %get3A_150, %get3A_151] : memref<1x1x64xf32, #tpu.memory_space<vmem>>, vector<1x1x64xf32>
    %get3A_153 = vector.shape_cast %get3A_152 : vector<1x1x64xf32> to vector<1x64xf32>
    %get3A_154 = arith.constant 0 : index
    %get3A_155 = arith.constant 0 : index
    %get3A_156 = arith.constant 0 : index
    %get3A_157 = vector.load %arg33[%get3A_154, %get3A_155, %get3A_156] : memref<1x1x64xf32, #tpu.memory_space<vmem>>, vector<1x1x64xf32>
    %get3A_158 = vector.shape_cast %get3A_157 : vector<1x1x64xf32> to vector<1x64xf32>
    %concatenate3A = tpu.concatenate %get3A_3, %get3A_8, %get3A_13, %get3A_18, %get3A_23, %get3A_28, %get3A_33, %get3A_38, %get3A_43, %get3A_48, %get3A_53, %get3A_58, %get3A_63, %get3A_68, %get3A_73, %get3A_78, %get3A_83, %get3A_88, %get3A_93, %get3A_98, %get3A_103, %get3A_108, %get3A_113, %get3A_118, %get3A_123, %get3A_128, %get3A_133, %get3A_138, %get3A_143, %get3A_148, %get3A_153, %get3A_158 in 0 : vector<1x64xf32>, vector<1x64xf32>, vector<1x64xf32>, vector<1x64xf32>, vector<1x64xf32>, vector<1x64xf32>, vector<1x64xf32>, vector<1x64xf32>, vector<1x64xf32>, vector<1x64xf32>, vector<1x64xf32>, vector<1x64xf32>, vector<1x64xf32>, vector<1x64xf32>, vector<1x64xf32>, vector<1x64xf32>, vector<1x64xf32>, vector<1x64xf32>, vector<1x64xf32>, vector<1x64xf32>, vector<1x64xf32>, vector<1x64xf32>, vector<1x64xf32>, vector<1x64xf32>, vector<1x64xf32>, vector<1x64xf32>, vector<1x64xf32>, vector<1x64xf32>, vector<1x64xf32>, vector<1x64xf32>, vector<1x64xf32>, vector<1x64xf32> -> vector<32x64xf32>
    %get3A_159 = arith.constant 0 : index
    %get3A_160 = arith.constant 0 : index
    %get3A_161 = arith.constant 0 : index
    %get3A_162 = vector.load %arg34[%get3A_159, %get3A_160, %get3A_161] : memref<8x1x4xf32, #tpu.memory_space<vmem>>, vector<8x1x4xf32>
    %transpose3A = tpu.transpose %get3A_162, [0, 2, 1] : vector<8x1x4xf32> -> vector<8x4x1xf32>
    %reshape3A = vector.shape_cast %concatenate3A : vector<32x64xf32> to vector<8x4x64xf32>
    %mul3A = vector.broadcast %transpose3A : vector<8x4x1xf32> to vector<8x4x64xf32>
    %mul3A_163 = arith.mulf %reshape3A, %mul3A : vector<8x4x64xf32>
    %swap3A = arith.constant 0 : index
    %swap3A_164 = arith.constant 0 : index
    %swap3A_165 = arith.constant 0 : index
    %swap3A_166 = vector.load %arg35[%swap3A, %swap3A_164, %swap3A_165] : memref<8x4x64xf32, #tpu.memory_space<vmem>>, vector<8x4x64xf32>
    tpu.vector_store %arg35[%swap3A, %swap3A_164, %swap3A_165], %mul3A_163 {strides = array<i32>} : memref<8x4x64xf32, #tpu.memory_space<vmem>>, vector<8x4x64xf32>,
    return
  }
  func.func @transform_0(%arg0: i32, %arg1: memref<256xi32, #tpu.memory_space<smem>>) -> (i32, i32, i32) {
    %mul3A = arith.constant 32 : i32
    %mul3A_0 = arith.muli %mul3A, %arg0 : i32
    %add3A = arith.constant 0 : i32
    %add3A_1 = arith.addi %mul3A_0, %add3A : i32
    %get3A = arith.index_cast %add3A_1 : i32 to index
    %get3A_2 = memref.load %arg1[%get3A] : memref<256xi32, #tpu.memory_space<smem>>
    %c0_i32 = arith.constant 0 : i32
    %c0_i32_3 = arith.constant 0 : i32
    %c0_i32_4 = arith.constant 0 : i32
    return %get3A_2, %c0_i32, %c0_i32_3 : i32, i32, i32
  }
  func.func @transform_1(%arg0: i32, %arg1: memref<256xi32, #tpu.memory_space<smem>>) -> (i32, i32, i32) {
    %mul3A = arith.constant 32 : i32
    %mul3A_0 = arith.muli %mul3A, %arg0 : i32
    %add3A = arith.constant 1 : i32
    %add3A_1 = arith.addi %mul3A_0, %add3A : i32
    %get3A = arith.index_cast %add3A_1 : i32 to index
    %get3A_2 = memref.load %arg1[%get3A] : memref<256xi32, #tpu.memory_space<smem>>
    %c0_i32 = arith.constant 0 : i32
    %c0_i32_3 = arith.constant 0 : i32
    %c0_i32_4 = arith.constant 0 : i32
    return %get3A_2, %c0_i32, %c0_i32_3 : i32, i32, i32
  }
  func.func @transform_2(%arg0: i32, %arg1: memref<256xi32, #tpu.memory_space<smem>>) -> (i32, i32, i32) {
    %mul3A = arith.constant 32 : i32
    %mul3A_0 = arith.muli %mul3A, %arg0 : i32
    %add3A = arith.constant 2 : i32
    %add3A_1 = arith.addi %mul3A_0, %add3A : i32
    %get3A = arith.index_cast %add3A_1 : i32 to index
    %get3A_2 = memref.load %arg1[%get3A] : memref<256xi32, #tpu.memory_space<smem>>
    %c0_i32 = arith.constant 0 : i32
    %c0_i32_3 = arith.constant 0 : i32
    %c0_i32_4 = arith.constant 0 : i32
    return %get3A_2, %c0_i32, %c0_i32_3 : i32, i32, i32
  }
  func.func @transform_3(%arg0: i32, %arg1: memref<256xi32, #tpu.memory_space<smem>>) -> (i32, i32, i32) {
    %mul3A = arith.constant 32 : i32
    %mul3A_0 = arith.muli %mul3A, %arg0 : i32
    %add3A = arith.constant 3 : i32
    %add3A_1 = arith.addi %mul3A_0, %add3A : i32
    %get3A = arith.index_cast %add3A_1 : i32 to index
    %get3A_2 = memref.load %arg1[%get3A] : memref<256xi32, #tpu.memory_space<smem>>
    %c0_i32 = arith.constant 0 : i32
    %c0_i32_3 = arith.constant 0 : i32
    %c0_i32_4 = arith.constant 0 : i32
    return %get3A_2, %c0_i32, %c0_i32_3 : i32, i32, i32
  }
  func.func @transform_4(%arg0: i32, %arg1: memref<256xi32, #tpu.memory_space<smem>>) -> (i32, i32, i32) {
    %mul3A = arith.constant 32 : i32
    %mul3A_0 = arith.muli %mul3A, %arg0 : i32
    %add3A = arith.constant 4 : i32
    %add3A_1 = arith.addi %mul3A_0, %add3A : i32
    %get3A = arith.index_cast %add3A_1 : i32 to index
    %get3A_2 = memref.load %arg1[%get3A] : memref<256xi32, #tpu.memory_space<smem>>
    %c0_i32 = arith.constant 0 : i32
    %c0_i32_3 = arith.constant 0 : i32
    %c0_i32_4 = arith.constant 0 : i32
    return %get3A_2, %c0_i32, %c0_i32_3 : i32, i32, i32
  }
  func.func @transform_5(%arg0: i32, %arg1: memref<256xi32, #tpu.memory_space<smem>>) -> (i32, i32, i32) {
    %mul3A = arith.constant 32 : i32
    %mul3A_0 = arith.muli %mul3A, %arg0 : i32
    %add3A = arith.constant 5 : i32
    %add3A_1 = arith.addi %mul3A_0, %add3A : i32
    %get3A = arith.index_cast %add3A_1 : i32 to index
    %get3A_2 = memref.load %arg1[%get3A] : memref<256xi32, #tpu.memory_space<smem>>
    %c0_i32 = arith.constant 0 : i32
    %c0_i32_3 = arith.constant 0 : i32
    %c0_i32_4 = arith.constant 0 : i32
    return %get3A_2, %c0_i32, %c0_i32_3 : i32, i32, i32
  }
  func.func @transform_6(%arg0: i32, %arg1: memref<256xi32, #tpu.memory_space<smem>>) -> (i32, i32, i32) {
    %mul3A = arith.constant 32 : i32
    %mul3A_0 = arith.muli %mul3A, %arg0 : i32
    %add3A = arith.constant 6 : i32
    %add3A_1 = arith.addi %mul3A_0, %add3A : i32
    %get3A = arith.index_cast %add3A_1 : i32 to index
    %get3A_2 = memref.load %arg1[%get3A] : memref<256xi32, #tpu.memory_space<smem>>
    %c0_i32 = arith.constant 0 : i32
    %c0_i32_3 = arith.constant 0 : i32
    %c0_i32_4 = arith.constant 0 : i32
    return %get3A_2, %c0_i32, %c0_i32_3 : i32, i32, i32
  }
  func.func @transform_7(%arg0: i32, %arg1: memref<256xi32, #tpu.memory_space<smem>>) -> (i32, i32, i32) {
    %mul3A = arith.constant 32 : i32
    %mul3A_0 = arith.muli %mul3A, %arg0 : i32
    %add3A = arith.constant 7 : i32
    %add3A_1 = arith.addi %mul3A_0, %add3A : i32
    %get3A = arith.index_cast %add3A_1 : i32 to index
    %get3A_2 = memref.load %arg1[%get3A] : memref<256xi32, #tpu.memory_space<smem>>
    %c0_i32 = arith.constant 0 : i32
    %c0_i32_3 = arith.constant 0 : i32
    %c0_i32_4 = arith.constant 0 : i32
    return %get3A_2, %c0_i32, %c0_i32_3 : i32, i32, i32
  }
  func.func @transform_8(%arg0: i32, %arg1: memref<256xi32, #tpu.memory_space<smem>>) -> (i32, i32, i32) {
    %mul3A = arith.constant 32 : i32
    %mul3A_0 = arith.muli %mul3A, %arg0 : i32
    %add3A = arith.constant 8 : i32
    %add3A_1 = arith.addi %mul3A_0, %add3A : i32
    %get3A = arith.index_cast %add3A_1 : i32 to index
    %get3A_2 = memref.load %arg1[%get3A] : memref<256xi32, #tpu.memory_space<smem>>
    %c0_i32 = arith.constant 0 : i32
    %c0_i32_3 = arith.constant 0 : i32
    %c0_i32_4 = arith.constant 0 : i32
    return %get3A_2, %c0_i32, %c0_i32_3 : i32, i32, i32
  }
  func.func @transform_9(%arg0: i32, %arg1: memref<256xi32, #tpu.memory_space<smem>>) -> (i32, i32, i32) {
    %mul3A = arith.constant 32 : i32
    %mul3A_0 = arith.muli %mul3A, %arg0 : i32
    %add3A = arith.constant 9 : i32
    %add3A_1 = arith.addi %mul3A_0, %add3A : i32
    %get3A = arith.index_cast %add3A_1 : i32 to index
    %get3A_2 = memref.load %arg1[%get3A] : memref<256xi32, #tpu.memory_space<smem>>
    %c0_i32 = arith.constant 0 : i32
    %c0_i32_3 = arith.constant 0 : i32
    %c0_i32_4 = arith.constant 0 : i32
    return %get3A_2, %c0_i32, %c0_i32_3 : i32, i32, i32
  }
  func.func @transform_10(%arg0: i32, %arg1: memref<256xi32, #tpu.memory_space<smem>>) -> (i32, i32, i32) {
    %mul3A = arith.constant 32 : i32
    %mul3A_0 = arith.muli %mul3A, %arg0 : i32
    %add3A = arith.constant 10 : i32
    %add3A_1 = arith.addi %mul3A_0, %add3A : i32
    %get3A = arith.index_cast %add3A_1 : i32 to index
    %get3A_2 = memref.load %arg1[%get3A] : memref<256xi32, #tpu.memory_space<smem>>
    %c0_i32 = arith.constant 0 : i32
    %c0_i32_3 = arith.constant 0 : i32
    %c0_i32_4 = arith.constant 0 : i32
    return %get3A_2, %c0_i32, %c0_i32_3 : i32, i32, i32
  }
  func.func @transform_11(%arg0: i32, %arg1: memref<256xi32, #tpu.memory_space<smem>>) -> (i32, i32, i32) {
    %mul3A = arith.constant 32 : i32
    %mul3A_0 = arith.muli %mul3A, %arg0 : i32
    %add3A = arith.constant 11 : i32
    %add3A_1 = arith.addi %mul3A_0, %add3A : i32
    %get3A = arith.index_cast %add3A_1 : i32 to index
    %get3A_2 = memref.load %arg1[%get3A] : memref<256xi32, #tpu.memory_space<smem>>
    %c0_i32 = arith.constant 0 : i32
    %c0_i32_3 = arith.constant 0 : i32
    %c0_i32_4 = arith.constant 0 : i32
    return %get3A_2, %c0_i32, %c0_i32_3 : i32, i32, i32
  }
  func.func @transform_12(%arg0: i32, %arg1: memref<256xi32, #tpu.memory_space<smem>>) -> (i32, i32, i32) {
    %mul3A = arith.constant 32 : i32
    %mul3A_0 = arith.muli %mul3A, %arg0 : i32
    %add3A = arith.constant 12 : i32
    %add3A_1 = arith.addi %mul3A_0, %add3A : i32
    %get3A = arith.index_cast %add3A_1 : i32 to index
    %get3A_2 = memref.load %arg1[%get3A] : memref<256xi32, #tpu.memory_space<smem>>
    %c0_i32 = arith.constant 0 : i32
    %c0_i32_3 = arith.constant 0 : i32
    %c0_i32_4 = arith.constant 0 : i32
    return %get3A_2, %c0_i32, %c0_i32_3 : i32, i32, i32
  }
  func.func @transform_13(%arg0: i32, %arg1: memref<256xi32, #tpu.memory_space<smem>>) -> (i32, i32, i32) {
    %mul3A = arith.constant 32 : i32
    %mul3A_0 = arith.muli %mul3A, %arg0 : i32
    %add3A = arith.constant 13 : i32
    %add3A_1 = arith.addi %mul3A_0, %add3A : i32
    %get3A = arith.index_cast %add3A_1 : i32 to index
    %get3A_2 = memref.load %arg1[%get3A] : memref<256xi32, #tpu.memory_space<smem>>
    %c0_i32 = arith.constant 0 : i32
    %c0_i32_3 = arith.constant 0 : i32
    %c0_i32_4 = arith.constant 0 : i32
    return %get3A_2, %c0_i32, %c0_i32_3 : i32, i32, i32
  }
  func.func @transform_14(%arg0: i32, %arg1: memref<256xi32, #tpu.memory_space<smem>>) -> (i32, i32, i32) {
    %mul3A = arith.constant 32 : i32
    %mul3A_0 = arith.muli %mul3A, %arg0 : i32
    %add3A = arith.constant 14 : i32
    %add3A_1 = arith.addi %mul3A_0, %add3A : i32
    %get3A = arith.index_cast %add3A_1 : i32 to index
    %get3A_2 = memref.load %arg1[%get3A] : memref<256xi32, #tpu.memory_space<smem>>
    %c0_i32 = arith.constant 0 : i32
    %c0_i32_3 = arith.constant 0 : i32
    %c0_i32_4 = arith.constant 0 : i32
    return %get3A_2, %c0_i32, %c0_i32_3 : i32, i32, i32
  }
  func.func @transform_15(%arg0: i32, %arg1: memref<256xi32, #tpu.memory_space<smem>>) -> (i32, i32, i32) {
    %mul3A = arith.constant 32 : i32
    %mul3A_0 = arith.muli %mul3A, %arg0 : i32
    %add3A = arith.constant 15 : i32
    %add3A_1 = arith.addi %mul3A_0, %add3A : i32
    %get3A = arith.index_cast %add3A_1 : i32 to index
    %get3A_2 = memref.load %arg1[%get3A] : memref<256xi32, #tpu.memory_space<smem>>
    %c0_i32 = arith.constant 0 : i32
    %c0_i32_3 = arith.constant 0 : i32
    %c0_i32_4 = arith.constant 0 : i32
    return %get3A_2, %c0_i32, %c0_i32_3 : i32, i32, i32
  }
  func.func @transform_16(%arg0: i32, %arg1: memref<256xi32, #tpu.memory_space<smem>>) -> (i32, i32, i32) {
    %mul3A = arith.constant 32 : i32
    %mul3A_0 = arith.muli %mul3A, %arg0 : i32
    %add3A = arith.constant 16 : i32
    %add3A_1 = arith.addi %mul3A_0, %add3A : i32
    %get3A = arith.index_cast %add3A_1 : i32 to index
    %get3A_2 = memref.load %arg1[%get3A] : memref<256xi32, #tpu.memory_space<smem>>
    %c0_i32 = arith.constant 0 : i32
    %c0_i32_3 = arith.constant 0 : i32
    %c0_i32_4 = arith.constant 0 : i32
    return %get3A_2, %c0_i32, %c0_i32_3 : i32, i32, i32
  }
  func.func @transform_17(%arg0: i32, %arg1: memref<256xi32, #tpu.memory_space<smem>>) -> (i32, i32, i32) {
    %mul3A = arith.constant 32 : i32
    %mul3A_0 = arith.muli %mul3A, %arg0 : i32
    %add3A = arith.constant 17 : i32
    %add3A_1 = arith.addi %mul3A_0, %add3A : i32
    %get3A = arith.index_cast %add3A_1 : i32 to index
    %get3A_2 = memref.load %arg1[%get3A] : memref<256xi32, #tpu.memory_space<smem>>
    %c0_i32 = arith.constant 0 : i32
    %c0_i32_3 = arith.constant 0 : i32
    %c0_i32_4 = arith.constant 0 : i32
    return %get3A_2, %c0_i32, %c0_i32_3 : i32, i32, i32
  }
  func.func @transform_18(%arg0: i32, %arg1: memref<256xi32, #tpu.memory_space<smem>>) -> (i32, i32, i32) {
    %mul3A = arith.constant 32 : i32
    %mul3A_0 = arith.muli %mul3A, %arg0 : i32
    %add3A = arith.constant 18 : i32
    %add3A_1 = arith.addi %mul3A_0, %add3A : i32
    %get3A = arith.index_cast %add3A_1 : i32 to index
    %get3A_2 = memref.load %arg1[%get3A] : memref<256xi32, #tpu.memory_space<smem>>
    %c0_i32 = arith.constant 0 : i32
    %c0_i32_3 = arith.constant 0 : i32
    %c0_i32_4 = arith.constant 0 : i32
    return %get3A_2, %c0_i32, %c0_i32_3 : i32, i32, i32
  }
  func.func @transform_19(%arg0: i32, %arg1: memref<256xi32, #tpu.memory_space<smem>>) -> (i32, i32, i32) {
    %mul3A = arith.constant 32 : i32
    %mul3A_0 = arith.muli %mul3A, %arg0 : i32
    %add3A = arith.constant 19 : i32
    %add3A_1 = arith.addi %mul3A_0, %add3A : i32
    %get3A = arith.index_cast %add3A_1 : i32 to index
    %get3A_2 = memref.load %arg1[%get3A] : memref<256xi32, #tpu.memory_space<smem>>
    %c0_i32 = arith.constant 0 : i32
    %c0_i32_3 = arith.constant 0 : i32
    %c0_i32_4 = arith.constant 0 : i32
    return %get3A_2, %c0_i32, %c0_i32_3 : i32, i32, i32
  }
  func.func @transform_20(%arg0: i32, %arg1: memref<256xi32, #tpu.memory_space<smem>>) -> (i32, i32, i32) {
    %mul3A = arith.constant 32 : i32
    %mul3A_0 = arith.muli %mul3A, %arg0 : i32
    %add3A = arith.constant 20 : i32
    %add3A_1 = arith.addi %mul3A_0, %add3A : i32
    %get3A = arith.index_cast %add3A_1 : i32 to index
    %get3A_2 = memref.load %arg1[%get3A] : memref<256xi32, #tpu.memory_space<smem>>
    %c0_i32 = arith.constant 0 : i32
    %c0_i32_3 = arith.constant 0 : i32
    %c0_i32_4 = arith.constant 0 : i32
    return %get3A_2, %c0_i32, %c0_i32_3 : i32, i32, i32
  }
  func.func @transform_21(%arg0: i32, %arg1: memref<256xi32, #tpu.memory_space<smem>>) -> (i32, i32, i32) {
    %mul3A = arith.constant 32 : i32
    %mul3A_0 = arith.muli %mul3A, %arg0 : i32
    %add3A = arith.constant 21 : i32
    %add3A_1 = arith.addi %mul3A_0, %add3A : i32
    %get3A = arith.index_cast %add3A_1 : i32 to index
    %get3A_2 = memref.load %arg1[%get3A] : memref<256xi32, #tpu.memory_space<smem>>
    %c0_i32 = arith.constant 0 : i32
    %c0_i32_3 = arith.constant 0 : i32
    %c0_i32_4 = arith.constant 0 : i32
    return %get3A_2, %c0_i32, %c0_i32_3 : i32, i32, i32
  }
  func.func @transform_22(%arg0: i32, %arg1: memref<256xi32, #tpu.memory_space<smem>>) -> (i32, i32, i32) {
    %mul3A = arith.constant 32 : i32
    %mul3A_0 = arith.muli %mul3A, %arg0 : i32
    %add3A = arith.constant 22 : i32
    %add3A_1 = arith.addi %mul3A_0, %add3A : i32
    %get3A = arith.index_cast %add3A_1 : i32 to index
    %get3A_2 = memref.load %arg1[%get3A] : memref<256xi32, #tpu.memory_space<smem>>
    %c0_i32 = arith.constant 0 : i32
    %c0_i32_3 = arith.constant 0 : i32
    %c0_i32_4 = arith.constant 0 : i32
    return %get3A_2, %c0_i32, %c0_i32_3 : i32, i32, i32
  }
  func.func @transform_23(%arg0: i32, %arg1: memref<256xi32, #tpu.memory_space<smem>>) -> (i32, i32, i32) {
    %mul3A = arith.constant 32 : i32
    %mul3A_0 = arith.muli %mul3A, %arg0 : i32
    %add3A = arith.constant 23 : i32
    %add3A_1 = arith.addi %mul3A_0, %add3A : i32
    %get3A = arith.index_cast %add3A_1 : i32 to index
    %get3A_2 = memref.load %arg1[%get3A] : memref<256xi32, #tpu.memory_space<smem>>
    %c0_i32 = arith.constant 0 : i32
    %c0_i32_3 = arith.constant 0 : i32
    %c0_i32_4 = arith.constant 0 : i32
    return %get3A_2, %c0_i32, %c0_i32_3 : i32, i32, i32
  }
  func.func @transform_24(%arg0: i32, %arg1: memref<256xi32, #tpu.memory_space<smem>>) -> (i32, i32, i32) {
    %mul3A = arith.constant 32 : i32
    %mul3A_0 = arith.muli %mul3A, %arg0 : i32
    %add3A = arith.constant 24 : i32
    %add3A_1 = arith.addi %mul3A_0, %add3A : i32
    %get3A = arith.index_cast %add3A_1 : i32 to index
    %get3A_2 = memref.load %arg1[%get3A] : memref<256xi32, #tpu.memory_space<smem>>
    %c0_i32 = arith.constant 0 : i32
    %c0_i32_3 = arith.constant 0 : i32
    %c0_i32_4 = arith.constant 0 : i32
    return %get3A_2, %c0_i32, %c0_i32_3 : i32, i32, i32
  }
  func.func @transform_25(%arg0: i32, %arg1: memref<256xi32, #tpu.memory_space<smem>>) -> (i32, i32, i32) {
    %mul3A = arith.constant 32 : i32
    %mul3A_0 = arith.muli %mul3A, %arg0 : i32
    %add3A = arith.constant 25 : i32
    %add3A_1 = arith.addi %mul3A_0, %add3A : i32
    %get3A = arith.index_cast %add3A_1 : i32 to index
    %get3A_2 = memref.load %arg1[%get3A] : memref<256xi32, #tpu.memory_space<smem>>
    %c0_i32 = arith.constant 0 : i32
    %c0_i32_3 = arith.constant 0 : i32
    %c0_i32_4 = arith.constant 0 : i32
    return %get3A_2, %c0_i32, %c0_i32_3 : i32, i32, i32
  }
  func.func @transform_26(%arg0: i32, %arg1: memref<256xi32, #tpu.memory_space<smem>>) -> (i32, i32, i32) {
    %mul3A = arith.constant 32 : i32
    %mul3A_0 = arith.muli %mul3A, %arg0 : i32
    %add3A = arith.constant 26 : i32
    %add3A_1 = arith.addi %mul3A_0, %add3A : i32
    %get3A = arith.index_cast %add3A_1 : i32 to index
    %get3A_2 = memref.load %arg1[%get3A] : memref<256xi32, #tpu.memory_space<smem>>
    %c0_i32 = arith.constant 0 : i32
    %c0_i32_3 = arith.constant 0 : i32
    %c0_i32_4 = arith.constant 0 : i32
    return %get3A_2, %c0_i32, %c0_i32_3 : i32, i32, i32
  }
  func.func @transform_27(%arg0: i32, %arg1: memref<256xi32, #tpu.memory_space<smem>>) -> (i32, i32, i32) {
    %mul3A = arith.constant 32 : i32
    %mul3A_0 = arith.muli %mul3A, %arg0 : i32
    %add3A = arith.constant 27 : i32
    %add3A_1 = arith.addi %mul3A_0, %add3A : i32
    %get3A = arith.index_cast %add3A_1 : i32 to index
    %get3A_2 = memref.load %arg1[%get3A] : memref<256xi32, #tpu.memory_space<smem>>
    %c0_i32 = arith.constant 0 : i32
    %c0_i32_3 = arith.constant 0 : i32
    %c0_i32_4 = arith.constant 0 : i32
    return %get3A_2, %c0_i32, %c0_i32_3 : i32, i32, i32
  }
  func.func @transform_28(%arg0: i32, %arg1: memref<256xi32, #tpu.memory_space<smem>>) -> (i32, i32, i32) {
    %mul3A = arith.constant 32 : i32
    %mul3A_0 = arith.muli %mul3A, %arg0 : i32
    %add3A = arith.constant 28 : i32
    %add3A_1 = arith.addi %mul3A_0, %add3A : i32
    %get3A = arith.index_cast %add3A_1 : i32 to index
    %get3A_2 = memref.load %arg1[%get3A] : memref<256xi32, #tpu.memory_space<smem>>
    %c0_i32 = arith.constant 0 : i32
    %c0_i32_3 = arith.constant 0 : i32
    %c0_i32_4 = arith.constant 0 : i32
    return %get3A_2, %c0_i32, %c0_i32_3 : i32, i32, i32
  }
  func.func @transform_29(%arg0: i32, %arg1: memref<256xi32, #tpu.memory_space<smem>>) -> (i32, i32, i32) {
    %mul3A = arith.constant 32 : i32
    %mul3A_0 = arith.muli %mul3A, %arg0 : i32
    %add3A = arith.constant 29 : i32
    %add3A_1 = arith.addi %mul3A_0, %add3A : i32
    %get3A = arith.index_cast %add3A_1 : i32 to index
    %get3A_2 = memref.load %arg1[%get3A] : memref<256xi32, #tpu.memory_space<smem>>
    %c0_i32 = arith.constant 0 : i32
    %c0_i32_3 = arith.constant 0 : i32
    %c0_i32_4 = arith.constant 0 : i32
    return %get3A_2, %c0_i32, %c0_i32_3 : i32, i32, i32
  }
  func.func @transform_30(%arg0: i32, %arg1: memref<256xi32, #tpu.memory_space<smem>>) -> (i32, i32, i32) {
    %mul3A = arith.constant 32 : i32
    %mul3A_0 = arith.muli %mul3A, %arg0 : i32
    %add3A = arith.constant 30 : i32
    %add3A_1 = arith.addi %mul3A_0, %add3A : i32
    %get3A = arith.index_cast %add3A_1 : i32 to index
    %get3A_2 = memref.load %arg1[%get3A] : memref<256xi32, #tpu.memory_space<smem>>
    %c0_i32 = arith.constant 0 : i32
    %c0_i32_3 = arith.constant 0 : i32
    %c0_i32_4 = arith.constant 0 : i32
    return %get3A_2, %c0_i32, %c0_i32_3 : i32, i32, i32
  }
  func.func @transform_31(%arg0: i32, %arg1: memref<256xi32, #tpu.memory_space<smem>>) -> (i32, i32, i32) {
    %mul3A = arith.constant 32 : i32
    %mul3A_0 = arith.muli %mul3A, %arg0 : i32
    %add3A = arith.constant 31 : i32
    %add3A_1 = arith.addi %mul3A_0, %add3A : i32
    %get3A = arith.index_cast %add3A_1 : i32 to index
    %get3A_2 = memref.load %arg1[%get3A] : memref<256xi32, #tpu.memory_space<smem>>
    %c0_i32 = arith.constant 0 : i32
    %c0_i32_3 = arith.constant 0 : i32
    %c0_i32_4 = arith.constant 0 : i32
    return %get3A_2, %c0_i32, %c0_i32_3 : i32, i32, i32
  }
  func.func @transform_32(%arg0: i32, %arg1: memref<256xi32, #tpu.memory_space<smem>>) -> (i32, i32, i32) {
    %c0_i32 = arith.constant 0 : i32
    %c0_i32_0 = arith.constant 0 : i32
    %c0_i32_1 = arith.constant 0 : i32
    return %arg0, %c0_i32, %c0_i32_0 : i32, i32, i32
  }
  func.func @transform_33(%arg0: i32, %arg1: memref<256xi32, #tpu.memory_space<smem>>) -> (i32, i32, i32) {
    %c0_i32 = arith.constant 0 : i32
    %c0_i32_0 = arith.constant 0 : i32
    %c0_i32_1 = arith.constant 0 : i32
    return %arg0, %c0_i32, %c0_i32_0 : i32, i32, i32
  }
}

</mosaic_0001>

<sc_bundles>
// kernel: kernel.6.cloned.1.call-start
scs
__scs_entry_jumppad:
0x0: {  	(pc) =	sbr.rel $0x88, $3  }
0x1: {  	(tag) =	ssettag $0x0;
	lr =	simm.s32 $0x1  }
0x2: {  	[smem:$0x3F9D] =	sst lr;
	_ =	strace $0xD0000000  }
0x3: {  	_ = 	snop  }
0x4: {  	_ = 	snop  }
0x5: {  	_ = 	snop  }
0x6: {  	_ = 	snop  }
0x7: {  	_ = 	snop  }
__scs_overlays_trampoline_lowered:
0x8: {  	[smem:$0x3FAC] =	sst s0  }
0x9: {  	[smem:$0x3FAD] =	sst s1  }
0xa: {  	[smem:$0x3FAE] =	sst s2  }
0xb: {  	[smem:$0x3FAF] =	sst s3  }
0xc: {  	[smem:$0x3FB0] =	sst s4  }
0xd: {  	[smem:$0x3FB1] =	sst s5  }
0xe: {  	[smem:$0x3FB2] =	sst s6  }
0xf: {  	[smem:$0x3FB3] =	sst s7  }
0x10: {  	[smem:$0x3FB4] =	sst s8  }
0x11: {  	[smem:$0x3FB5] =	sst s9;
	s0 =	simm.s32 @!p0 $0x0  }
0x12: {  	s1 =	sld [smem:$0x3F9B];
	s0 =	simm.s32 @p0 $0x1  }
0x13: {  	[smem:$0x3FB6] =	sst s0;
	s0 =	simm.s32 @!p1 $0x0  }
0x14: {  	s2 =	sld [smem:$0x3F9A];
	s0 =	simm.s32 @p1 $0x1  }
0x15: {  	[smem:$0x3FB7] =	sst s0;
	s0 =	simm.s32 @!p2 $0x0  }
0x16: {  	s3 =	sld [smem:$0x3FDB];
	s0 =	simm.s32 @p2 $0x1  }
0x17: {  	s4 =	simm.s32 $0x1BF5;
	[smem:$0x3FB9] =	sst s0  }
0x18: {  	s0 =	sld [smem:$0x3F9C];
	_ =	swait.ge [sflag:s4], $0x0  }
0x19: {  	s7 =	sld [smem:$0x3F9D]  }
0x1a: {  	s8 =	sadd.s32 $0xFFFFE003, lr  }
0x1b: {  	s9 =	sadd.s32 $0xFFFFFEF7, lr;
	s5 =	simm.s32 $0xFFFFFFFF;
	p2 =	slt.u32 s8, $0xFFFFF086  }
0x1c: {  	p1 =	slt.u32 s9, $0xF7A;
	s5 =	simm.s32 @!p2 $0x0  }
0x1d: {  	s5 =	simm.s32 @p1 $0x1;
	p0 =	seq.s32 s7, s2  }
0x1e: {  	s7 =	smul.u32 @!p0 $0xF7A, s2;
	p2 =	seq.s32 @!p0 s5, $0x0  }
0x1f: {  	s9 =	smul.u32 $0xF7A, s1;
	s8 =	simm.s32 @!p0 $0x1BF5;
	p2 =	por !p2, p0  }
0x20: {  	[sflag:s8] =	ssyncset.s32 @!p0 $0xFFFFF086;
	s6 =	sadd.s32 @!p0 s3, s7;
	s7 =	simm.s32 @!p0 $0x108  }
0x21: {  	s3 =	sadd.s32 s3, s9;
	s6 =	sadd.s32 @!p0 $0x88, s6;
	s7 =	simm.s32 @p2 $0x1082  }
0x22: {  	[simem:s7], [sflag:s8] =	dma.local @!p0 [hbm:s6], $0xF7A  }
0x23: {  	s9 =	sor.u32 $0xD0000000, s2;
	s6 =	simm.s32 $0x108;
	_ =	swait.ge @!p0 [sflag:s8], $0x0  }
0x24: {  	s3 =	sadd.s32 $0x88, s3;
	s6 =	simm.s32 @!p1 $0x1082;
	[sflag:s4] =	ssyncset.s32 $0xFFFFF086  }
0x25: {  	[simem:s6], [sflag:s4] =	dma.local [hbm:s3], $0xF7A  }
0x26: {  	[smem:$0x3F9D] =	sst s1;
	(tag) =	ssettag s2;
	_ =	strace s9  }
0x27: {  	s1 =	sld [smem:$0x3FAD]  }
0x28: {  	s2 =	sld [smem:$0x3FAE]  }
0x29: {  	s4 =	sld [smem:$0x3FB0]  }
0x2a: {  	p0 =	seq.s32 s5, $0x0;
	s5 =	sld [smem:$0x3FB1]  }
0x2b: {  	s6 =	sld [smem:$0x3FB2]  }
0x2c: {  	s7 =	sld [smem:$0x3FB3]  }
0x2d: {  	s3 =	simm.s32 $0x108;
	s8 =	sld [smem:$0x3FB4]  }
0x2e: {  	s3 =	simm.s32 @!p0 $0x1082;
	s9 =	sld [smem:$0x3FB5]  }
0x2f: {  	lr =	sadd.s32 s0, s3;
	s0 =	sld [smem:$0x3FAC]  }
0x30: {  	s3 =	sld [smem:$0x3FAF]  }
0x31: {  	[smem:$0x3FB8] =	sst s10  }
0x32: {  	s10 =	sld [smem:$0x3FB6];
	_ =	sdelay $0x3  }
0x33: {  	p0 =	seq.s32 s10, $0x1;
	s10 =	sld [smem:$0x3FB8];
	_ =	sdelay $0x3  }
0x34: {  	[smem:$0x3FB8] =	sst s10  }
0x35: {  	s10 =	sld [smem:$0x3FB7];
	_ =	sdelay $0x3  }
0x36: {  	p1 =	seq.s32 s10, $0x1;
	s10 =	sld [smem:$0x3FB8];
	_ =	sdelay $0x3  }
0x37: {  	[smem:$0x3FB8] =	sst s10  }
0x38: {  	s10 =	sld [smem:$0x3FB9]  }
0x39: {  	_ = 	snop;
	(pc) =	sbr.ind lr, $3  }
0x3a: {  	_ = 	snop  }
0x3b: {  	_ = 	snop  }
0x3c: {  	p2 =	seq.s32 s10, $0x1;
	s10 =	sld [smem:$0x3FB8]  }
0x3d: {  	_ =	shalt  }
0x3e: {  	_ =	shalt  }
0x3f: {  	_ =	shalt  }
0x40: {  	_ =	shalt  }
0x41: {  	_ =	shalt  }
0x42: {  	_ =	shalt  }
0x43: {  	_ =	shalt  }
0x44: {  	_ =	shalt  }
0x45: {  	_ =	shalt  }
0x46: {  	_ =	shalt  }
0x47: {  	_ =	shalt  }
0x48: {  	_ =	shalt  }
0x49: {  	_ =	shalt  }
0x4a: {  	_ =	shalt  }
0x4b: {  	_ =	shalt  }
0x4c: {  	_ =	shalt  }
0x4d: {  	_ =	shalt  }
0x4e: {  	_ =	shalt  }
0x4f: {  	_ =	shalt  }
0x50: {  	_ =	shalt  }
0x51: {  	_ =	shalt  }
0x52: {  	_ =	shalt  }
0x53: {  	_ =	shalt  }
0x54: {  	_ =	shalt  }
0x55: {  	_ =	shalt  }
0x56: {  	_ =	shalt  }
0x57: {  	_ =	shalt  }
0x58: {  	_ =	shalt  }
0x59: {  	_ =	shalt  }
0x5a: {  	_ =	shalt  }
0x5b: {  	_ =	shalt  }
0x5c: {  	_ =	shalt  }
0x5d: {  	_ =	shalt  }
0x5e: {  	_ =	shalt  }
0x5f: {  	_ =	shalt  }
0x60: {  	_ =	shalt  }
0x61: {  	_ =	shalt  }
0x62: {  	_ =	shalt  }
0x63: {  	_ =	shalt  }
0x64: {  	_ =	shalt  }
0x65: {  	_ =	shalt  }
0x66: {  	_ =	shalt  }
0x67: {  	_ =	shalt  }
0x68: {  	_ =	shalt  }
0x69: {  	_ =	shalt  }
0x6a: {  	_ =	shalt  }
0x6b: {  	_ =	shalt  }
0x6c: {  	_ =	shalt  }
0x6d: {  	_ =	shalt  }
0x6e: {  	_ =	shalt  }
0x6f: {  	_ =	shalt  }
0x70: {  	_ =	shalt  }
0x71: {  	_ =	shalt  }
0x72: {  	_ =	shalt  }
0x73: {  	_ =	shalt  }
0x74: {  	_ =	shalt  }
0x75: {  	_ =	shalt  }
0x76: {  	_ =	shalt  }
0x77: {  	_ =	shalt  }
0x78: {  	_ =	shalt  }
0x79: {  	_ =	shalt  }
0x7a: {  	_ =	shalt  }
0x7b: {  	_ =	shalt  }
0x7c: {  	_ =	shalt  }
0x7d: {  	_ =	shalt  }
0x7e: {  	_ =	shalt  }
0x7f: {  	_ =	shalt  }
0x80: {  	_ =	shalt  }
0x81: {  	_ =	shalt  }
0x82: {  	_ =	shalt  }
0x83: {  	_ =	shalt  }
0x84: {  	_ =	shalt  }
0x85: {  	_ =	shalt  }
0x86: {  	_ =	shalt  }
0x87: {  	_ =	shalt  }
.Lfunc_end0:
.L_simem_size_0:
called_computation_lowered:
.L_overlay_start_0:
0x88: {  	s2 =	sld [smem:$0x3FD9]  }
0x89: {  	s3 =	sld [smem:$0x3FFE];
	_ =	sdelay $0x1  }
0x8a: {  	s1 =	srdreg.scid  }
0x8b: {  	s0 =	sand.u32 $0x1, s1  }
0x8c: {  	s14 =	sshll.u32 s0, $0xA;
	s2 =	sadd.s32 s3, s2  }
0x8d: {  	s2 =	sadd.s32 s2, s14  }
0x8e: {  	[smem:$0x3FC4] =	sst s2  }
0x8f: {  	_ = 	snop  }
0x90: {  	s2 =	sld [smem:$0x3FD0];
	_ =	sdelay $0x2  }
0x91: {  	s4 =	simm.s32 $0xA;
	s5 =	simm.s32 $0x10;
	s15 =	sld [smem:$0x3FC6]  }
0x92: {  	[smem:s5], [sflag:s4] =	dma.local [hbm:s2], $0x1  }
0x93: {  	_ =	swait.eq [sflag:s4], $0x1  }
0x94: {  	[sflag:s4] =	ssyncset.done $0x0  }
0x95: {  	[sflag:s4] =	ssyncadd.s32 $0xFFFFFFFF  }
0x96: {  	s16 =	sld [smem:$0x13];
	(tm) =	ssettm $0x1  }
0x97: {  	s17 =	sld [smem:$0x3FFB];
	_ =	sdelay $0x3  }
0x98: {  	_ =	strace s17  }
0x99: {  	s4 =	sld [smem:$0x3FFC];
	_ =	sdelay $0x3  }
0x9a: {  	_ =	strace s4  }
0x9b: {  	s4 =	sld [smem:$0x3FFD];
	_ =	sdelay $0x3  }
0x9c: {  	_ =	strace s4  }
0x9d: {  	_ =	strace $0x8FFFFFFF  }
0x9e: {  	s18 =	sld [smem:$0x3FDB];
	_ =	sdelay $0x1  }
0x9f: {  	s19 =	simm.s32 $_scs_section_size  }
0xa0: {  	s6 =	simm.s32 $_size__tile_overlayer_lowered;
	s7 =	simm.s32 $_tile_overlayer_lowered  }
0xa1: {  	s22 =	simm.s32 $0x1BFF;
	s21 =	sshll.u32 s7, $0x1;
	s4 =	sadd.s32 s19, s18  }
0xa2: {  	s8 =	simm.s32 $0x0;
	s20 =	sshll.u32 s6, $0x1;
	s6 =	sadd.s32 s21, s4  }
0xa3: {  	[timem:s8], [sflag:s22] =	dma.local [hbm:s6], s20  }
0xa4: {  	_ =	swait.ge [sflag:s22], s20  }
0xa5: {  	s5 =	ssub.s32 $0x0, s20;
	[sflag:s22] =	ssyncset.done $0x0  }
0xa6: {  	[sflag:s22] =	ssyncadd.s32 s5;
	_ =	sdelay $0x1  }
0xa7: {  	s23 =	simm.s32 $0x1B8B  }
0xa8: {  	_ =	swait.ge [sflag:s23], $0x1  }
0xa9: {  	[sflag:s23] =	ssyncset.done $0x0  }
0xaa: {  	s25 =	simm.s32 $0x1B8E;
	s24 =	sld [smem:$0x3FFE];
	[sflag:s23] =	ssyncadd.s32 $0xFFFFFFFF  }
0xab: {  	s26 =	simm.s32 $execute0_lowered;
	[smem:$0x3FD2] =	sst s25  }
0xac: {  	s6 =	sshll.u32 s26, $0x1;
	_ =	strace $0x80000046;
	[dreg:$0x1] =	wrdreg $0xFFFFFFFF  }
0xad: {  	s28 =	simm.s32 $_size_execute0_lowered;
	s4 =	sadd.s32 s4, s6;
	[dreg:$0x0] =	wrdreg $0x0  }
0xae: {  	s6 =	sshll.u32 s28, $0x1;
	[dreg:$0x2] =	wrdreg s4  }
0xaf: {  	[dreg:$0x3] =	wrdreg s6  }
0xb0: {  	[dreg:$0x4] =	wrdreg $0xC0  }
0xb1: {  	_ =	task [dreg:s8], $0x5FFFF  }
0xb2: {  	[dreg:$0x1] =	wrdreg $0xFFFFFFFF  }
0xb3: {  	[dreg:$0x0] =	wrdreg $0x60  }
0xb4: {  	[dreg:$0x2] =	wrdreg s15  }
0xb5: {  	[dreg:$0x3] =	wrdreg s24  }
0xb6: {  	[dreg:$0x4] =	wrdreg s16  }
0xb7: {  	[dreg:$0x5] =	wrdreg $0x43300  }
0xb8: {  	[dreg:$0x6] =	wrdreg $0x9  }
0xb9: {  	_ =	task.clear_ibuf [dreg:s8], $0x7FFFF;
	_ =	strace $0x90000046  }
0xba: {  	s29 =	simm.s32 $0x9;
	_ =	strace $0x80000048  }
0xbb: {  	_ =	swait.ge [sflag:s29], $0x1  }
0xbc: {  	[sflag:s29] =	ssyncadd.s32 $0xFFFFFFFF  }
0xbd: {  	_ =	strace $0x90000048  }
0xbe: {  	_ =	sfence  }
0xbf: {  	s30 =	sld [smem:$0x0];
	_ =	sdelay $0x2  }
0xc0: {  	s31 =	sshll.u32 s1, $0xD;
	s1 =	sshrl.u32 s1, $0x2  }
0xc1: {  	s3 =	sand.u32 $0x4000, s31;
	s1 =	sadd.s32 s1, s30  }
0xc2: {  	s0 =	sor.u32 s3, s0;
	s1 =	sshll.u32 s1, $0x11  }
0xc3: {  	s0 =	sor.u32 s1, s0  }
0xc4: {  	s0 =	sadd.s32 $0x8F2B, s0  }
0xc5: {  	[sflag:s0] =	ssyncadd.remote.s32 $0x1  }
0xc6: {  	_ =	sfence.sel $0xFFFF  }
0xc7: {  	[dreg:$0x0] =	wrdreg $0xFFFFFFFF;
	(pc) =	sbr.abs _section_cstart, $3  }
0xc8: {  	[dreg:$0x1] =	wrdreg $0xFFFFFFFF  }
0xc9: {  	_ =	task.clear_ibuf [dreg:s8], $0x2FFFF;
	_ =	strace $0x9FFFFFFF  }
0xca: {  	(tm) =	ssettm $0x7FFFFFFF  }
0xcb: {  	_ =	shalt  }
tec
execute0_lowered:
.L_overlay_start_1:
0x0: {  	(tag) =	ssettag $0x1  }
0x1: {  	s2 =	srdreg.scid  }
0x2: {  	s2 =	sand.u32 $0x1, s2  }
0x3: {  	s7 =	rddreg [dreg:$0x0];
	p0 =	seq.s32 s2, $0x1  }
.Ltmp0:
0x4: {  	s4 =	rddreg [dreg:$0x1];
	(pc) =	sbr.rel @p0 .LBB2_2-.Ltmp0, $4  }
0x5: {  	s1 =	rddreg [dreg:$0x2]  }
0x6: {  	s6 =	rddreg [dreg:$0x3];
	s5 =	simm.s32 $0x0  }
0x7: {  	[smem:$0x7FF] =	sst s5  }
0x8: {  	s0 =	rddreg [dreg:$0x4];
	_ =	strace $0x80000047;
	s2 =	stileid.u32  }
0x9: {  	s8 =	sshll.u32 s2, $0xB  }
0xa: {  	s9 =	simm.s32 $0x330;
	s21 =	simm.s32 $0x2;
	s3 =	sadd.s32 s7, s8  }
0xb: {  	[tilespmem:s9], [sflag:$0x2] =	stream.linear.gather [hbm4b:s3+s5], $0x4000, $0x38;
	[tilespmem:$0x8330] =	vst v63  }
0xc: {  	_ =	swait.ge [sflag:s21], $0x4000  }
0xd: {  	[sflag:s21] =	ssyncset.done $0x0  }
0xe: {  	s8 =	sadd.s32 s1, s8;
	[sflag:s21] =	ssyncadd.s32 $0xFFFFC000  }
0xf: {  	[hbm4b:s8+s5] =	stream.linear.scatter [tilespmem:s9], [sflag:$0x2], $0x4000, $0x38;
	[tilespmem:$0x8330] =	vst v63  }
0x10: {  	_ =	swait.ge [sflag:s21], $0x4000  }
0x11: {  	s22 =	sadd.s32 $0x800, s4;
	s23 =	sshll.u32 s2, $0x1;
	[sflag:s21] =	ssyncset.done $0x0  }
0x12: {  	s8 =	sadd.s32 s22, s23;
	[sflag:s21] =	ssyncadd.s32 $0xFFFFC000  }
0x13: {  	[tilespmem:s5], [sflag:$0x2] =	stream.linear.gather [hbm4b:s8+s5], $0x10, $0x38;
	[tilespmem:$0x8330] =	vst v63  }
0x14: {  	_ =	swait.ge [sflag:s21], $0x10  }
0x15: {  	s24 =	sadd.s32 $0xA00, s4;
	[sflag:s21] =	ssyncset.done $0x0  }
0x16: {  	s25 =	simm.s32 $0x20;
	s4 =	sadd.s32 s24, s23;
	[sflag:s21] =	ssyncadd.s32 $0xFFFFFFF0  }
0x17: {  	[tilespmem:s25], [sflag:$0x2] =	stream.linear.gather [hbm4b:s4+s5], $0x10, $0x38;
	[tilespmem:$0x8330] =	vst v63  }
0x18: {  	_ =	swait.ge [sflag:s21], $0x10  }
0x19: {  	[sflag:s21] =	ssyncset.done $0x0  }
0x1a: {  	[sflag:s21] =	ssyncadd.s32 $0xFFFFFFF0  }
0x1b: {  	v1 =	vld [tilespmem:$0x0];
	_ =	sdelay $0x4  }
0x1c: {  	v2 =	vshrl.u32 v1, $0x4  }
0x1d: {  	s26 =	simm.s32 $0x10;
	s28 =	simm.s32 $0x30;
	s29 =	simm.s32 $0x1;
	[tilespmem:$0x10] =	vst v2  }
0x1e: {  	v0 =	vld [tilespmem:$0x20];
	[tilespmem:s28], [sflag:$0x1] =	stream.indirect.gather [hbm4b:s7+s26], $0x10, s26, s26, $0xb8  }
0x1f: {  	_ =	swait.ge [sflag:s29], $0x100  }
0x20: {  	[sflag:s29] =	ssyncset.done $0x0  }
0x21: {  	v19 =	vimm.f32 $0.0e+00;
	[sflag:s29] =	ssyncadd.s32 $0xFFFFFF00  }
0x22: {  	[tilespmem:$0x130] =	vst v19  }
0x23: {  	[tilespmem:$0x140] =	vst v19  }
0x24: {  	[tilespmem:$0x150] =	vst v19  }
0x25: {  	[tilespmem:$0x160] =	vst v19  }
0x26: {  	[tilespmem:$0x170] =	vst v19  }
0x27: {  	[tilespmem:$0x180] =	vst v19  }
0x28: {  	[tilespmem:$0x190] =	vst v19  }
0x29: {  	[tilespmem:$0x1A0] =	vst v19  }
0x2a: {  	[tilespmem:$0x1B0] =	vst v19  }
0x2b: {  	[tilespmem:$0x1C0] =	vst v19  }
0x2c: {  	[tilespmem:$0x1D0] =	vst v19  }
0x2d: {  	[tilespmem:$0x1E0] =	vst v19  }
0x2e: {  	[tilespmem:$0x1F0] =	vst v19  }
0x2f: {  	[tilespmem:$0x200] =	vst v19  }
0x30: {  	[tilespmem:$0x210] =	vst v19  }
0x31: {  	s30 =	simm.s32 $0x130;
	[tilespmem:$0x220] =	vst v19  }
0x32: {  	[spmem:s6] =	stream.indirect.scatter [tilespmem:s30], [sflag:$0x2], $0x10, s26, s26, $0xb8;
	[tilespmem:$0x8330] =	vst v63  }
0x33: {  	_ =	swait.ge [sflag:s21], $0x100  }
0x34: {  	[sflag:s21] =	ssyncset.done $0x0  }
0x35: {  	vm0 =	vmmov $0x1;
	v2 =	vand.u32 $0xF, v1;
	[sflag:s21] =	ssyncadd.s32 $0xFFFFFF00  }
0x36: {  	v1 =	vnsel vm0, $0x0, v2;
	[bflag:$0x0] =	sbarrier.arrive $0xFFFF  }
0x37: {  	vm7 =	vcmask $0x308;
	v20 =	vnsel vm0, $0x0, v0;
	(xrf0) =	vadd.scan.msk.s32 $0xffff, v1  }
0x38: {  	v21 =	vsel vm7, $0x0, v2;
	(xrf2) =	vadd.scan.msk.f32 $0xffff, v20  }
0x39: {  	vm8 =	vcmask $0x70C;
	v22 =	vsel vm7, $0x0, v0;
	(xrf0) =	vadd.scan.msk.s32 $0xffff, v21  }
0x3a: {  	v23 =	vsel vm8, $0x0, v2;
	(xrf2) =	vadd.scan.msk.f32 $0xffff, v22  }
0x3b: {  	vm9 =	vcmask $0xB10;
	v24 =	vsel vm8, $0x0, v0;
	(xrf0) =	vadd.scan.msk.s32 $0xffff, v23  }
0x3c: {  	v25 =	vsel vm9, $0x0, v2;
	(xrf2) =	vadd.scan.msk.f32 $0xffff, v24  }
0x3d: {  	vm10 =	vcmask $0xF14;
	v26 =	vsel vm9, $0x0, v0;
	(xrf0) =	vadd.scan.msk.s32 $0xffff, v25  }
0x3e: {  	v27 =	vsel vm10, $0x0, v2;
	(xrf2) =	vadd.scan.msk.f32 $0xffff, v26  }
0x3f: {  	vm11 =	vcmask $0x1318;
	v28 =	vsel vm10, $0x0, v0;
	(xrf0) =	vadd.scan.msk.s32 $0xffff, v27  }
0x40: {  	v29 =	vsel vm11, $0x0, v2;
	(xrf2) =	vadd.scan.msk.f32 $0xffff, v28  }
0x41: {  	vm12 =	vcmask $0x171C;
	v30 =	vsel vm11, $0x0, v0;
	(xrf0) =	vadd.scan.msk.s32 $0xffff, v29;
	v3, _, _ =	vpop (xrf0)  }
0x42: {  	v31 =	vsel vm12, $0x0, v2;
	(xrf2) =	vadd.scan.msk.f32 $0xffff, v30;
	v5, _, _ =	vpop (xrf0)  }
0x43: {  	vm13 =	vcmask $0x1B20;
	v6 =	vsel vm12, $0x0, v0;
	(xrf0) =	vadd.scan.msk.s32 $0xffff, v31;
	v7, _, _ =	vpop (xrf0)  }
0x44: {  	vm14 =	vcmask $0x1F24;
	vm15 =	vcmask $0x2328;
	v32 =	vsel vm13, $0x0, v2;
	(xrf2) =	vadd.scan.msk.f32 $0xffff, v6;
	v33, _, _ =	vpop (xrf0)  }
0x45: {  	vm4 =	vcmask $0x272C;
	vm6 =	vcmask $0x2B30;
	v35 =	vsel vm14, $0x0, v2;
	(xrf0) =	vadd.scan.msk.s32 $0xffff, v32;
	v4, _, _ =	vpop (xrf2)  }
0x46: {  	v34 =	vsel vm13, $0x0, v0;
	v36 =	vsel vm14, $0x0, v0;
	v12 =	vsel vm15, $0x0, v0;
	(xrf0) =	vadd.scan.msk.s32 $0xffff, v35;
	v9, _, _ =	vpop (xrf0)  }
0x47: {  	v42 =	vsel vm4, $0x0, v0;
	v14 =	vsel vm6, $0x0, v0;
	v37 =	vsel vm15, $0x0, v2;
	(xrf2) =	vadd.scan.msk.f32 $0xffff, v34;
	v8, _, _ =	vpop (xrf2)  }
0x48: {  	v40 =	vsel vm4, $0x0, v2;
	v44 =	vsel vm6, $0x0, v2;
	vm7 =	vcmask $0x2F34;
	(xrf2) =	vadd.scan.msk.f32 $0xffff, v36;
	v39, _, _ =	vpop (xrf0)  }
0x49: {  	vm8 =	vcmask $0x3338;
	vm11 =	vcmask $0x373C;
	vm13 =	vmmov $0x7fff;
	(xrf0) =	vadd.scan.msk.s32 $0xffff, v37;
	v10, _, _ =	vpop (xrf2)  }
0x4a: {  	v45 =	vsel vm7, $0x0, v2;
	v48 =	vsel vm8, $0x0, v2;
	v15 =	vsel vm7, $0x0, v0;
	v11, _, _ =	vpop (xrf0);
	(xrf0) =	vadd.scan.msk.s32 $0xffff, v40  }
0x4b: {  	v54 =	vsel vm8, $0x0, v0;
	v56 =	vsel vm11, $0x0, v2;
	v59 =	vsel vm11, $0x0, v0;
	(xrf2) =	vadd.scan.msk.f32 $0xffff, v12;
	v41, _, _ =	vpop (xrf2)  }
0x4c: {  	v0 =	vsel vm13, $0x0, v0;
	v3 =	vbroadcast v3, $0xF;
	v5 =	vbroadcast v5, $0xF;
	(xrf2) =	vadd.scan.msk.f32 $0xffff, v42;
	v13, _, _ =	vpop (xrf0)  }
0x4d: {  	v2 =	vsel vm13, $0x0, v2;
	v1 =	vlaneseq.u32;
	v38 =	vbroadcast v7, $0xF;
	(xrf0) =	vadd.scan.msk.s32 $0xffff, v44;
	v43, _, _ =	vpop (xrf2)  }
0x4e: {  	vm1 =	veq.s32 v3, v1;
	vm2 =	veq.s32 v5, v1;
	v3 =	vbroadcast v33, $0xF;
	v47, _, _ =	vpop (xrf0);
	(xrf0) =	vadd.scan.msk.s32 $0xffff, v45  }
0x4f: {  	v4 =	vbroadcast v4, $0xF;
	vm5 =	veq.s32 v38, v1;
	v46 =	vbroadcast v9, $0xF;
	(xrf2) =	vadd.scan.msk.f32 $0xffff, v14;
	v53, _, _ =	vpop (xrf2)  }
0x50: {  	v8 =	vbroadcast v8, $0xF;
	vm9 =	veq.s32 v3, v1;
	v7 =	vbroadcast v39, $0xF;
	(xrf2) =	vadd.scan.msk.f32 $0xffff, v15;
	v55, _, _ =	vpop (xrf2)  }
0x51: {  	v4 =	vnsel vm1, $0x0, v4;
	v10 =	vbroadcast v10, $0xF;
	vm10 =	veq.s32 v46, v1;
	(xrf2) =	vadd.scan.msk.f32 $0xffff, v54;
	v50, _, _ =	vpop (xrf0)  }
0x52: {  	v57 =	vbroadcast v11, $0xF;
	v8 =	vnsel vm2, $0x0, v8;
	[tilespmem:$0x130] =	vst v4;
	(xrf0) =	vadd.scan.msk.s32 $0xffff, v48;
	v51, _, _ =	vpop (xrf0)  }
0x53: {  	v49 =	vbroadcast v41, $0xF;
	vm12 =	veq.s32 v7, v1;
	v61 =	vbroadcast v13, $0xF;
	v58, _, _ =	vpop (xrf0);
	(xrf0) =	vadd.scan.msk.s32 $0xffff, v56  }
0x54: {  	v10 =	vnsel vm5, $0x0, v10;
	v52 =	vbroadcast v43, $0xF;
	vm14 =	veq.s32 v57, v1;
	(xrf2) =	vadd.scan.msk.f32 $0xffff, v59;
	v16, _, _ =	vpop (xrf0)  }
0x55: {  	[tilespmem:$0x140] =	vst v8;
	v20 =	vbroadcast v47, $0xF;
	v3 =	vnsel vm9, $0x0, v49;
	v12 =	vbroadcast v53, $0xF;
	v17, _, _ =	vpop (xrf2)  }
0x56: {  	[tilespmem:$0x150] =	vst v10;
	vm15 =	veq.s32 v61, v1;
	v15 =	vbroadcast v55, $0xF;
	(xrf2) =	vadd.scan.msk.f32 $0xffff, v0;
	v18, _, _ =	vpop (xrf2)  }
0x57: {  	v4 =	vnsel vm10, $0x0, v52;
	[tilespmem:$0x160] =	vst v3;
	vm4 =	veq.s32 v20, v1;
	v22 =	vbroadcast v50, $0xF;
	v21, _, _ =	vpop (xrf2)  }
0x58: {  	v62 =	vnsel vm12, $0x0, v12;
	[tilespmem:$0x170] =	vst v4;
	v63 =	vnsel vm14, $0x0, v15;
	v26 =	vbroadcast v51, $0xF;
	v60, _, _ =	vpop (xrf0)  }
0x59: {  	vm5 =	veq.s32 v22, v1;
	v28 =	vbroadcast v58, $0xF;
	v19 =	vbroadcast v17, $0xF;
	v24, _, _ =	vpop (xrf0);
	(xrf0) =	vadd.scan.msk.s32 $0xffff, v2  }
0x5a: {  	[tilespmem:$0x180] =	vst v62;
	vm6 =	veq.s32 v26, v1;
	v31 =	vbroadcast v16, $0xF;
	v0 =	vbroadcast v18, $0xF;
	v25, _, _ =	vpop (xrf2)  }
0x5b: {  	[tilespmem:$0x190] =	vst v63;
	vm7 =	veq.s32 v28, v1;
	v3 =	vnsel vm15, $0x0, v19;
	v23 =	vbroadcast v21, $0xF;
	v27, _, _ =	vpop (xrf2)  }
0x5c: {  	vm8 =	veq.s32 v31, v1;
	v0 =	vnsel vm4, $0x0, v0;
	[tilespmem:$0x1A0] =	vst v3;
	v2 =	vbroadcast v25, $0xF;
	v29, _, _ =	vpop (xrf2)  }
0x5d: {  	v36 =	vbroadcast v60, $0xF;
	v5 =	vnsel vm5, $0x0, v23;
	v30 =	vbroadcast v27, $0xF;
	[tilespmem:$0x1B0] =	vst v0;
	v32, _, _ =	vpop (xrf2)  }
0x5e: {  	v34 =	vbroadcast v29, $0xF;
	[tilespmem:$0x1C0] =	vst v5;
	v39 =	vbroadcast v24, $0xF;
	v33 =	vnsel vm6, $0x0, v2;
	v35, _, _ =	vpop (xrf2)  }
0x5f: {  	vm9 =	veq.s32 v36, v1;
	v3 =	vnsel vm7, $0x0, v30;
	v38 =	vbroadcast v32, $0xF;
	[tilespmem:$0x1D0] =	vst v33;
	v40, _, _ =	vpop (xrf0)  }
0x60: {  	v37 =	vnsel vm8, $0x0, v34;
	[tilespmem:$0x1E0] =	vst v3;
	v41 =	vbroadcast v35, $0xF;
	v42, _, _ =	vpop (xrf2);
	v6 =	vbroadcast v40, $0xF  }
0x61: {  	vm10 =	veq.s32 v39, v1;
	[tilespmem:$0x1F0] =	vst v37;
	v43 =	vnsel vm9, $0x0, v38;
	v44 =	vbroadcast v42, $0xF  }
0x62: {  	[tilespmem:$0x200] =	vst v43;
	v45 =	vnsel vm10, $0x0, v41;
	vm11 =	veq.s32 v6, v1  }
0x63: {  	[tilespmem:$0x210] =	vst v45;
	v46 =	vnsel vm11, $0x0, v44  }
0x64: {  	[tilespmem:$0x220] =	vst v46  }
0x65: {  	[spmem:s6] =	stream.indirect.scatter.add.f32 [tilespmem:s30], [sflag:$0x2], $0x10, s26, s26, $0xb8;
	[tilespmem:$0x8330] =	vst v63  }
0x66: {  	_ =	swait.ge [sflag:s21], $0x100  }
0x67: {  	[sflag:s21] =	ssyncset.done $0x0  }
0x68: {  	[sflag:s21] =	ssyncadd.s32 $0xFFFFFF00  }
0x69: {  	s31 =	simm.s32 $0x230;
	[bflag:$0x0] =	sbarrier.arrive $0xFFFF  }
0x6a: {  	[tilespmem:s31], [sflag:$0x1] =	stream.indirect.gather [spmem:s6], $0x10, s26, s26, $0xb8;
	[tilespmem:$0x8330] =	vst v63  }
0x6b: {  	_ =	swait.ge [sflag:s29], $0x100  }
0x6c: {  	[sflag:s29] =	ssyncset.done $0x0  }
0x6d: {  	[sflag:s29] =	ssyncadd.s32 $0xFFFFFF00  }
0x6e: {  	v47 =	vld [tilespmem:$0x30]  }
0x6f: {  	v48 =	vld [tilespmem:$0x230]  }
0x70: {  	v49 =	vld [tilespmem:$0x40]  }
0x71: {  	v50 =	vld [tilespmem:$0x240]  }
0x72: {  	v51 =	vld [tilespmem:$0x50]  }
0x73: {  	v52 =	vld [tilespmem:$0x250]  }
0x74: {  	v53 =	vld [tilespmem:$0x60]  }
0x75: {  	v54 =	vld [tilespmem:$0x260]  }
0x76: {  	v55 =	vld [tilespmem:$0x70]  }
0x77: {  	v56 =	vld [tilespmem:$0x270]  }
0x78: {  	v57 =	vld [tilespmem:$0x80]  }
0x79: {  	v58 =	vld [tilespmem:$0x280]  }
0x7a: {  	v59 =	vld [tilespmem:$0x90]  }
0x7b: {  	v60 =	vld [tilespmem:$0x290]  }
0x7c: {  	v62 =	vld [tilespmem:$0xA0]  }
0x7d: {  	v63 =	vld [tilespmem:$0x2A0]  }
0x7e: {  	v17 =	vld [tilespmem:$0xB0];
	v61 =	vmul.f32 $1.100000020e+00, v47;
	vm12 =	vgt.f32 v48, $5.000000000e-01;
	v23 =	vmul.f32 $1.100000020e+00, v49  }
0x7f: {  	v19 =	vld [tilespmem:$0xC0];
	v24 =	vmul.f32 $1.100000020e+00, v51;
	vm13 =	vgt.f32 v50, $5.000000000e-01;
	v25 =	vmul.f32 $1.100000020e+00, v53  }
0x80: {  	v18 =	vld [tilespmem:$0x2B0];
	vm14 =	vgt.f32 v52, $5.000000000e-01;
	vm15 =	vgt.f32 v54, $5.000000000e-01;
	v28 =	vmul.f32 $1.100000020e+00, v55  }
0x81: {  	v27 =	vld [tilespmem:$0x2C0];
	v30 =	vmul.f32 $1.100000020e+00, v57;
	vm4 =	vgt.f32 v56, $5.000000000e-01;
	v32 =	vmul.f32 $1.100000020e+00, v59  }
0x82: {  	v29 =	vld [tilespmem:$0xD0];
	vm5 =	vgt.f32 v58, $5.000000000e-01;
	vm6 =	vgt.f32 v60, $5.000000000e-01;
	v36 =	vmul.f32 $1.100000020e+00, v62  }
0x83: {  	v31 =	vld [tilespmem:$0x2D0];
	v38 =	vmul.f32 $1.100000020e+00, v17;
	vm7 =	vgt.f32 v63, $5.000000000e-01;
	v14 =	vmin.f32 v61, $2.000000000e+00  }
0x84: {  	v37 =	vld [tilespmem:$0xF0];
	v41 =	vmul.f32 $1.100000020e+00, v19;
	v1 =	vmin.f32 v23, $2.000000000e+00;
	v0 =	vsel vm12, v14, v47  }
0x85: {  	v34 =	vld [tilespmem:$0x2E0];
	vm8 =	vgt.f32 v18, $5.000000000e-01;
	v26 =	vmin.f32 v24, $2.000000000e+00;
	v1 =	vsel vm13, v1, v49;
	[tilespmem:$0x30] =	vst v0  }
0x86: {  	v20 =	vld [tilespmem:$0xE0];
	vm9 =	vgt.f32 v27, $5.000000000e-01;
	v3 =	vmin.f32 v25, $2.000000000e+00;
	v2 =	vsel vm14, v26, v51;
	[tilespmem:$0x40] =	vst v1  }
0x87: {  	v39 =	vld [tilespmem:$0x2F0];
	v46 =	vmul.f32 $1.100000020e+00, v29;
	v7 =	vmin.f32 v28, $2.000000000e+00;
	v3 =	vsel vm15, v3, v53;
	[tilespmem:$0x50] =	vst v2  }
0x88: {  	v42 =	vld [tilespmem:$0x100];
	vm10 =	vgt.f32 v31, $5.000000000e-01;
	v4 =	vmin.f32 v30, $2.000000000e+00;
	v33 =	vsel vm4, v7, v55;
	[tilespmem:$0x60] =	vst v3  }
0x89: {  	v44 =	vld [tilespmem:$0x300];
	v52 =	vmul.f32 $1.100000020e+00, v37;
	v40 =	vmin.f32 v36, $2.000000000e+00;
	v4 =	vsel vm5, v4, v57;
	[tilespmem:$0x70] =	vst v33  }
0x8a: {  	v50 =	vld [tilespmem:$0x120];
	vm11 =	vgt.f32 v34, $5.000000000e-01;
	v45 =	vmin.f32 v41, $2.000000000e+00;
	v43 =	vsel vm7, v40, v62;
	[tilespmem:$0x80] =	vst v4  }
0x8b: {  	v35 =	vmin.f32 v32, $2.000000000e+00;
	v56 =	vmin.f32 v52, $2.000000000e+00;
	v47 =	vld [tilespmem:$0x110];
	v48 =	vsel vm9, v45, v19;
	[tilespmem:$0xA0] =	vst v43  }
0x8c: {  	v49 =	vmul.f32 $1.100000020e+00, v20;
	v51 =	vmin.f32 v46, $2.000000000e+00;
	v55 =	vld [tilespmem:$0x320];
	v1 =	vsel vm6, v35, v59;
	[tilespmem:$0xC0] =	vst v48  }
0x8d: {  	v53 =	vld [tilespmem:$0x310];
	vm12 =	vgt.f32 v39, $5.000000000e-01;
	v2 =	vmin.f32 v38, $2.000000000e+00;
	v0 =	vsel vm10, v51, v29;
	[tilespmem:$0x90] =	vst v1  }
0x8e: {  	v57 =	vmul.f32 $1.100000020e+00, v42;
	vm13 =	vgt.f32 v44, $5.000000000e-01;
	v2 =	vsel vm8, v2, v17;
	[tilespmem:$0xD0] =	vst v0  }
0x8f: {  	v54 =	vmin.f32 v49, $2.000000000e+00;
	v1 =	vsel vm12, v56, v37;
	v60 =	vmul.f32 $1.100000020e+00, v50;
	[tilespmem:$0xB0] =	vst v2  }
0x90: {  	v59 =	vmin.f32 v57, $2.000000000e+00;
	v2 =	vsel vm11, v54, v20;
	[tilespmem:$0xF0] =	vst v1;
	v58 =	vmul.f32 $1.100000020e+00, v47  }
0x91: {  	v61 =	vsel vm13, v59, v42;
	[tilespmem:$0xE0] =	vst v2;
	v62 =	vmin.f32 v60, $2.000000000e+00;
	vm15 =	vgt.f32 v55, $5.000000000e-01  }
0x92: {  	[tilespmem:$0x100] =	vst v61;
	vm14 =	vgt.f32 v53, $5.000000000e-01;
	v63 =	vsel vm15, v62, v50;
	v0 =	vmin.f32 v58, $2.000000000e+00  }
0x93: {  	[tilespmem:$0x120] =	vst v63;
	v0 =	vsel vm14, v0, v47  }
0x94: {  	[tilespmem:$0x110] =	vst v0  }
0x95: {  	[hbm4b:s1+s26] =	stream.indirect.scatter [tilespmem:s28], [sflag:$0x2], $0x10, s26, s26, $0xb8;
	[tilespmem:$0x8330] =	vst v63  }
0x96: {  	_ =	swait.ge [sflag:s21], $0x100  }
0x97: {  	[sflag:s21] =	ssyncset.done $0x0  }
0x98: {  	[sflag:s21] =	ssyncadd.s32 $0xFFFFFF00  }
.LBB2_2:
0x99: {  	_ =	sfence.sel $0x180000  }
0x9a: {  	[bflag:$0x0] =	sbarrier.arrive $0xFFFF  }
0x9b: {  	p0 =	sne.s32 s2, $0x0;
	_ =	strace $0x90000047  }
0x9c: {  	s0 =	sadd.s32 @!p0 $0x100000, s0;
	[bflag:$0x2] =	sbarrier.arrive $0xFFFF  }
0x9d: {  	[sflag:s0] =	ssyncadd.tile.s32 @!p0 $0x1;
	_ =	shalt  }
.Lfunc_end2:
_tile_overlayer_lowered:
.L_overlay_start_2:
0x9e: {  	(tag) =	ssettag $0x2  }
0x9f: {  	s0 =	rddreg [dreg:$0x0];
	s2 =	stileid.u32  }
0xa0: {  	s1 =	rddreg [dreg:$0x1];
	p0 =	sne.s32 s2, $0x0  }
0xa1: {  	s3 =	rddreg [dreg:$0x2];
	[bflag:$0x3] =	sbarrier.arrive $0xFFFF;
	s2 =	simm.s32 @!p0 $0x1C02  }
0xa2: {  	[timem:s3], [sflag:s2] =	dma.local @!p0 [hbm:s0], s1  }
0xa3: {  	s0 =	simm.s32 @!p0 $0x2  }
0xa4: {  	_ =	swait.ge @!p0 [sflag:s0], s1  }
0xa5: {  	s1 =	ssub.s32 @!p0 $0x0, s1;
	[sflag:s0] =	ssyncset.done @!p0 $0x0  }
0xa6: {  	[sflag:s0] =	ssyncadd.s32 @!p0 s1  }
0xa7: {  	[bflag:$0x3] =	sbarrier.arrive $0xFFFF  }
0xa8: {  	_ =	shalt  }

</sc_bundles>
